<compile_context>
chip_gen: v7x
topology: tpu7x:2x2x1
jax: 0.10.2.dev20260603
libtpu: 0.0.44.dev20260713+nightly
codegen_flags: <defaults>
</compile_context>

<pallas_src>
import functools
import jax
import jax.numpy as jnp
from jax import lax
from jax.experimental import pallas as pl
from jax.experimental.pallas import tpu as pltpu
from jax.experimental.pallas import tpu_sc as plsc

B, N, D = 16, 8192, 3
KC = 128
KNN = 64
QB = 8
NROWS = B * KC
NSUB = 32
RPW = NROWS // NSUB
NBKT = 2048
CAP = 512
L = 16
NCH = N // L
BIGKEY = 0x7FFFFFFF


def _fps_body(xt_ref, c_ref):
    X = xt_ref[0]
    Y = xt_ref[1]
    Z = xt_ref[2]
    iota = jax.lax.broadcasted_iota(jnp.int32, (B, N), 1)

    px = X[:, 0:1]
    py = Y[:, 0:1]
    pz = Z[:, 0:1]
    c_ref[0:1] = jnp.concatenate([px, py, pz], axis=1).reshape(1, B, 3)

    dists0 = jnp.full((B, N), jnp.inf, dtype=jnp.float32)

    def step(k, carry):
        dists, px, py, pz = carry
        d = (X - px) ** 2 + (Y - py) ** 2 + (Z - pz) ** 2
        dists = jnp.minimum(dists, d)
        m = jnp.max(dists, axis=1, keepdims=True)
        idx = jnp.min(jnp.where(dists == m, iota, N), axis=1, keepdims=True)
        onehot = iota == idx
        px = jnp.sum(jnp.where(onehot, X, 0.0), axis=1, keepdims=True)
        py = jnp.sum(jnp.where(onehot, Y, 0.0), axis=1, keepdims=True)
        pz = jnp.sum(jnp.where(onehot, Z, 0.0), axis=1, keepdims=True)
        c_ref[pl.ds(k, 1)] = jnp.concatenate([px, py, pz], axis=1).reshape(1, B, 3)
        return dists, px, py, pz

    jax.lax.fori_loop(1, KC, step, (dists0, px, py, pz))


def _keys_body(xt_ref, c_ref, k_ref):
    X = xt_ref[0, 0:1, :]
    Y = xt_ref[0, 1:2, :]
    Z = xt_ref[0, 2:3, :]
    cx = c_ref[0, :, 0:1]
    cy = c_ref[0, :, 1:2]
    cz = c_ref[0, :, 2:3]

    def rb(v):
        return v.astype(jnp.bfloat16).astype(jnp.float32)
    cn = cx * cx + cy * cy + cz * cz
    xn = X * X + Y * Y + Z * Z
    dot = rb(cx) * rb(X) + rb(cy) * rb(Y) + rb(cz) * rb(Z)
    d2 = cn + xn - 2.0 * dot

    s = jax.lax.bitcast_convert_type(d2, jnp.int32)
    m = jnp.right_shift(s, 31)
    k_ref[...] = s ^ (m & BIGKEY)


def _sc_select(keys_hbm, xt_hbm, c_hbm, p_hbm,
               xb0, xb1, xb2, cq0, cq1, cq2,
               keyb0, keyb1, hist, candk, candi, seli, outrow,
               sem0, sem1, semx):
    cid = lax.axis_index("c")
    sid = lax.axis_index("s")
    w = sid * 2 + cid
    b = w // 2
    q0 = (w % 2) * RPW
    r0 = b * KC + q0

    lanes = jax.lax.broadcasted_iota(jnp.int32, (L,), 0)
    ones16 = jnp.ones((L,), jnp.int32)

    pltpu.make_async_copy(xt_hbm.at[0, b], xb0, semx).start()
    pltpu.make_async_copy(xt_hbm.at[0, b], xb0, semx).wait()
    pltpu.make_async_copy(xt_hbm.at[1, b], xb1, semx).start()
    pltpu.make_async_copy(xt_hbm.at[1, b], xb1, semx).wait()
    pltpu.make_async_copy(xt_hbm.at[2, b], xb2, semx).start()
    pltpu.make_async_copy(xt_hbm.at[2, b], xb2, semx).wait()
    pltpu.make_async_copy(c_hbm.at[0, b, pl.ds(q0, RPW)], cq0, semx).start()
    pltpu.make_async_copy(c_hbm.at[0, b, pl.ds(q0, RPW)], cq0, semx).wait()
    pltpu.make_async_copy(c_hbm.at[1, b, pl.ds(q0, RPW)], cq1, semx).start()
    pltpu.make_async_copy(c_hbm.at[1, b, pl.ds(q0, RPW)], cq1, semx).wait()
    pltpu.make_async_copy(c_hbm.at[2, b, pl.ds(q0, RPW)], cq2, semx).start()
    pltpu.make_async_copy(c_hbm.at[2, b, pl.ds(q0, RPW)], cq2, semx).wait()

    pltpu.make_async_copy(keys_hbm.at[r0], keyb0, sem0).start()

    def process_row(jj, keyrow):
        def zstep(i, _):
            hist[pl.ds(i * L, L)] = jnp.zeros((L,), jnp.int32)
            return 0
        lax.fori_loop(0, NBKT // L, zstep, 0, unroll=8)

        def astep(i, mk):
            k = keyrow[pl.ds(i * L, L)]
            bkt = jnp.right_shift(k, 21) + 1024
            plsc.addupdate_scatter(hist, [bkt], ones16)
            return jnp.minimum(mk, k)
        mk = lax.fori_loop(0, NCH, astep, jnp.full((L,), BIGKEY), unroll=8)
        minkey = jnp.min(mk)
        gstart = jnp.right_shift(jnp.right_shift(minkey, 21) + 1024, 4)

        def wcond(c):
            return jnp.logical_not(c[2])

        def wbody(c):
            g, cum, _ = c
            sv = jnp.sum(hist[pl.ds(g * L, L)])
            hit = jnp.logical_or(cum + sv >= KNN, g >= NBKT // L - 1)
            return (jnp.where(hit, g, g + 1), jnp.where(hit, cum, cum + sv), hit)
        gstar, cumb, _ = lax.while_loop(
            wcond, wbody, (gstart, jnp.int32(0), False))
        vg = hist[pl.ds(gstar * L, L)]
        cin = plsc.cumsum(vg) + cumb
        crossed = cin >= KNN
        lane_b = jnp.min(jnp.where(crossed, lanes, jnp.int32(L)))
        bstar = gstar * L + jnp.minimum(lane_b, L - 1)

        def cstep(i, ptr_v):
            k = keyrow[pl.ds(i * L, L)]
            bkt = jnp.right_shift(k, 21) + 1024
            msk = bkt <= bstar
            pcv = plsc.all_reduce_population_count(msk)
            pos = ptr_v + plsc.cumsum(msk.astype(jnp.int32)) - 1
            msk = jnp.logical_and(msk, pos < CAP)
            plsc.store_scatter(candk, [pos], k, mask=msk)
            plsc.store_scatter(candi, [pos], i * L + lanes, mask=msk)
            return ptr_v + pcv
        ptr_v = lax.fori_loop(0, NCH, cstep, jnp.zeros((L,), jnp.int32),
                              unroll=4)
        ptr = jnp.minimum(jnp.min(ptr_v), jnp.int32(CAP))
        plsc.store_scatter(candk, [ptr + lanes], jnp.full((L,), BIGKEY))
        nv = jnp.right_shift(ptr + L - 1, 4)

        def e0(v, c):
            vm0, vm1 = c
            mv = jnp.min(candk[pl.ds(v * L, L)])
            vm0 = jnp.where(lanes == v, mv, vm0)
            vm1 = jnp.where(lanes == v - L, mv, vm1)
            return vm0, vm1
        vm = lax.fori_loop(0, nv, e0,
                           (jnp.full((L,), BIGKEY), jnp.full((L,), BIGKEY)))

        def estep(k, c):
            vm0, vm1 = c
            m = jnp.min(jnp.minimum(vm0, vm1))
            eq0 = vm0 == m
            f0 = plsc.all_reduce_ffs(eq0)
            f1 = plsc.all_reduce_ffs(vm1 == m)
            any0 = plsc.all_reduce_population_count(eq0)
            vstar = jnp.where(any0 > 0, f0, f1 + L)
            vstar_s = jnp.min(vstar)
            kv = candk[pl.ds(vstar_s * L, L)]
            iv = candi[pl.ds(vstar_s * L, L)]
            klane = plsc.all_reduce_ffs(kv == m)
            kill = lanes == klane
            kv2 = jnp.where(kill, jnp.int32(BIGKEY), kv)
            candk[pl.ds(vstar_s * L, L)] = kv2
            plsc.store_scatter(seli, [jnp.full((L,), k)], iv, mask=kill)
            nm = jnp.min(kv2)
            vm0 = jnp.where(lanes == vstar, nm, vm0)
            vm1 = jnp.where(lanes == vstar - L, nm, vm1)
            return vm0, vm1
        lax.fori_loop(0, KNN, estep, vm)

        cqx = plsc.load_gather(cq0, [jnp.full((L,), jj)])
        cqy = plsc.load_gather(cq1, [jnp.full((L,), jj)])
        cqz = plsc.load_gather(cq2, [jnp.full((L,), jj)])
        for g in range(KNN // L):
            idxv = seli[pl.ds(g * L, L)]
            pos = (g * L + lanes) * 3
            plsc.store_scatter(outrow, [pos],
                               plsc.load_gather(xb0, [idxv]) - cqx)
            plsc.store_scatter(outrow, [pos + 1],
                               plsc.load_gather(xb1, [idxv]) - cqy)
            plsc.store_scatter(outrow, [pos + 2],
                               plsc.load_gather(xb2, [idxv]) - cqz)
        pltpu.make_async_copy(outrow, p_hbm.at[r0 + jj], semx).start()
        pltpu.make_async_copy(outrow, p_hbm.at[r0 + jj], semx).wait()

    def rowpair(j2, _):
        jj0 = j2 * 2
        pltpu.make_async_copy(keys_hbm.at[r0 + jj0], keyb0, sem0).wait()

        @pl.when(jj0 + 1 < RPW)
        def _():
            pltpu.make_async_copy(keys_hbm.at[r0 + jj0 + 1], keyb1, sem1).start()
        process_row(jj0, keyb0)

        pltpu.make_async_copy(keys_hbm.at[r0 + jj0 + 1], keyb1, sem1).wait()

        @pl.when(jj0 + 2 < RPW)
        def _():
            pltpu.make_async_copy(keys_hbm.at[r0 + jj0 + 2], keyb0, sem0).start()
        process_row(jj0 + 1, keyb1)
        return 0

    lax.fori_loop(0, RPW // 2, rowpair, 0)


@jax.jit
def kernel(x):
    xt = jnp.transpose(x, (2, 0, 1))

    c_kb3 = pl.pallas_call(
        _fps_body,
        out_shape=jax.ShapeDtypeStruct((KC, B, 3), jnp.float32),
    )(xt)
    c = jnp.transpose(c_kb3, (1, 0, 2))

    nqb = KC // QB
    keys = pl.pallas_call(
        _keys_body,
        grid=(B, nqb),
        in_specs=[
            pl.BlockSpec((1, 3, N), lambda b, qb: (b, 0, 0)),
            pl.BlockSpec((1, QB, 3), lambda b, qb: (b, qb, 0)),
        ],
        out_specs=pl.BlockSpec((QB, N), lambda b, qb: (b * nqb + qb, 0)),
        out_shape=jax.ShapeDtypeStruct((NROWS, N), jnp.int32),
    )(jnp.transpose(x, (0, 2, 1)), c)

    c3bk = jnp.transpose(c_kb3, (2, 1, 0))

    mesh = plsc.VectorSubcoreMesh(core_axis_name="c", subcore_axis_name="s")
    sc = functools.partial(
        pl.kernel, mesh=mesh,
        out_type=jax.ShapeDtypeStruct((NROWS, KNN * 3), jnp.float32),
        scratch_types=[
            pltpu.VMEM((N,), jnp.float32),
            pltpu.VMEM((N,), jnp.float32),
            pltpu.VMEM((N,), jnp.float32),
            pltpu.VMEM((RPW,), jnp.float32),
            pltpu.VMEM((RPW,), jnp.float32),
            pltpu.VMEM((RPW,), jnp.float32),
            pltpu.VMEM((N,), jnp.int32),
            pltpu.VMEM((N,), jnp.int32),
            pltpu.VMEM((NBKT,), jnp.int32),
            pltpu.VMEM((CAP + L,), jnp.int32),
            pltpu.VMEM((CAP + L,), jnp.int32),
            pltpu.VMEM((KNN,), jnp.int32),
            pltpu.VMEM((KNN * 3,), jnp.float32),
            pltpu.SemaphoreType.DMA,
            pltpu.SemaphoreType.DMA,
            pltpu.SemaphoreType.DMA,
        ],
        compiler_params=pltpu.CompilerParams(needs_layout_passes=False),
    )(_sc_select)
    prows = sc(keys, xt, c3bk)

    p = prows.reshape(B, KC, KNN, 3)
    return (p, c)

# --- scband reference (transcript-rebuilt; emitter-appended) ---
"""Pipeline reference for scband-group-fps-73512660238513 (READ-ONLY COPY).

The authoritative reference and input builder live on the scoring server;
editing this copy changes nothing except your own understanding.
"""

import jax, jax.numpy as jnp
import numpy as np

PATCH_SIZE = 64
TRUE_PATCH_SIZE = 64


def sample_farthest_points(x, K):
    # x: [B, N, D]; deterministic start at index 0 (pytorch3d default random_start_point=False)
    B, N, D = x.shape
    first = x[:, 0, :]
    dists0 = jnp.full((B, N), jnp.inf, dtype=x.dtype)

    def step(carry, _):
        dists, last = carry
        d = jnp.sum((x - last[:, None, :]) ** 2, axis=-1)
        dists = jnp.minimum(dists, d)
        idx = jnp.argmax(dists, axis=-1)
        nxt = jnp.take_along_axis(x, idx[:, None, None], axis=1)[:, 0, :]
        return (dists, nxt), nxt

    (_, _), rest = jax.lax.scan(step, (dists0, first), None, length=K - 1)
    rest = jnp.transpose(rest, (1, 0, 2))  # [B, K-1, D]
    return jnp.concatenate([first[:, None, :], rest], axis=1)


def knn_points(c, x, K):
    # squared distances, sorted ascending (return_sorted=True)
    d2 = (jnp.sum(c ** 2, axis=-1)[:, :, None]
          + jnp.sum(x ** 2, axis=-1)[:, None, :]
          - 2.0 * jnp.einsum('bqd,bnd->bqn', c, x))
    neg, idx = jax.lax.top_k(-d2, K)
    nn = jax.vmap(lambda xb, ib: xb[ib])(x, idx)
    return -neg, idx, nn


def setup_inputs(seed: int = 0) -> dict:
    key = jax.random.key(seed)
    x = jax.random.normal(key, (16, 8192, 3), dtype=jnp.float32)
    return {"x": x}


def reference(x):
    s = x.shape
    xf = x.reshape(-1, s[-2], s[-1])
    Kc = xf.shape[-2] // PATCH_SIZE
    c = sample_farthest_points(xf, Kc)
    _, nn_idx, p = knn_points(c, xf, TRUE_PATCH_SIZE)
    c = c.reshape(*s[:-2], *c.shape[1:])
    p = p.reshape(*s[:-2], *p.shape[1:])
    # sub=True
    p = p - c[..., None, :]
    return (p, c)

if __name__ == "__main__":
    import jax
    _d = setup_inputs()
    print(jax.jit(kernel)(*tuple(_d.values())))

</pallas_src>

<mosaic_0001>
#map = affine_map<(d0, d1) -> (0, 0)>
#map1 = affine_map<(d0, d1) -> (0, 0, 0)>
module attributes {stable_mosaic.version = 14 : i64} {
  func.func @_sc_select(%arg0: i32, %arg1: i32, %arg2: memref<2048x8192xi32, #tpu.memory_space<hbm>>, %arg3: memref<3x16x8192xf32, #tpu.memory_space<hbm>>, %arg4: memref<3x16x128xf32, #tpu.memory_space<hbm>>, %arg5: memref<2048x192xf32, #tpu.memory_space<hbm>>, %arg6: memref<8192xf32, #tpu.memory_space<vmem>>, %arg7: memref<8192xf32, #tpu.memory_space<vmem>>, %arg8: memref<8192xf32, #tpu.memory_space<vmem>>, %arg9: memref<64xf32, #tpu.memory_space<vmem>>, %arg10: memref<64xf32, #tpu.memory_space<vmem>>, %arg11: memref<64xf32, #tpu.memory_space<vmem>>, %arg12: memref<8192xi32, #tpu.memory_space<vmem>>, %arg13: memref<8192xi32, #tpu.memory_space<vmem>>, %arg14: memref<2048xi32, #tpu.memory_space<vmem>>, %arg15: memref<528xi32, #tpu.memory_space<vmem>>, %arg16: memref<528xi32, #tpu.memory_space<vmem>>, %arg17: memref<64xi32, #tpu.memory_space<vmem>>, %arg18: memref<192xf32, #tpu.memory_space<vmem>>, %arg19: memref<!tpu.dma_semaphore, #tpu.memory_space<semaphore_mem>>, %arg20: memref<!tpu.dma_semaphore, #tpu.memory_space<semaphore_mem>>, %arg21: memref<!tpu.dma_semaphore, #tpu.memory_space<semaphore_mem>>) attributes {dimension_semantics = [#tpu.dimension_semantics<core_parallel>, #tpu.dimension_semantics<subcore_parallel>], iteration_bounds = array<i64: 2, 16>, scalar_prefetch = 0 : i64, scratch_operands = 16 : i64, tpu.core_type = #tpu.core_type<sc_vector_subcore>, window_params = [{transform_indices = #map}, {transform_indices = #map1}, {transform_indices = #map1}, {transform_indices = #map}]} {
    %mul3A = arith.constant 2 : i32
    %mul3A_0 = arith.muli %arg1, %mul3A : i32
    %add3A = arith.addi %mul3A_0, %arg0 : i32
    %jit3A = arith.constant 2 : i32
    %div3A = arith.divsi %add3A, %jit3A : i32
    %sign3A = arith.constant 0 : i32
    %sign3A_1 = arith.cmpi sgt, %add3A, %sign3A : i32
    %sign3A_2 = arith.extui %sign3A_1 : i1 to i32
    %sign3A_3 = arith.constant 0 : i32
    %sign3A_4 = arith.cmpi slt, %add3A, %sign3A_3 : i32
    %sign3A_5 = arith.extui %sign3A_4 : i1 to i32
    %sign3A_6 = arith.subi %sign3A_2, %sign3A_5 : i32
    %sign3A_7 = arith.constant 0 : i32
    %sign3A_8 = arith.cmpi sgt, %jit3A, %sign3A_7 : i32
    %sign3A_9 = arith.extui %sign3A_8 : i1 to i32
    %sign3A_10 = arith.constant 0 : i32
    %sign3A_11 = arith.cmpi slt, %jit3A, %sign3A_10 : i32
    %sign3A_12 = arith.extui %sign3A_11 : i1 to i32
    %sign3A_13 = arith.subi %sign3A_9, %sign3A_12 : i32
    %ne3A = arith.cmpi ne, %sign3A_6, %sign3A_13 : i32
    %rem3A = arith.remsi %add3A, %jit3A : i32
    %ne3A_14 = arith.constant 0 : i32
    %ne3A_15 = arith.cmpi ne, %rem3A, %ne3A_14 : i32
    %and3A = arith.andi %ne3A, %ne3A_15 : i1
    %sub3A = arith.constant 1 : i32
    %sub3A_16 = arith.subi %div3A, %sub3A : i32
    %select_n3A = arith.select %and3A, %sub3A_16, %div3A : i32
    %jit3A_17 = arith.constant 2 : i32
    %eq3A = arith.constant 0 : i32
    %eq3A_18 = arith.cmpi eq, %jit3A_17, %eq3A : i32
    %jit3A_19 = arith.constant 1 : i32
    %select_n3A_20 = arith.select %eq3A_18, %jit3A_19, %jit3A_17 : i32
    %rem3A_21 = arith.remsi %add3A, %select_n3A_20 : i32
    %ne3A_22 = arith.constant 0 : i32
    %ne3A_23 = arith.cmpi ne, %rem3A_21, %ne3A_22 : i32
    %lt3A = arith.constant 0 : i32
    %lt3A_24 = arith.cmpi slt, %rem3A_21, %lt3A : i32
    %lt3A_25 = arith.constant 0 : i32
    %lt3A_26 = arith.cmpi slt, %select_n3A_20, %lt3A_25 : i32
    %ne3A_27 = arith.xori %lt3A_24, %lt3A_26 : i1
    %and3A_28 = arith.andi %ne3A_27, %ne3A_23 : i1
    %add3A_29 = arith.addi %rem3A_21, %select_n3A_20 : i32
    %select_n3A_30 = arith.select %and3A_28, %add3A_29, %rem3A_21 : i32
    %mul3A_31 = arith.constant 64 : i32
    %mul3A_32 = arith.muli %select_n3A_30, %mul3A_31 : i32
    %mul3A_33 = arith.constant 128 : i32
    %mul3A_34 = arith.muli %select_n3A, %mul3A_33 : i32
    %add3A_35 = arith.addi %mul3A_34, %mul3A_32 : i32
    %iota3A = tpu.iota {dimensions = array<i32: 0>} : vector<16xi32>
    %broadcast_in_dim3A = arith.constant 1 : i32
    %broadcast_in_dim3A_36 = vector.broadcast %broadcast_in_dim3A : i32 to vector<16xi32>
    %dma_start3A = arith.constant 0 : i32
    %dma_start3A_37 = arith.constant 0 : i32
    %dma_start3A_38 = tpu.memref_slice %arg3[%dma_start3A, %select_n3A, %dma_start3A_37] : memref<3x16x8192xf32, #tpu.memory_space<hbm>> -> memref<1x1x8192xf32, #tpu.memory_space<hbm>>
    %dma_start3A_39 = tpu.memref_squeeze %dma_start3A_38 : memref<1x1x8192xf32, #tpu.memory_space<hbm>> -> memref<8192xf32, #tpu.memory_space<hbm>>
    %dma_start3A_40 = arith.constant 0 : i32
    %dma_start3A_41 = tpu.memref_slice %arg3[%dma_start3A, %select_n3A, %dma_start3A_40] : memref<3x16x8192xf32, #tpu.memory_space<hbm>> -> memref<1x1x8192xf32, #tpu.memory_space<hbm>>
    %dma_start3A_42 = tpu.memref_squeeze %dma_start3A_41 : memref<1x1x8192xf32, #tpu.memory_space<hbm>> -> memref<8192xf32, #tpu.memory_space<hbm>>
    tpu.enqueue_dma source(%dma_start3A_42 : memref<8192xf32, #tpu.memory_space<hbm>>) target(%arg6 : memref<8192xf32, #tpu.memory_space<vmem>>) target_semaphore(%arg21 : memref<!tpu.dma_semaphore, #tpu.memory_space<semaphore_mem>>)
    %dma_wait3A = arith.constant 0 : i32
    %dma_wait3A_43 = arith.constant 0 : i32
    %dma_wait3A_44 = tpu.memref_slice %arg3[%dma_wait3A, %select_n3A, %dma_wait3A_43] : memref<3x16x8192xf32, #tpu.memory_space<hbm>> -> memref<1x1x8192xf32, #tpu.memory_space<hbm>>
    %dma_wait3A_45 = tpu.memref_squeeze %dma_wait3A_44 : memref<1x1x8192xf32, #tpu.memory_space<hbm>> -> memref<8192xf32, #tpu.memory_space<hbm>>
    %dma_wait3A_46 = arith.constant 0 : i32
    %dma_wait3A_47 = tpu.memref_slice %arg3[%dma_wait3A, %select_n3A, %dma_wait3A_46] : memref<3x16x8192xf32, #tpu.memory_space<hbm>> -> memref<1x1x8192xf32, #tpu.memory_space<hbm>>
    %dma_wait3A_48 = tpu.memref_squeeze %dma_wait3A_47 : memref<1x1x8192xf32, #tpu.memory_space<hbm>> -> memref<8192xf32, #tpu.memory_space<hbm>>
    tpu.wait_dma2 semaphore(%arg21 : memref<!tpu.dma_semaphore, #tpu.memory_space<semaphore_mem>>) src(%dma_wait3A_48 : memref<8192xf32, #tpu.memory_space<hbm>>) dst(%arg6 : memref<8192xf32, #tpu.memory_space<vmem>>)
    %dma_start3A_49 = arith.constant 1 : i32
    %dma_start3A_50 = arith.constant 0 : i32
    %dma_start3A_51 = tpu.memref_slice %arg3[%dma_start3A_49, %select_n3A, %dma_start3A_50] : memref<3x16x8192xf32, #tpu.memory_space<hbm>> -> memref<1x1x8192xf32, #tpu.memory_space<hbm>>
    %dma_start3A_52 = tpu.memref_squeeze %dma_start3A_51 : memref<1x1x8192xf32, #tpu.memory_space<hbm>> -> memref<8192xf32, #tpu.memory_space<hbm>>
    %dma_start3A_53 = arith.constant 0 : i32
    %dma_start3A_54 = tpu.memref_slice %arg3[%dma_start3A_49, %select_n3A, %dma_start3A_53] : memref<3x16x8192xf32, #tpu.memory_space<hbm>> -> memref<1x1x8192xf32, #tpu.memory_space<hbm>>
    %dma_start3A_55 = tpu.memref_squeeze %dma_start3A_54 : memref<1x1x8192xf32, #tpu.memory_space<hbm>> -> memref<8192xf32, #tpu.memory_space<hbm>>
    tpu.enqueue_dma source(%dma_start3A_55 : memref<8192xf32, #tpu.memory_space<hbm>>) target(%arg7 : memref<8192xf32, #tpu.memory_space<vmem>>) target_semaphore(%arg21 : memref<!tpu.dma_semaphore, #tpu.memory_space<semaphore_mem>>)
    %dma_wait3A_56 = arith.constant 1 : i32
    %dma_wait3A_57 = arith.constant 0 : i32
    %dma_wait3A_58 = tpu.memref_slice %arg3[%dma_wait3A_56, %select_n3A, %dma_wait3A_57] : memref<3x16x8192xf32, #tpu.memory_space<hbm>> -> memref<1x1x8192xf32, #tpu.memory_space<hbm>>
    %dma_wait3A_59 = tpu.memref_squeeze %dma_wait3A_58 : memref<1x1x8192xf32, #tpu.memory_space<hbm>> -> memref<8192xf32, #tpu.memory_space<hbm>>
    %dma_wait3A_60 = arith.constant 0 : i32
    %dma_wait3A_61 = tpu.memref_slice %arg3[%dma_wait3A_56, %select_n3A, %dma_wait3A_60] : memref<3x16x8192xf32, #tpu.memory_space<hbm>> -> memref<1x1x8192xf32, #tpu.memory_space<hbm>>
    %dma_wait3A_62 = tpu.memref_squeeze %dma_wait3A_61 : memref<1x1x8192xf32, #tpu.memory_space<hbm>> -> memref<8192xf32, #tpu.memory_space<hbm>>
    tpu.wait_dma2 semaphore(%arg21 : memref<!tpu.dma_semaphore, #tpu.memory_space<semaphore_mem>>) src(%dma_wait3A_62 : memref<8192xf32, #tpu.memory_space<hbm>>) dst(%arg7 : memref<8192xf32, #tpu.memory_space<vmem>>)
    %dma_start3A_63 = arith.constant 2 : i32
    %dma_start3A_64 = arith.constant 0 : i32
    %dma_start3A_65 = tpu.memref_slice %arg3[%dma_start3A_63, %select_n3A, %dma_start3A_64] : memref<3x16x8192xf32, #tpu.memory_space<hbm>> -> memref<1x1x8192xf32, #tpu.memory_space<hbm>>
    %dma_start3A_66 = tpu.memref_squeeze %dma_start3A_65 : memref<1x1x8192xf32, #tpu.memory_space<hbm>> -> memref<8192xf32, #tpu.memory_space<hbm>>
    %dma_start3A_67 = arith.constant 0 : i32
    %dma_start3A_68 = tpu.memref_slice %arg3[%dma_start3A_63, %select_n3A, %dma_start3A_67] : memref<3x16x8192xf32, #tpu.memory_space<hbm>> -> memref<1x1x8192xf32, #tpu.memory_space<hbm>>
    %dma_start3A_69 = tpu.memref_squeeze %dma_start3A_68 : memref<1x1x8192xf32, #tpu.memory_space<hbm>> -> memref<8192xf32, #tpu.memory_space<hbm>>
    tpu.enqueue_dma source(%dma_start3A_69 : memref<8192xf32, #tpu.memory_space<hbm>>) target(%arg8 : memref<8192xf32, #tpu.memory_space<vmem>>) target_semaphore(%arg21 : memref<!tpu.dma_semaphore, #tpu.memory_space<semaphore_mem>>)
    %dma_wait3A_70 = arith.constant 2 : i32
    %dma_wait3A_71 = arith.constant 0 : i32
    %dma_wait3A_72 = tpu.memref_slice %arg3[%dma_wait3A_70, %select_n3A, %dma_wait3A_71] : memref<3x16x8192xf32, #tpu.memory_space<hbm>> -> memref<1x1x8192xf32, #tpu.memory_space<hbm>>
    %dma_wait3A_73 = tpu.memref_squeeze %dma_wait3A_72 : memref<1x1x8192xf32, #tpu.memory_space<hbm>> -> memref<8192xf32, #tpu.memory_space<hbm>>
    %dma_wait3A_74 = arith.constant 0 : i32
    %dma_wait3A_75 = tpu.memref_slice %arg3[%dma_wait3A_70, %select_n3A, %dma_wait3A_74] : memref<3x16x8192xf32, #tpu.memory_space<hbm>> -> memref<1x1x8192xf32, #tpu.memory_space<hbm>>
    %dma_wait3A_76 = tpu.memref_squeeze %dma_wait3A_75 : memref<1x1x8192xf32, #tpu.memory_space<hbm>> -> memref<8192xf32, #tpu.memory_space<hbm>>
    tpu.wait_dma2 semaphore(%arg21 : memref<!tpu.dma_semaphore, #tpu.memory_space<semaphore_mem>>) src(%dma_wait3A_76 : memref<8192xf32, #tpu.memory_space<hbm>>) dst(%arg8 : memref<8192xf32, #tpu.memory_space<vmem>>)
    %dma_start3A_77 = arith.constant 0 : i32
    %dma_start3A_78 = tpu.memref_slice %arg4[%dma_start3A_77, %select_n3A, %mul3A_32] : memref<3x16x128xf32, #tpu.memory_space<hbm>> -> memref<1x1x64xf32, #tpu.memory_space<hbm>>
    %dma_start3A_79 = tpu.memref_squeeze %dma_start3A_78 : memref<1x1x64xf32, #tpu.memory_space<hbm>> -> memref<64xf32, #tpu.memory_space<hbm>>
    %dma_start3A_80 = tpu.memref_slice %arg4[%dma_start3A_77, %select_n3A, %mul3A_32] : memref<3x16x128xf32, #tpu.memory_space<hbm>> -> memref<1x1x64xf32, #tpu.memory_space<hbm>>
    %dma_start3A_81 = tpu.memref_squeeze %dma_start3A_80 : memref<1x1x64xf32, #tpu.memory_space<hbm>> -> memref<64xf32, #tpu.memory_space<hbm>>
    tpu.enqueue_dma source(%dma_start3A_81 : memref<64xf32, #tpu.memory_space<hbm>>) target(%arg9 : memref<64xf32, #tpu.memory_space<vmem>>) target_semaphore(%arg21 : memref<!tpu.dma_semaphore, #tpu.memory_space<semaphore_mem>>)
    %dma_wait3A_82 = arith.constant 0 : i32
    %dma_wait3A_83 = tpu.memref_slice %arg4[%dma_wait3A_82, %select_n3A, %mul3A_32] : memref<3x16x128xf32, #tpu.memory_space<hbm>> -> memref<1x1x64xf32, #tpu.memory_space<hbm>>
    %dma_wait3A_84 = tpu.memref_squeeze %dma_wait3A_83 : memref<1x1x64xf32, #tpu.memory_space<hbm>> -> memref<64xf32, #tpu.memory_space<hbm>>
    %dma_wait3A_85 = tpu.memref_slice %arg4[%dma_wait3A_82, %select_n3A, %mul3A_32] : memref<3x16x128xf32, #tpu.memory_space<hbm>> -> memref<1x1x64xf32, #tpu.memory_space<hbm>>
    %dma_wait3A_86 = tpu.memref_squeeze %dma_wait3A_85 : memref<1x1x64xf32, #tpu.memory_space<hbm>> -> memref<64xf32, #tpu.memory_space<hbm>>
    tpu.wait_dma2 semaphore(%arg21 : memref<!tpu.dma_semaphore, #tpu.memory_space<semaphore_mem>>) src(%dma_wait3A_86 : memref<64xf32, #tpu.memory_space<hbm>>) dst(%arg9 : memref<64xf32, #tpu.memory_space<vmem>>)
    %dma_start3A_87 = arith.constant 1 : i32
    %dma_start3A_88 = tpu.memref_slice %arg4[%dma_start3A_87, %select_n3A, %mul3A_32] : memref<3x16x128xf32, #tpu.memory_space<hbm>> -> memref<1x1x64xf32, #tpu.memory_space<hbm>>
    %dma_start3A_89 = tpu.memref_squeeze %dma_start3A_88 : memref<1x1x64xf32, #tpu.memory_space<hbm>> -> memref<64xf32, #tpu.memory_space<hbm>>
    %dma_start3A_90 = tpu.memref_slice %arg4[%dma_start3A_87, %select_n3A, %mul3A_32] : memref<3x16x128xf32, #tpu.memory_space<hbm>> -> memref<1x1x64xf32, #tpu.memory_space<hbm>>
    %dma_start3A_91 = tpu.memref_squeeze %dma_start3A_90 : memref<1x1x64xf32, #tpu.memory_space<hbm>> -> memref<64xf32, #tpu.memory_space<hbm>>
    tpu.enqueue_dma source(%dma_start3A_91 : memref<64xf32, #tpu.memory_space<hbm>>) target(%arg10 : memref<64xf32, #tpu.memory_space<vmem>>) target_semaphore(%arg21 : memref<!tpu.dma_semaphore, #tpu.memory_space<semaphore_mem>>)
    %dma_wait3A_92 = arith.constant 1 : i32
    %dma_wait3A_93 = tpu.memref_slice %arg4[%dma_wait3A_92, %select_n3A, %mul3A_32] : memref<3x16x128xf32, #tpu.memory_space<hbm>> -> memref<1x1x64xf32, #tpu.memory_space<hbm>>
    %dma_wait3A_94 = tpu.memref_squeeze %dma_wait3A_93 : memref<1x1x64xf32, #tpu.memory_space<hbm>> -> memref<64xf32, #tpu.memory_space<hbm>>
    %dma_wait3A_95 = tpu.memref_slice %arg4[%dma_wait3A_92, %select_n3A, %mul3A_32] : memref<3x16x128xf32, #tpu.memory_space<hbm>> -> memref<1x1x64xf32, #tpu.memory_space<hbm>>
    %dma_wait3A_96 = tpu.memref_squeeze %dma_wait3A_95 : memref<1x1x64xf32, #tpu.memory_space<hbm>> -> memref<64xf32, #tpu.memory_space<hbm>>
    tpu.wait_dma2 semaphore(%arg21 : memref<!tpu.dma_semaphore, #tpu.memory_space<semaphore_mem>>) src(%dma_wait3A_96 : memref<64xf32, #tpu.memory_space<hbm>>) dst(%arg10 : memref<64xf32, #tpu.memory_space<vmem>>)
    %dma_start3A_97 = arith.constant 2 : i32
    %dma_start3A_98 = tpu.memref_slice %arg4[%dma_start3A_97, %select_n3A, %mul3A_32] : memref<3x16x128xf32, #tpu.memory_space<hbm>> -> memref<1x1x64xf32, #tpu.memory_space<hbm>>
    %dma_start3A_99 = tpu.memref_squeeze %dma_start3A_98 : memref<1x1x64xf32, #tpu.memory_space<hbm>> -> memref<64xf32, #tpu.memory_space<hbm>>
    %dma_start3A_100 = tpu.memref_slice %arg4[%dma_start3A_97, %select_n3A, %mul3A_32] : memref<3x16x128xf32, #tpu.memory_space<hbm>> -> memref<1x1x64xf32, #tpu.memory_space<hbm>>
    %dma_start3A_101 = tpu.memref_squeeze %dma_start3A_100 : memref<1x1x64xf32, #tpu.memory_space<hbm>> -> memref<64xf32, #tpu.memory_space<hbm>>
    tpu.enqueue_dma source(%dma_start3A_101 : memref<64xf32, #tpu.memory_space<hbm>>) target(%arg11 : memref<64xf32, #tpu.memory_space<vmem>>) target_semaphore(%arg21 : memref<!tpu.dma_semaphore, #tpu.memory_space<semaphore_mem>>)
    %dma_wait3A_102 = arith.constant 2 : i32
    %dma_wait3A_103 = tpu.memref_slice %arg4[%dma_wait3A_102, %select_n3A, %mul3A_32] : memref<3x16x128xf32, #tpu.memory_space<hbm>> -> memref<1x1x64xf32, #tpu.memory_space<hbm>>
    %dma_wait3A_104 = tpu.memref_squeeze %dma_wait3A_103 : memref<1x1x64xf32, #tpu.memory_space<hbm>> -> memref<64xf32, #tpu.memory_space<hbm>>
    %dma_wait3A_105 = tpu.memref_slice %arg4[%dma_wait3A_102, %select_n3A, %mul3A_32] : memref<3x16x128xf32, #tpu.memory_space<hbm>> -> memref<1x1x64xf32, #tpu.memory_space<hbm>>
    %dma_wait3A_106 = tpu.memref_squeeze %dma_wait3A_105 : memref<1x1x64xf32, #tpu.memory_space<hbm>> -> memref<64xf32, #tpu.memory_space<hbm>>
    tpu.wait_dma2 semaphore(%arg21 : memref<!tpu.dma_semaphore, #tpu.memory_space<semaphore_mem>>) src(%dma_wait3A_106 : memref<64xf32, #tpu.memory_space<hbm>>) dst(%arg11 : memref<64xf32, #tpu.memory_space<vmem>>)
    %dma_start3A_107 = arith.constant 0 : i32
    %dma_start3A_108 = tpu.memref_slice %arg2[%add3A_35, %dma_start3A_107] : memref<2048x8192xi32, #tpu.memory_space<hbm>> -> memref<1x8192xi32, #tpu.memory_space<hbm>>
    %dma_start3A_109 = tpu.memref_squeeze %dma_start3A_108 : memref<1x8192xi32, #tpu.memory_space<hbm>> -> memref<8192xi32, #tpu.memory_space<hbm>>
    %dma_start3A_110 = arith.constant 0 : i32
    %dma_start3A_111 = tpu.memref_slice %arg2[%add3A_35, %dma_start3A_110] : memref<2048x8192xi32, #tpu.memory_space<hbm>> -> memref<1x8192xi32, #tpu.memory_space<hbm>>
    %dma_start3A_112 = tpu.memref_squeeze %dma_start3A_111 : memref<1x8192xi32, #tpu.memory_space<hbm>> -> memref<8192xi32, #tpu.memory_space<hbm>>
    tpu.enqueue_dma source(%dma_start3A_112 : memref<8192xi32, #tpu.memory_space<hbm>>) target(%arg12 : memref<8192xi32, #tpu.memory_space<vmem>>) target_semaphore(%arg19 : memref<!tpu.dma_semaphore, #tpu.memory_space<semaphore_mem>>)
    %scan3A = arith.constant 0 : i32
    %scan3A_113 = arith.constant 0 : i32
    %scan3A_114 = arith.constant 32 : i32
    %scan3A_115 = arith.addi %scan3A_113, %scan3A_114 : i32
    %scan3A_116 = arith.constant 1 : i32
    %scan3A_117 = scf.for %scan3A_119 = %scan3A_113 to %scan3A_115 step %scan3A_116 iter_args(%scan3A_120 = %scan3A) -> (i32)  : i32 {
      %mul3A_121 = arith.constant 2 : i32
      %mul3A_122 = arith.muli %scan3A_119, %mul3A_121 : i32
      %add3A_123 = arith.addi %add3A_35, %mul3A_122 : i32
      %dma_wait3A_124 = arith.constant 0 : i32
      %dma_wait3A_125 = tpu.memref_slice %arg2[%add3A_123, %dma_wait3A_124] : memref<2048x8192xi32, #tpu.memory_space<hbm>> -> memref<1x8192xi32, #tpu.memory_space<hbm>>
      %dma_wait3A_126 = tpu.memref_squeeze %dma_wait3A_125 : memref<1x8192xi32, #tpu.memory_space<hbm>> -> memref<8192xi32, #tpu.memory_space<hbm>>
      %dma_wait3A_127 = arith.constant 0 : i32
      %dma_wait3A_128 = tpu.memref_slice %arg2[%add3A_123, %dma_wait3A_127] : memref<2048x8192xi32, #tpu.memory_space<hbm>> -> memref<1x8192xi32, #tpu.memory_space<hbm>>
      %dma_wait3A_129 = tpu.memref_squeeze %dma_wait3A_128 : memref<1x8192xi32, #tpu.memory_space<hbm>> -> memref<8192xi32, #tpu.memory_space<hbm>>
      tpu.wait_dma2 semaphore(%arg19 : memref<!tpu.dma_semaphore, #tpu.memory_space<semaphore_mem>>) src(%dma_wait3A_129 : memref<8192xi32, #tpu.memory_space<hbm>>) dst(%arg12 : memref<8192xi32, #tpu.memory_space<vmem>>)
      %add3A_130 = arith.constant 1 : i32
      %add3A_131 = arith.addi %mul3A_122, %add3A_130 : i32
      %lt3A_132 = arith.constant 64 : i32
      %lt3A_133 = arith.cmpi slt, %add3A_131, %lt3A_132 : i32
      %convert_element_type3A = arith.extui %lt3A_133 : i1 to i32
      %cond3A = arith.constant 0 : i32
      %cond3A_134 = arith.cmpi ne, %convert_element_type3A, %cond3A : i32
      scf.if %cond3A_134 {
        %add3A_564 = arith.addi %add3A_35, %mul3A_122 : i32
        %add3A_565 = arith.constant 1 : i32
        %add3A_566 = arith.addi %add3A_564, %add3A_565 : i32
        %dma_start3A_567 = arith.constant 0 : i32
        %dma_start3A_568 = tpu.memref_slice %arg2[%add3A_566, %dma_start3A_567] : memref<2048x8192xi32, #tpu.memory_space<hbm>> -> memref<1x8192xi32, #tpu.memory_space<hbm>>
        %dma_start3A_569 = tpu.memref_squeeze %dma_start3A_568 : memref<1x8192xi32, #tpu.memory_space<hbm>> -> memref<8192xi32, #tpu.memory_space<hbm>>
        %dma_start3A_570 = arith.constant 0 : i32
        %dma_start3A_571 = tpu.memref_slice %arg2[%add3A_566, %dma_start3A_570] : memref<2048x8192xi32, #tpu.memory_space<hbm>> -> memref<1x8192xi32, #tpu.memory_space<hbm>>
        %dma_start3A_572 = tpu.memref_squeeze %dma_start3A_571 : memref<1x8192xi32, #tpu.memory_space<hbm>> -> memref<8192xi32, #tpu.memory_space<hbm>>
        tpu.enqueue_dma source(%dma_start3A_572 : memref<8192xi32, #tpu.memory_space<hbm>>) target(%arg13 : memref<8192xi32, #tpu.memory_space<vmem>>) target_semaphore(%arg20 : memref<!tpu.dma_semaphore, #tpu.memory_space<semaphore_mem>>)
      } else {
      }
      %scan3A_135 = arith.constant 0 : i32
      %scan3A_136 = arith.constant 0 : i32
      %scan3A_137 = arith.constant 128 : i32
      %scan3A_138 = arith.addi %scan3A_136, %scan3A_137 : i32
      %scan3A_139 = arith.constant 8 : i32
      %scan3A_140 = scf.for %scan3A_564 = %scan3A_136 to %scan3A_138 step %scan3A_139 iter_args(%scan3A_565 = %scan3A_135) -> (i32)  : i32 {
        %broadcast_in_dim3A_566 = arith.constant 0 : i32
        %broadcast_in_dim3A_567 = vector.broadcast %broadcast_in_dim3A_566 : i32 to vector<16xi32>
        %mul3A_568 = arith.constant 16 : i32
        %mul3A_569 = arith.muli %scan3A_564, %mul3A_568 : i32
        %swap3A = arith.index_cast %mul3A_569 : i32 to index
        %swap3A_570 = tpu.vector_load %arg14[%swap3A] {strides = array<i32>} : memref<2048xi32, #tpu.memory_space<vmem>>, vector<16xi32>,
        tpu.vector_store %arg14[%swap3A], %broadcast_in_dim3A_567 {strides = array<i32>} : memref<2048xi32, #tpu.memory_space<vmem>>, vector<16xi32>,
        %scan3A_571 = arith.constant 0 : i32
        %scan3A_572 = arith.constant 1 : i32
        %scan3A_573 = arith.addi %scan3A_564, %scan3A_572 : i32
        %broadcast_in_dim3A_574 = arith.constant 0 : i32
        %broadcast_in_dim3A_575 = vector.broadcast %broadcast_in_dim3A_574 : i32 to vector<16xi32>
        %mul3A_576 = arith.constant 16 : i32
        %mul3A_577 = arith.muli %scan3A_573, %mul3A_576 : i32
        %swap3A_578 = arith.index_cast %mul3A_577 : i32 to index
        %swap3A_579 = tpu.vector_load %arg14[%swap3A_578] {strides = array<i32>} : memref<2048xi32, #tpu.memory_space<vmem>>, vector<16xi32>,
        tpu.vector_store %arg14[%swap3A_578], %broadcast_in_dim3A_575 {strides = array<i32>} : memref<2048xi32, #tpu.memory_space<vmem>>, vector<16xi32>,
        %scan3A_580 = arith.constant 0 : i32
        %scan3A_581 = arith.constant 2 : i32
        %scan3A_582 = arith.addi %scan3A_564, %scan3A_581 : i32
        %broadcast_in_dim3A_583 = arith.constant 0 : i32
        %broadcast_in_dim3A_584 = vector.broadcast %broadcast_in_dim3A_583 : i32 to vector<16xi32>
        %mul3A_585 = arith.constant 16 : i32
        %mul3A_586 = arith.muli %scan3A_582, %mul3A_585 : i32
        %swap3A_587 = arith.index_cast %mul3A_586 : i32 to index
        %swap3A_588 = tpu.vector_load %arg14[%swap3A_587] {strides = array<i32>} : memref<2048xi32, #tpu.memory_space<vmem>>, vector<16xi32>,
        tpu.vector_store %arg14[%swap3A_587], %broadcast_in_dim3A_584 {strides = array<i32>} : memref<2048xi32, #tpu.memory_space<vmem>>, vector<16xi32>,
        %scan3A_589 = arith.constant 0 : i32
        %scan3A_590 = arith.constant 3 : i32
        %scan3A_591 = arith.addi %scan3A_564, %scan3A_590 : i32
        %broadcast_in_dim3A_592 = arith.constant 0 : i32
        %broadcast_in_dim3A_593 = vector.broadcast %broadcast_in_dim3A_592 : i32 to vector<16xi32>
        %mul3A_594 = arith.constant 16 : i32
        %mul3A_595 = arith.muli %scan3A_591, %mul3A_594 : i32
        %swap3A_596 = arith.index_cast %mul3A_595 : i32 to index
        %swap3A_597 = tpu.vector_load %arg14[%swap3A_596] {strides = array<i32>} : memref<2048xi32, #tpu.memory_space<vmem>>, vector<16xi32>,
        tpu.vector_store %arg14[%swap3A_596], %broadcast_in_dim3A_593 {strides = array<i32>} : memref<2048xi32, #tpu.memory_space<vmem>>, vector<16xi32>,
        %scan3A_598 = arith.constant 0 : i32
        %scan3A_599 = arith.constant 4 : i32
        %scan3A_600 = arith.addi %scan3A_564, %scan3A_599 : i32
        %broadcast_in_dim3A_601 = arith.constant 0 : i32
        %broadcast_in_dim3A_602 = vector.broadcast %broadcast_in_dim3A_601 : i32 to vector<16xi32>
        %mul3A_603 = arith.constant 16 : i32
        %mul3A_604 = arith.muli %scan3A_600, %mul3A_603 : i32
        %swap3A_605 = arith.index_cast %mul3A_604 : i32 to index
        %swap3A_606 = tpu.vector_load %arg14[%swap3A_605] {strides = array<i32>} : memref<2048xi32, #tpu.memory_space<vmem>>, vector<16xi32>,
        tpu.vector_store %arg14[%swap3A_605], %broadcast_in_dim3A_602 {strides = array<i32>} : memref<2048xi32, #tpu.memory_space<vmem>>, vector<16xi32>,
        %scan3A_607 = arith.constant 0 : i32
        %scan3A_608 = arith.constant 5 : i32
        %scan3A_609 = arith.addi %scan3A_564, %scan3A_608 : i32
        %broadcast_in_dim3A_610 = arith.constant 0 : i32
        %broadcast_in_dim3A_611 = vector.broadcast %broadcast_in_dim3A_610 : i32 to vector<16xi32>
        %mul3A_612 = arith.constant 16 : i32
        %mul3A_613 = arith.muli %scan3A_609, %mul3A_612 : i32
        %swap3A_614 = arith.index_cast %mul3A_613 : i32 to index
        %swap3A_615 = tpu.vector_load %arg14[%swap3A_614] {strides = array<i32>} : memref<2048xi32, #tpu.memory_space<vmem>>, vector<16xi32>,
        tpu.vector_store %arg14[%swap3A_614], %broadcast_in_dim3A_611 {strides = array<i32>} : memref<2048xi32, #tpu.memory_space<vmem>>, vector<16xi32>,
        %scan3A_616 = arith.constant 0 : i32
        %scan3A_617 = arith.constant 6 : i32
        %scan3A_618 = arith.addi %scan3A_564, %scan3A_617 : i32
        %broadcast_in_dim3A_619 = arith.constant 0 : i32
        %broadcast_in_dim3A_620 = vector.broadcast %broadcast_in_dim3A_619 : i32 to vector<16xi32>
        %mul3A_621 = arith.constant 16 : i32
        %mul3A_622 = arith.muli %scan3A_618, %mul3A_621 : i32
        %swap3A_623 = arith.index_cast %mul3A_622 : i32 to index
        %swap3A_624 = tpu.vector_load %arg14[%swap3A_623] {strides = array<i32>} : memref<2048xi32, #tpu.memory_space<vmem>>, vector<16xi32>,
        tpu.vector_store %arg14[%swap3A_623], %broadcast_in_dim3A_620 {strides = array<i32>} : memref<2048xi32, #tpu.memory_space<vmem>>, vector<16xi32>,
        %scan3A_625 = arith.constant 0 : i32
        %scan3A_626 = arith.constant 7 : i32
        %scan3A_627 = arith.addi %scan3A_564, %scan3A_626 : i32
        %broadcast_in_dim3A_628 = arith.constant 0 : i32
        %broadcast_in_dim3A_629 = vector.broadcast %broadcast_in_dim3A_628 : i32 to vector<16xi32>
        %mul3A_630 = arith.constant 16 : i32
        %mul3A_631 = arith.muli %scan3A_627, %mul3A_630 : i32
        %swap3A_632 = arith.index_cast %mul3A_631 : i32 to index
        %swap3A_633 = tpu.vector_load %arg14[%swap3A_632] {strides = array<i32>} : memref<2048xi32, #tpu.memory_space<vmem>>, vector<16xi32>,
        tpu.vector_store %arg14[%swap3A_632], %broadcast_in_dim3A_629 {strides = array<i32>} : memref<2048xi32, #tpu.memory_space<vmem>>, vector<16xi32>,
        %scan3A_634 = arith.constant 0 : i32
        scf.yield %scan3A_634 : i32
      }
      %scan3A_141 = arith.constant 128 : i32
      %broadcast_in_dim3A_142 = arith.constant 2147483647 : i32
      %broadcast_in_dim3A_143 = vector.broadcast %broadcast_in_dim3A_142 : i32 to vector<16xi32>
      %scan3A_144 = arith.constant 0 : i32
      %scan3A_145 = arith.constant 512 : i32
      %scan3A_146 = arith.addi %scan3A_144, %scan3A_145 : i32
      %scan3A_147 = arith.constant 8 : i32
      %scan3A_148 = scf.for %scan3A_564 = %scan3A_144 to %scan3A_146 step %scan3A_147 iter_args(%scan3A_565 = %broadcast_in_dim3A_143) -> (vector<16xi32>)  : i32 {
        %mul3A_566 = arith.constant 16 : i32
        %mul3A_567 = arith.muli %scan3A_564, %mul3A_566 : i32
        %get3A_568 = arith.index_cast %mul3A_567 : i32 to index
        %get3A_569 = tpu.vector_load %arg12[%get3A_568] {strides = array<i32>} : memref<8192xi32, #tpu.memory_space<vmem>>, vector<16xi32>,
        %shift_right_arithmetic3A_570 = arith.constant 21 : i32
        %shift_right_arithmetic3A_571 = vector.broadcast %shift_right_arithmetic3A_570 : i32 to vector<16xi32>
        %shift_right_arithmetic3A_572 = arith.shrsi %get3A_569, %shift_right_arithmetic3A_571 : vector<16xi32>
        %add3A_573 = arith.constant 1024 : i32
        %add3A_574 = vector.broadcast %add3A_573 : i32 to vector<16xi32>
        %add3A_575 = arith.addi %shift_right_arithmetic3A_572, %add3A_574 : vector<16xi32>
        tpu.vector_store_idx %arg14[%add3A_575], %broadcast_in_dim3A_36 {add = true} : memref<2048xi32, #tpu.memory_space<vmem>>[vector<16xi32>], vector<16xi32>,
        %min3A_576 = arith.minsi %scan3A_565, %get3A_569 : vector<16xi32>
        %scan3A_577 = arith.constant 1 : i32
        %scan3A_578 = arith.addi %scan3A_564, %scan3A_577 : i32
        %mul3A_579 = arith.constant 16 : i32
        %mul3A_580 = arith.muli %scan3A_578, %mul3A_579 : i32
        %get3A_581 = arith.index_cast %mul3A_580 : i32 to index
        %get3A_582 = tpu.vector_load %arg12[%get3A_581] {strides = array<i32>} : memref<8192xi32, #tpu.memory_space<vmem>>, vector<16xi32>,
        %shift_right_arithmetic3A_583 = arith.constant 21 : i32
        %shift_right_arithmetic3A_584 = vector.broadcast %shift_right_arithmetic3A_583 : i32 to vector<16xi32>
        %shift_right_arithmetic3A_585 = arith.shrsi %get3A_582, %shift_right_arithmetic3A_584 : vector<16xi32>
        %add3A_586 = arith.constant 1024 : i32
        %add3A_587 = vector.broadcast %add3A_586 : i32 to vector<16xi32>
        %add3A_588 = arith.addi %shift_right_arithmetic3A_585, %add3A_587 : vector<16xi32>
        tpu.vector_store_idx %arg14[%add3A_588], %broadcast_in_dim3A_36 {add = true} : memref<2048xi32, #tpu.memory_space<vmem>>[vector<16xi32>], vector<16xi32>,
        %min3A_589 = arith.minsi %min3A_576, %get3A_582 : vector<16xi32>
        %scan3A_590 = arith.constant 2 : i32
        %scan3A_591 = arith.addi %scan3A_564, %scan3A_590 : i32
        %mul3A_592 = arith.constant 16 : i32
        %mul3A_593 = arith.muli %scan3A_591, %mul3A_592 : i32
        %get3A_594 = arith.index_cast %mul3A_593 : i32 to index
        %get3A_595 = tpu.vector_load %arg12[%get3A_594] {strides = array<i32>} : memref<8192xi32, #tpu.memory_space<vmem>>, vector<16xi32>,
        %shift_right_arithmetic3A_596 = arith.constant 21 : i32
        %shift_right_arithmetic3A_597 = vector.broadcast %shift_right_arithmetic3A_596 : i32 to vector<16xi32>
        %shift_right_arithmetic3A_598 = arith.shrsi %get3A_595, %shift_right_arithmetic3A_597 : vector<16xi32>
        %add3A_599 = arith.constant 1024 : i32
        %add3A_600 = vector.broadcast %add3A_599 : i32 to vector<16xi32>
        %add3A_601 = arith.addi %shift_right_arithmetic3A_598, %add3A_600 : vector<16xi32>
        tpu.vector_store_idx %arg14[%add3A_601], %broadcast_in_dim3A_36 {add = true} : memref<2048xi32, #tpu.memory_space<vmem>>[vector<16xi32>], vector<16xi32>,
        %min3A_602 = arith.minsi %min3A_589, %get3A_595 : vector<16xi32>
        %scan3A_603 = arith.constant 3 : i32
        %scan3A_604 = arith.addi %scan3A_564, %scan3A_603 : i32
        %mul3A_605 = arith.constant 16 : i32
        %mul3A_606 = arith.muli %scan3A_604, %mul3A_605 : i32
        %get3A_607 = arith.index_cast %mul3A_606 : i32 to index
        %get3A_608 = tpu.vector_load %arg12[%get3A_607] {strides = array<i32>} : memref<8192xi32, #tpu.memory_space<vmem>>, vector<16xi32>,
        %shift_right_arithmetic3A_609 = arith.constant 21 : i32
        %shift_right_arithmetic3A_610 = vector.broadcast %shift_right_arithmetic3A_609 : i32 to vector<16xi32>
        %shift_right_arithmetic3A_611 = arith.shrsi %get3A_608, %shift_right_arithmetic3A_610 : vector<16xi32>
        %add3A_612 = arith.constant 1024 : i32
        %add3A_613 = vector.broadcast %add3A_612 : i32 to vector<16xi32>
        %add3A_614 = arith.addi %shift_right_arithmetic3A_611, %add3A_613 : vector<16xi32>
        tpu.vector_store_idx %arg14[%add3A_614], %broadcast_in_dim3A_36 {add = true} : memref<2048xi32, #tpu.memory_space<vmem>>[vector<16xi32>], vector<16xi32>,
        %min3A_615 = arith.minsi %min3A_602, %get3A_608 : vector<16xi32>
        %scan3A_616 = arith.constant 4 : i32
        %scan3A_617 = arith.addi %scan3A_564, %scan3A_616 : i32
        %mul3A_618 = arith.constant 16 : i32
        %mul3A_619 = arith.muli %scan3A_617, %mul3A_618 : i32
        %get3A_620 = arith.index_cast %mul3A_619 : i32 to index
        %get3A_621 = tpu.vector_load %arg12[%get3A_620] {strides = array<i32>} : memref<8192xi32, #tpu.memory_space<vmem>>, vector<16xi32>,
        %shift_right_arithmetic3A_622 = arith.constant 21 : i32
        %shift_right_arithmetic3A_623 = vector.broadcast %shift_right_arithmetic3A_622 : i32 to vector<16xi32>
        %shift_right_arithmetic3A_624 = arith.shrsi %get3A_621, %shift_right_arithmetic3A_623 : vector<16xi32>
        %add3A_625 = arith.constant 1024 : i32
        %add3A_626 = vector.broadcast %add3A_625 : i32 to vector<16xi32>
        %add3A_627 = arith.addi %shift_right_arithmetic3A_624, %add3A_626 : vector<16xi32>
        tpu.vector_store_idx %arg14[%add3A_627], %broadcast_in_dim3A_36 {add = true} : memref<2048xi32, #tpu.memory_space<vmem>>[vector<16xi32>], vector<16xi32>,
        %min3A_628 = arith.minsi %min3A_615, %get3A_621 : vector<16xi32>
        %scan3A_629 = arith.constant 5 : i32
        %scan3A_630 = arith.addi %scan3A_564, %scan3A_629 : i32
        %mul3A_631 = arith.constant 16 : i32
        %mul3A_632 = arith.muli %scan3A_630, %mul3A_631 : i32
        %get3A_633 = arith.index_cast %mul3A_632 : i32 to index
        %get3A_634 = tpu.vector_load %arg12[%get3A_633] {strides = array<i32>} : memref<8192xi32, #tpu.memory_space<vmem>>, vector<16xi32>,
        %shift_right_arithmetic3A_635 = arith.constant 21 : i32
        %shift_right_arithmetic3A_636 = vector.broadcast %shift_right_arithmetic3A_635 : i32 to vector<16xi32>
        %shift_right_arithmetic3A_637 = arith.shrsi %get3A_634, %shift_right_arithmetic3A_636 : vector<16xi32>
        %add3A_638 = arith.constant 1024 : i32
        %add3A_639 = vector.broadcast %add3A_638 : i32 to vector<16xi32>
        %add3A_640 = arith.addi %shift_right_arithmetic3A_637, %add3A_639 : vector<16xi32>
        tpu.vector_store_idx %arg14[%add3A_640], %broadcast_in_dim3A_36 {add = true} : memref<2048xi32, #tpu.memory_space<vmem>>[vector<16xi32>], vector<16xi32>,
        %min3A_641 = arith.minsi %min3A_628, %get3A_634 : vector<16xi32>
        %scan3A_642 = arith.constant 6 : i32
        %scan3A_643 = arith.addi %scan3A_564, %scan3A_642 : i32
        %mul3A_644 = arith.constant 16 : i32
        %mul3A_645 = arith.muli %scan3A_643, %mul3A_644 : i32
        %get3A_646 = arith.index_cast %mul3A_645 : i32 to index
        %get3A_647 = tpu.vector_load %arg12[%get3A_646] {strides = array<i32>} : memref<8192xi32, #tpu.memory_space<vmem>>, vector<16xi32>,
        %shift_right_arithmetic3A_648 = arith.constant 21 : i32
        %shift_right_arithmetic3A_649 = vector.broadcast %shift_right_arithmetic3A_648 : i32 to vector<16xi32>
        %shift_right_arithmetic3A_650 = arith.shrsi %get3A_647, %shift_right_arithmetic3A_649 : vector<16xi32>
        %add3A_651 = arith.constant 1024 : i32
        %add3A_652 = vector.broadcast %add3A_651 : i32 to vector<16xi32>
        %add3A_653 = arith.addi %shift_right_arithmetic3A_650, %add3A_652 : vector<16xi32>
        tpu.vector_store_idx %arg14[%add3A_653], %broadcast_in_dim3A_36 {add = true} : memref<2048xi32, #tpu.memory_space<vmem>>[vector<16xi32>], vector<16xi32>,
        %min3A_654 = arith.minsi %min3A_641, %get3A_647 : vector<16xi32>
        %scan3A_655 = arith.constant 7 : i32
        %scan3A_656 = arith.addi %scan3A_564, %scan3A_655 : i32
        %mul3A_657 = arith.constant 16 : i32
        %mul3A_658 = arith.muli %scan3A_656, %mul3A_657 : i32
        %get3A_659 = arith.index_cast %mul3A_658 : i32 to index
        %get3A_660 = tpu.vector_load %arg12[%get3A_659] {strides = array<i32>} : memref<8192xi32, #tpu.memory_space<vmem>>, vector<16xi32>,
        %shift_right_arithmetic3A_661 = arith.constant 21 : i32
        %shift_right_arithmetic3A_662 = vector.broadcast %shift_right_arithmetic3A_661 : i32 to vector<16xi32>
        %shift_right_arithmetic3A_663 = arith.shrsi %get3A_660, %shift_right_arithmetic3A_662 : vector<16xi32>
        %add3A_664 = arith.constant 1024 : i32
        %add3A_665 = vector.broadcast %add3A_664 : i32 to vector<16xi32>
        %add3A_666 = arith.addi %shift_right_arithmetic3A_663, %add3A_665 : vector<16xi32>
        tpu.vector_store_idx %arg14[%add3A_666], %broadcast_in_dim3A_36 {add = true} : memref<2048xi32, #tpu.memory_space<vmem>>[vector<16xi32>], vector<16xi32>,
        %min3A_667 = arith.minsi %min3A_654, %get3A_660 : vector<16xi32>
        scf.yield %min3A_667 : vector<16xi32>
      }
      %scan3A_149 = arith.constant 512 : i32
      %reduce_min3A = arith.constant true
      %reduce_min3A_150 = vector.broadcast %reduce_min3A : i1 to vector<16xi1>
      %reduce_min3A_151 = arith.constant -2147483648 : i32
      %reduce_min3A_152 = vector.broadcast %reduce_min3A_151 : i32 to vector<16xi32>
      %reduce_min3A_153 = arith.xori %scan3A_148, %reduce_min3A_152 : vector<16xi32>
      %reduce_min3A_154 = tpu.scan <min>, %reduce_min3A_153 masked %reduce_min3A_150 : vector<16xi32>, vector<16xi1> -> vector<16xi32>
      %reduce_min3A_155 = arith.xori %reduce_min3A_154, %reduce_min3A_152 : vector<16xi32>
      %reduce_min3A_156 = vector.extract %reduce_min3A_155[15] : i32 from vector<16xi32>
      %shift_right_arithmetic3A = arith.constant 21 : i32
      %shift_right_arithmetic3A_157 = arith.shrsi %reduce_min3A_156, %shift_right_arithmetic3A : i32
      %add3A_158 = arith.constant 1024 : i32
      %add3A_159 = arith.addi %shift_right_arithmetic3A_157, %add3A_158 : i32
      %shift_right_arithmetic3A_160 = arith.constant 4 : i32
      %shift_right_arithmetic3A_161 = arith.shrsi %add3A_159, %shift_right_arithmetic3A_160 : i32
      %while3A = arith.constant 0 : i32
      %while3A_162 = arith.constant false
      %while3A_163:3 = scf.while (%while3A_564 = %shift_right_arithmetic3A_161, %while3A_565 = %while3A, %while3A_566 = %while3A_162) : (i32, i32, i1) -> (i32, i32, i1) {
        %not3A = arith.constant true
        %not3A_567 = arith.xori %while3A_566, %not3A : i1
        scf.condition(%not3A_567) %while3A_564, %while3A_565, %while3A_566 : i32, i32, i1
      } do {
      ^bb0(%while3A_564: i32, %while3A_565: i32, %while3A_566: i1):
        %mul3A_567 = arith.constant 16 : i32
        %mul3A_568 = arith.muli %while3A_564, %mul3A_567 : i32
        %get3A_569 = arith.index_cast %mul3A_568 : i32 to index
        %get3A_570 = tpu.vector_load %arg14[%get3A_569] {strides = array<i32>} : memref<2048xi32, #tpu.memory_space<vmem>>, vector<16xi32>,
        %reduce_sum3A = arith.constant true
        %reduce_sum3A_571 = vector.broadcast %reduce_sum3A : i1 to vector<16xi1>
        %reduce_sum3A_572 = tpu.scan <sum>, %get3A_570 masked %reduce_sum3A_571 : vector<16xi32>, vector<16xi1> -> vector<16xi32>
        %reduce_sum3A_573 = vector.extract %reduce_sum3A_572[15] : i32 from vector<16xi32>
        %add3A_574 = arith.addi %while3A_565, %reduce_sum3A_573 : i32
        %ge3A_575 = arith.constant 64 : i32
        %ge3A_576 = arith.cmpi sge, %add3A_574, %ge3A_575 : i32
        %ge3A_577 = arith.constant 127 : i32
        %ge3A_578 = arith.cmpi sge, %while3A_564, %ge3A_577 : i32
        %or3A = arith.ori %ge3A_576, %ge3A_578 : i1
        %add3A_579 = arith.constant 1 : i32
        %add3A_580 = arith.addi %while3A_564, %add3A_579 : i32
        %select_n3A_581 = arith.select %or3A, %while3A_564, %add3A_580 : i32
        %add3A_582 = arith.addi %while3A_565, %reduce_sum3A_573 : i32
        %select_n3A_583 = arith.select %or3A, %while3A_565, %add3A_582 : i32
        scf.yield %select_n3A_581, %select_n3A_583, %or3A : i32, i32, i1
      }
      %mul3A_164 = arith.constant 16 : i32
      %mul3A_165 = arith.muli %while3A_163#0, %mul3A_164 : i32
      %get3A = arith.index_cast %mul3A_165 : i32 to index
      %get3A_166 = tpu.vector_load %arg14[%get3A] {strides = array<i32>} : memref<2048xi32, #tpu.memory_space<vmem>>, vector<16xi32>,
      %broadcast_in_dim3A_167 = arith.constant true
      %broadcast_in_dim3A_168 = vector.broadcast %broadcast_in_dim3A_167 : i1 to vector<16xi1>
      %masked_cumsum3A = tpu.scan <sum>, %get3A_166 masked %broadcast_in_dim3A_168 : vector<16xi32>, vector<16xi1> -> vector<16xi32>
      %add3A_169 = vector.broadcast %while3A_163#1 : i32 to vector<16xi32>
      %add3A_170 = arith.addi %masked_cumsum3A, %add3A_169 : vector<16xi32>
      %ge3A = arith.constant 64 : i32
      %ge3A_171 = vector.broadcast %ge3A : i32 to vector<16xi32>
      %ge3A_172 = arith.cmpi sge, %add3A_170, %ge3A_171 : vector<16xi32>
      %jit3A_173 = arith.constant 16 : i32
      %broadcast_in_dim3A_174 = vector.broadcast %jit3A_173 : i32 to vector<16xi32>
      %select_n3A_175 = arith.select %ge3A_172, %iota3A, %broadcast_in_dim3A_174 : vector<16xi1>, vector<16xi32>
      %reduce_min3A_176 = arith.constant true
      %reduce_min3A_177 = vector.broadcast %reduce_min3A_176 : i1 to vector<16xi1>
      %reduce_min3A_178 = arith.constant -2147483648 : i32
      %reduce_min3A_179 = vector.broadcast %reduce_min3A_178 : i32 to vector<16xi32>
      %reduce_min3A_180 = arith.xori %select_n3A_175, %reduce_min3A_179 : vector<16xi32>
      %reduce_min3A_181 = tpu.scan <min>, %reduce_min3A_180 masked %reduce_min3A_177 : vector<16xi32>, vector<16xi1> -> vector<16xi32>
      %reduce_min3A_182 = arith.xori %reduce_min3A_181, %reduce_min3A_179 : vector<16xi32>
      %reduce_min3A_183 = vector.extract %reduce_min3A_182[15] : i32 from vector<16xi32>
      %mul3A_184 = arith.constant 16 : i32
      %mul3A_185 = arith.muli %while3A_163#0, %mul3A_184 : i32
      %min3A = arith.constant 15 : i32
      %min3A_186 = arith.minsi %reduce_min3A_183, %min3A : i32
      %add3A_187 = arith.addi %mul3A_185, %min3A_186 : i32
      %broadcast_in_dim3A_188 = arith.constant 0 : i32
      %broadcast_in_dim3A_189 = vector.broadcast %broadcast_in_dim3A_188 : i32 to vector<16xi32>
      %scan3A_190 = arith.constant 0 : i32
      %scan3A_191 = arith.constant 512 : i32
      %scan3A_192 = arith.addi %scan3A_190, %scan3A_191 : i32
      %scan3A_193 = arith.constant 4 : i32
      %scan3A_194 = scf.for %scan3A_564 = %scan3A_190 to %scan3A_192 step %scan3A_193 iter_args(%scan3A_565 = %broadcast_in_dim3A_189) -> (vector<16xi32>)  : i32 {
        %mul3A_566 = arith.constant 16 : i32
        %mul3A_567 = arith.muli %scan3A_564, %mul3A_566 : i32
        %get3A_568 = arith.index_cast %mul3A_567 : i32 to index
        %get3A_569 = tpu.vector_load %arg12[%get3A_568] {strides = array<i32>} : memref<8192xi32, #tpu.memory_space<vmem>>, vector<16xi32>,
        %shift_right_arithmetic3A_570 = arith.constant 21 : i32
        %shift_right_arithmetic3A_571 = vector.broadcast %shift_right_arithmetic3A_570 : i32 to vector<16xi32>
        %shift_right_arithmetic3A_572 = arith.shrsi %get3A_569, %shift_right_arithmetic3A_571 : vector<16xi32>
        %add3A_573 = arith.constant 1024 : i32
        %add3A_574 = vector.broadcast %add3A_573 : i32 to vector<16xi32>
        %add3A_575 = arith.addi %shift_right_arithmetic3A_572, %add3A_574 : vector<16xi32>
        %le3A = vector.broadcast %add3A_187 : i32 to vector<16xi32>
        %le3A_576 = arith.cmpi sle, %add3A_575, %le3A : vector<16xi32>
        %all_reduce_population_count3A = tpu.all_reduce %le3A_576 {dim = 0 : i64, kind = #tpu.reduction_kind<sum>} : vector<16xi1> -> vector<16xi32>
        %convert_element_type3A_577 = arith.extui %le3A_576 : vector<16xi1> to vector<16xi32>
        %broadcast_in_dim3A_578 = arith.constant true
        %broadcast_in_dim3A_579 = vector.broadcast %broadcast_in_dim3A_578 : i1 to vector<16xi1>
        %masked_cumsum3A_580 = tpu.scan <sum>, %convert_element_type3A_577 masked %broadcast_in_dim3A_579 : vector<16xi32>, vector<16xi1> -> vector<16xi32>
        %add3A_581 = arith.addi %scan3A_565, %masked_cumsum3A_580 : vector<16xi32>
        %sub3A_582 = arith.constant 1 : i32
        %sub3A_583 = vector.broadcast %sub3A_582 : i32 to vector<16xi32>
        %sub3A_584 = arith.subi %add3A_581, %sub3A_583 : vector<16xi32>
        %lt3A_585 = arith.constant 512 : i32
        %lt3A_586 = vector.broadcast %lt3A_585 : i32 to vector<16xi32>
        %lt3A_587 = arith.cmpi slt, %sub3A_584, %lt3A_586 : vector<16xi32>
        %and3A_588 = arith.andi %le3A_576, %lt3A_587 : vector<16xi1>
        tpu.vector_store_idx %arg15[%sub3A_584], %get3A_569 masked %and3A_588 : memref<528xi32, #tpu.memory_space<vmem>>[vector<16xi32>], vector<16xi32>, vector<16xi1>
        %mul3A_589 = arith.constant 16 : i32
        %mul3A_590 = arith.muli %scan3A_564, %mul3A_589 : i32
        %add3A_591 = vector.broadcast %mul3A_590 : i32 to vector<16xi32>
        %add3A_592 = arith.addi %add3A_591, %iota3A : vector<16xi32>
        tpu.vector_store_idx %arg16[%sub3A_584], %add3A_592 masked %and3A_588 : memref<528xi32, #tpu.memory_space<vmem>>[vector<16xi32>], vector<16xi32>, vector<16xi1>
        %add3A_593 = arith.addi %scan3A_565, %all_reduce_population_count3A : vector<16xi32>
        %scan3A_594 = arith.constant 1 : i32
        %scan3A_595 = arith.addi %scan3A_564, %scan3A_594 : i32
        %mul3A_596 = arith.constant 16 : i32
        %mul3A_597 = arith.muli %scan3A_595, %mul3A_596 : i32
        %get3A_598 = arith.index_cast %mul3A_597 : i32 to index
        %get3A_599 = tpu.vector_load %arg12[%get3A_598] {strides = array<i32>} : memref<8192xi32, #tpu.memory_space<vmem>>, vector<16xi32>,
        %shift_right_arithmetic3A_600 = arith.constant 21 : i32
        %shift_right_arithmetic3A_601 = vector.broadcast %shift_right_arithmetic3A_600 : i32 to vector<16xi32>
        %shift_right_arithmetic3A_602 = arith.shrsi %get3A_599, %shift_right_arithmetic3A_601 : vector<16xi32>
        %add3A_603 = arith.constant 1024 : i32
        %add3A_604 = vector.broadcast %add3A_603 : i32 to vector<16xi32>
        %add3A_605 = arith.addi %shift_right_arithmetic3A_602, %add3A_604 : vector<16xi32>
        %le3A_606 = vector.broadcast %add3A_187 : i32 to vector<16xi32>
        %le3A_607 = arith.cmpi sle, %add3A_605, %le3A_606 : vector<16xi32>
        %all_reduce_population_count3A_608 = tpu.all_reduce %le3A_607 {dim = 0 : i64, kind = #tpu.reduction_kind<sum>} : vector<16xi1> -> vector<16xi32>
        %convert_element_type3A_609 = arith.extui %le3A_607 : vector<16xi1> to vector<16xi32>
        %broadcast_in_dim3A_610 = arith.constant true
        %broadcast_in_dim3A_611 = vector.broadcast %broadcast_in_dim3A_610 : i1 to vector<16xi1>
        %masked_cumsum3A_612 = tpu.scan <sum>, %convert_element_type3A_609 masked %broadcast_in_dim3A_611 : vector<16xi32>, vector<16xi1> -> vector<16xi32>
        %add3A_613 = arith.addi %add3A_593, %masked_cumsum3A_612 : vector<16xi32>
        %sub3A_614 = arith.constant 1 : i32
        %sub3A_615 = vector.broadcast %sub3A_614 : i32 to vector<16xi32>
        %sub3A_616 = arith.subi %add3A_613, %sub3A_615 : vector<16xi32>
        %lt3A_617 = arith.constant 512 : i32
        %lt3A_618 = vector.broadcast %lt3A_617 : i32 to vector<16xi32>
        %lt3A_619 = arith.cmpi slt, %sub3A_616, %lt3A_618 : vector<16xi32>
        %and3A_620 = arith.andi %le3A_607, %lt3A_619 : vector<16xi1>
        tpu.vector_store_idx %arg15[%sub3A_616], %get3A_599 masked %and3A_620 : memref<528xi32, #tpu.memory_space<vmem>>[vector<16xi32>], vector<16xi32>, vector<16xi1>
        %mul3A_621 = arith.constant 16 : i32
        %mul3A_622 = arith.muli %scan3A_595, %mul3A_621 : i32
        %add3A_623 = vector.broadcast %mul3A_622 : i32 to vector<16xi32>
        %add3A_624 = arith.addi %add3A_623, %iota3A : vector<16xi32>
        tpu.vector_store_idx %arg16[%sub3A_616], %add3A_624 masked %and3A_620 : memref<528xi32, #tpu.memory_space<vmem>>[vector<16xi32>], vector<16xi32>, vector<16xi1>
        %add3A_625 = arith.addi %add3A_593, %all_reduce_population_count3A_608 : vector<16xi32>
        %scan3A_626 = arith.constant 2 : i32
        %scan3A_627 = arith.addi %scan3A_564, %scan3A_626 : i32
        %mul3A_628 = arith.constant 16 : i32
        %mul3A_629 = arith.muli %scan3A_627, %mul3A_628 : i32
        %get3A_630 = arith.index_cast %mul3A_629 : i32 to index
        %get3A_631 = tpu.vector_load %arg12[%get3A_630] {strides = array<i32>} : memref<8192xi32, #tpu.memory_space<vmem>>, vector<16xi32>,
        %shift_right_arithmetic3A_632 = arith.constant 21 : i32
        %shift_right_arithmetic3A_633 = vector.broadcast %shift_right_arithmetic3A_632 : i32 to vector<16xi32>
        %shift_right_arithmetic3A_634 = arith.shrsi %get3A_631, %shift_right_arithmetic3A_633 : vector<16xi32>
        %add3A_635 = arith.constant 1024 : i32
        %add3A_636 = vector.broadcast %add3A_635 : i32 to vector<16xi32>
        %add3A_637 = arith.addi %shift_right_arithmetic3A_634, %add3A_636 : vector<16xi32>
        %le3A_638 = vector.broadcast %add3A_187 : i32 to vector<16xi32>
        %le3A_639 = arith.cmpi sle, %add3A_637, %le3A_638 : vector<16xi32>
        %all_reduce_population_count3A_640 = tpu.all_reduce %le3A_639 {dim = 0 : i64, kind = #tpu.reduction_kind<sum>} : vector<16xi1> -> vector<16xi32>
        %convert_element_type3A_641 = arith.extui %le3A_639 : vector<16xi1> to vector<16xi32>
        %broadcast_in_dim3A_642 = arith.constant true
        %broadcast_in_dim3A_643 = vector.broadcast %broadcast_in_dim3A_642 : i1 to vector<16xi1>
        %masked_cumsum3A_644 = tpu.scan <sum>, %convert_element_type3A_641 masked %broadcast_in_dim3A_643 : vector<16xi32>, vector<16xi1> -> vector<16xi32>
        %add3A_645 = arith.addi %add3A_625, %masked_cumsum3A_644 : vector<16xi32>
        %sub3A_646 = arith.constant 1 : i32
        %sub3A_647 = vector.broadcast %sub3A_646 : i32 to vector<16xi32>
        %sub3A_648 = arith.subi %add3A_645, %sub3A_647 : vector<16xi32>
        %lt3A_649 = arith.constant 512 : i32
        %lt3A_650 = vector.broadcast %lt3A_649 : i32 to vector<16xi32>
        %lt3A_651 = arith.cmpi slt, %sub3A_648, %lt3A_650 : vector<16xi32>
        %and3A_652 = arith.andi %le3A_639, %lt3A_651 : vector<16xi1>
        tpu.vector_store_idx %arg15[%sub3A_648], %get3A_631 masked %and3A_652 : memref<528xi32, #tpu.memory_space<vmem>>[vector<16xi32>], vector<16xi32>, vector<16xi1>
        %mul3A_653 = arith.constant 16 : i32
        %mul3A_654 = arith.muli %scan3A_627, %mul3A_653 : i32
        %add3A_655 = vector.broadcast %mul3A_654 : i32 to vector<16xi32>
        %add3A_656 = arith.addi %add3A_655, %iota3A : vector<16xi32>
        tpu.vector_store_idx %arg16[%sub3A_648], %add3A_656 masked %and3A_652 : memref<528xi32, #tpu.memory_space<vmem>>[vector<16xi32>], vector<16xi32>, vector<16xi1>
        %add3A_657 = arith.addi %add3A_625, %all_reduce_population_count3A_640 : vector<16xi32>
        %scan3A_658 = arith.constant 3 : i32
        %scan3A_659 = arith.addi %scan3A_564, %scan3A_658 : i32
        %mul3A_660 = arith.constant 16 : i32
        %mul3A_661 = arith.muli %scan3A_659, %mul3A_660 : i32
        %get3A_662 = arith.index_cast %mul3A_661 : i32 to index
        %get3A_663 = tpu.vector_load %arg12[%get3A_662] {strides = array<i32>} : memref<8192xi32, #tpu.memory_space<vmem>>, vector<16xi32>,
        %shift_right_arithmetic3A_664 = arith.constant 21 : i32
        %shift_right_arithmetic3A_665 = vector.broadcast %shift_right_arithmetic3A_664 : i32 to vector<16xi32>
        %shift_right_arithmetic3A_666 = arith.shrsi %get3A_663, %shift_right_arithmetic3A_665 : vector<16xi32>
        %add3A_667 = arith.constant 1024 : i32
        %add3A_668 = vector.broadcast %add3A_667 : i32 to vector<16xi32>
        %add3A_669 = arith.addi %shift_right_arithmetic3A_666, %add3A_668 : vector<16xi32>
        %le3A_670 = vector.broadcast %add3A_187 : i32 to vector<16xi32>
        %le3A_671 = arith.cmpi sle, %add3A_669, %le3A_670 : vector<16xi32>
        %all_reduce_population_count3A_672 = tpu.all_reduce %le3A_671 {dim = 0 : i64, kind = #tpu.reduction_kind<sum>} : vector<16xi1> -> vector<16xi32>
        %convert_element_type3A_673 = arith.extui %le3A_671 : vector<16xi1> to vector<16xi32>
        %broadcast_in_dim3A_674 = arith.constant true
        %broadcast_in_dim3A_675 = vector.broadcast %broadcast_in_dim3A_674 : i1 to vector<16xi1>
        %masked_cumsum3A_676 = tpu.scan <sum>, %convert_element_type3A_673 masked %broadcast_in_dim3A_675 : vector<16xi32>, vector<16xi1> -> vector<16xi32>
        %add3A_677 = arith.addi %add3A_657, %masked_cumsum3A_676 : vector<16xi32>
        %sub3A_678 = arith.constant 1 : i32
        %sub3A_679 = vector.broadcast %sub3A_678 : i32 to vector<16xi32>
        %sub3A_680 = arith.subi %add3A_677, %sub3A_679 : vector<16xi32>
        %lt3A_681 = arith.constant 512 : i32
        %lt3A_682 = vector.broadcast %lt3A_681 : i32 to vector<16xi32>
        %lt3A_683 = arith.cmpi slt, %sub3A_680, %lt3A_682 : vector<16xi32>
        %and3A_684 = arith.andi %le3A_671, %lt3A_683 : vector<16xi1>
        tpu.vector_store_idx %arg15[%sub3A_680], %get3A_663 masked %and3A_684 : memref<528xi32, #tpu.memory_space<vmem>>[vector<16xi32>], vector<16xi32>, vector<16xi1>
        %mul3A_685 = arith.constant 16 : i32
        %mul3A_686 = arith.muli %scan3A_659, %mul3A_685 : i32
        %add3A_687 = vector.broadcast %mul3A_686 : i32 to vector<16xi32>
        %add3A_688 = arith.addi %add3A_687, %iota3A : vector<16xi32>
        tpu.vector_store_idx %arg16[%sub3A_680], %add3A_688 masked %and3A_684 : memref<528xi32, #tpu.memory_space<vmem>>[vector<16xi32>], vector<16xi32>, vector<16xi1>
        %add3A_689 = arith.addi %add3A_657, %all_reduce_population_count3A_672 : vector<16xi32>
        scf.yield %add3A_689 : vector<16xi32>
      }
      %scan3A_195 = arith.constant 512 : i32
      %reduce_min3A_196 = arith.constant true
      %reduce_min3A_197 = vector.broadcast %reduce_min3A_196 : i1 to vector<16xi1>
      %reduce_min3A_198 = arith.constant -2147483648 : i32
      %reduce_min3A_199 = vector.broadcast %reduce_min3A_198 : i32 to vector<16xi32>
      %reduce_min3A_200 = arith.xori %scan3A_194, %reduce_min3A_199 : vector<16xi32>
      %reduce_min3A_201 = tpu.scan <min>, %reduce_min3A_200 masked %reduce_min3A_197 : vector<16xi32>, vector<16xi1> -> vector<16xi32>
      %reduce_min3A_202 = arith.xori %reduce_min3A_201, %reduce_min3A_199 : vector<16xi32>
      %reduce_min3A_203 = vector.extract %reduce_min3A_202[15] : i32 from vector<16xi32>
      %min3A_204 = arith.constant 512 : i32
      %min3A_205 = arith.minsi %reduce_min3A_203, %min3A_204 : i32
      %add3A_206 = vector.broadcast %min3A_205 : i32 to vector<16xi32>
      %add3A_207 = arith.addi %add3A_206, %iota3A : vector<16xi32>
      %broadcast_in_dim3A_208 = arith.constant 2147483647 : i32
      %broadcast_in_dim3A_209 = vector.broadcast %broadcast_in_dim3A_208 : i32 to vector<16xi32>
      tpu.vector_store_idx %arg15[%add3A_207], %broadcast_in_dim3A_209 : memref<528xi32, #tpu.memory_space<vmem>>[vector<16xi32>], vector<16xi32>,
      %add3A_210 = arith.constant 16 : i32
      %add3A_211 = arith.addi %min3A_205, %add3A_210 : i32
      %sub3A_212 = arith.constant 1 : i32
      %sub3A_213 = arith.subi %add3A_211, %sub3A_212 : i32
      %shift_right_arithmetic3A_214 = arith.constant 4 : i32
      %shift_right_arithmetic3A_215 = arith.shrsi %sub3A_213, %shift_right_arithmetic3A_214 : i32
      %broadcast_in_dim3A_216 = arith.constant 2147483647 : i32
      %broadcast_in_dim3A_217 = vector.broadcast %broadcast_in_dim3A_216 : i32 to vector<16xi32>
      %broadcast_in_dim3A_218 = arith.constant 2147483647 : i32
      %broadcast_in_dim3A_219 = vector.broadcast %broadcast_in_dim3A_218 : i32 to vector<16xi32>
      %while3A_220 = arith.constant 0 : i32
      %while3A_221 = arith.subi %shift_right_arithmetic3A_215, %while3A_220 : i32
      %while3A_222 = arith.addi %while3A_220, %while3A_221 : i32
      %while3A_223 = arith.constant 1 : i32
      %while3A_224 = arith.divsi %while3A_221, %while3A_223 : i32
      %while3A_225 = arith.muli %while3A_224, %while3A_223 : i32
      %while3A_226 = arith.addi %while3A_220, %while3A_225 : i32
      %while3A_227 = arith.constant 1 : i32
      %while3A_228:2 = scf.for %while3A_564 = %while3A_220 to %while3A_226 step %while3A_227 iter_args(%while3A_565 = %broadcast_in_dim3A_217, %while3A_566 = %broadcast_in_dim3A_219) -> (vector<16xi32>, vector<16xi32>)  : i32 {
        %mul3A_567 = arith.constant 16 : i32
        %mul3A_568 = arith.muli %while3A_564, %mul3A_567 : i32
        %get3A_569 = arith.index_cast %mul3A_568 : i32 to index
        %get3A_570 = tpu.vector_load %arg15[%get3A_569] {strides = array<i32>} : memref<528xi32, #tpu.memory_space<vmem>>, vector<16xi32>,
        %reduce_min3A_571 = arith.constant true
        %reduce_min3A_572 = vector.broadcast %reduce_min3A_571 : i1 to vector<16xi1>
        %reduce_min3A_573 = arith.constant -2147483648 : i32
        %reduce_min3A_574 = vector.broadcast %reduce_min3A_573 : i32 to vector<16xi32>
        %reduce_min3A_575 = arith.xori %get3A_570, %reduce_min3A_574 : vector<16xi32>
        %reduce_min3A_576 = tpu.scan <min>, %reduce_min3A_575 masked %reduce_min3A_572 : vector<16xi32>, vector<16xi1> -> vector<16xi32>
        %reduce_min3A_577 = arith.xori %reduce_min3A_576, %reduce_min3A_574 : vector<16xi32>
        %reduce_min3A_578 = vector.extract %reduce_min3A_577[15] : i32 from vector<16xi32>
        %eq3A_579 = vector.broadcast %while3A_564 : i32 to vector<16xi32>
        %eq3A_580 = arith.cmpi eq, %iota3A, %eq3A_579 : vector<16xi32>
        %broadcast_in_dim3A_581 = vector.broadcast %reduce_min3A_578 : i32 to vector<16xi32>
        %select_n3A_582 = arith.select %eq3A_580, %broadcast_in_dim3A_581, %while3A_565 : vector<16xi1>, vector<16xi32>
        %sub3A_583 = arith.constant 16 : i32
        %sub3A_584 = arith.subi %while3A_564, %sub3A_583 : i32
        %eq3A_585 = vector.broadcast %sub3A_584 : i32 to vector<16xi32>
        %eq3A_586 = arith.cmpi eq, %iota3A, %eq3A_585 : vector<16xi32>
        %broadcast_in_dim3A_587 = vector.broadcast %reduce_min3A_578 : i32 to vector<16xi32>
        %select_n3A_588 = arith.select %eq3A_586, %broadcast_in_dim3A_587, %while3A_566 : vector<16xi1>, vector<16xi32>
        scf.yield %select_n3A_582, %select_n3A_588 : vector<16xi32>, vector<16xi32>
      }
      %while3A_229 = arith.constant 1 : i32
      %while3A_230:2 = scf.for %while3A_564 = %while3A_226 to %while3A_222 step %while3A_229 iter_args(%while3A_565 = %while3A_228#0, %while3A_566 = %while3A_228#1) -> (vector<16xi32>, vector<16xi32>)  : i32 {
        %mul3A_567 = arith.constant 16 : i32
        %mul3A_568 = arith.muli %while3A_564, %mul3A_567 : i32
        %get3A_569 = arith.index_cast %mul3A_568 : i32 to index
        %get3A_570 = tpu.vector_load %arg15[%get3A_569] {strides = array<i32>} : memref<528xi32, #tpu.memory_space<vmem>>, vector<16xi32>,
        %reduce_min3A_571 = arith.constant true
        %reduce_min3A_572 = vector.broadcast %reduce_min3A_571 : i1 to vector<16xi1>
        %reduce_min3A_573 = arith.constant -2147483648 : i32
        %reduce_min3A_574 = vector.broadcast %reduce_min3A_573 : i32 to vector<16xi32>
        %reduce_min3A_575 = arith.xori %get3A_570, %reduce_min3A_574 : vector<16xi32>
        %reduce_min3A_576 = tpu.scan <min>, %reduce_min3A_575 masked %reduce_min3A_572 : vector<16xi32>, vector<16xi1> -> vector<16xi32>
        %reduce_min3A_577 = arith.xori %reduce_min3A_576, %reduce_min3A_574 : vector<16xi32>
        %reduce_min3A_578 = vector.extract %reduce_min3A_577[15] : i32 from vector<16xi32>
        %eq3A_579 = vector.broadcast %while3A_564 : i32 to vector<16xi32>
        %eq3A_580 = arith.cmpi eq, %iota3A, %eq3A_579 : vector<16xi32>
        %broadcast_in_dim3A_581 = vector.broadcast %reduce_min3A_578 : i32 to vector<16xi32>
        %select_n3A_582 = arith.select %eq3A_580, %broadcast_in_dim3A_581, %while3A_565 : vector<16xi1>, vector<16xi32>
        %sub3A_583 = arith.constant 16 : i32
        %sub3A_584 = arith.subi %while3A_564, %sub3A_583 : i32
        %eq3A_585 = vector.broadcast %sub3A_584 : i32 to vector<16xi32>
        %eq3A_586 = arith.cmpi eq, %iota3A, %eq3A_585 : vector<16xi32>
        %broadcast_in_dim3A_587 = vector.broadcast %reduce_min3A_578 : i32 to vector<16xi32>
        %select_n3A_588 = arith.select %eq3A_586, %broadcast_in_dim3A_587, %while3A_566 : vector<16xi1>, vector<16xi32>
        scf.yield %select_n3A_582, %select_n3A_588 : vector<16xi32>, vector<16xi32>
      }
      %scan3A_231 = arith.constant 0 : i32
      %scan3A_232 = arith.constant 64 : i32
      %scan3A_233 = arith.addi %scan3A_231, %scan3A_232 : i32
      %scan3A_234 = arith.constant 1 : i32
      %scan3A_235:2 = scf.for %scan3A_564 = %scan3A_231 to %scan3A_233 step %scan3A_234 iter_args(%scan3A_565 = %while3A_230#0, %scan3A_566 = %while3A_230#1) -> (vector<16xi32>, vector<16xi32>)  : i32 {
        %min3A_567 = arith.minsi %scan3A_565, %scan3A_566 : vector<16xi32>
        %reduce_min3A_568 = arith.constant true
        %reduce_min3A_569 = vector.broadcast %reduce_min3A_568 : i1 to vector<16xi1>
        %reduce_min3A_570 = arith.constant -2147483648 : i32
        %reduce_min3A_571 = vector.broadcast %reduce_min3A_570 : i32 to vector<16xi32>
        %reduce_min3A_572 = arith.xori %min3A_567, %reduce_min3A_571 : vector<16xi32>
        %reduce_min3A_573 = tpu.scan <min>, %reduce_min3A_572 masked %reduce_min3A_569 : vector<16xi32>, vector<16xi1> -> vector<16xi32>
        %reduce_min3A_574 = arith.xori %reduce_min3A_573, %reduce_min3A_571 : vector<16xi32>
        %reduce_min3A_575 = vector.extract %reduce_min3A_574[15] : i32 from vector<16xi32>
        %eq3A_576 = vector.broadcast %reduce_min3A_575 : i32 to vector<16xi32>
        %eq3A_577 = arith.cmpi eq, %scan3A_565, %eq3A_576 : vector<16xi32>
        %all_reduce_ffs3A = tpu.all_reduce %eq3A_577 {dim = 0 : i64, kind = #tpu.reduction_kind<find_first_set>} : vector<16xi1> -> vector<16xi32>
        %eq3A_578 = vector.broadcast %reduce_min3A_575 : i32 to vector<16xi32>
        %eq3A_579 = arith.cmpi eq, %scan3A_566, %eq3A_578 : vector<16xi32>
        %all_reduce_ffs3A_580 = tpu.all_reduce %eq3A_579 {dim = 0 : i64, kind = #tpu.reduction_kind<find_first_set>} : vector<16xi1> -> vector<16xi32>
        %all_reduce_population_count3A = tpu.all_reduce %eq3A_577 {dim = 0 : i64, kind = #tpu.reduction_kind<sum>} : vector<16xi1> -> vector<16xi32>
        %gt3A = arith.constant 0 : i32
        %gt3A_581 = vector.broadcast %gt3A : i32 to vector<16xi32>
        %gt3A_582 = arith.cmpi sgt, %all_reduce_population_count3A, %gt3A_581 : vector<16xi32>
        %add3A_583 = arith.constant 16 : i32
        %add3A_584 = vector.broadcast %add3A_583 : i32 to vector<16xi32>
        %add3A_585 = arith.addi %all_reduce_ffs3A_580, %add3A_584 : vector<16xi32>
        %select_n3A_586 = arith.select %gt3A_582, %all_reduce_ffs3A, %add3A_585 : vector<16xi1>, vector<16xi32>
        %reduce_min3A_587 = arith.constant true
        %reduce_min3A_588 = vector.broadcast %reduce_min3A_587 : i1 to vector<16xi1>
        %reduce_min3A_589 = arith.constant -2147483648 : i32
        %reduce_min3A_590 = vector.broadcast %reduce_min3A_589 : i32 to vector<16xi32>
        %reduce_min3A_591 = arith.xori %select_n3A_586, %reduce_min3A_590 : vector<16xi32>
        %reduce_min3A_592 = tpu.scan <min>, %reduce_min3A_591 masked %reduce_min3A_588 : vector<16xi32>, vector<16xi1> -> vector<16xi32>
        %reduce_min3A_593 = arith.xori %reduce_min3A_592, %reduce_min3A_590 : vector<16xi32>
        %reduce_min3A_594 = vector.extract %reduce_min3A_593[15] : i32 from vector<16xi32>
        %mul3A_595 = arith.constant 16 : i32
        %mul3A_596 = arith.muli %reduce_min3A_594, %mul3A_595 : i32
        %get3A_597 = arith.index_cast %mul3A_596 : i32 to index
        %get3A_598 = tpu.vector_load %arg15[%get3A_597] {strides = array<i32>} : memref<528xi32, #tpu.memory_space<vmem>>, vector<16xi32>,
        %mul3A_599 = arith.constant 16 : i32
        %mul3A_600 = arith.muli %reduce_min3A_594, %mul3A_599 : i32
        %get3A_601 = arith.index_cast %mul3A_600 : i32 to index
        %get3A_602 = tpu.vector_load %arg16[%get3A_601] {strides = array<i32>} : memref<528xi32, #tpu.memory_space<vmem>>, vector<16xi32>,
        %eq3A_603 = vector.broadcast %reduce_min3A_575 : i32 to vector<16xi32>
        %eq3A_604 = arith.cmpi eq, %get3A_598, %eq3A_603 : vector<16xi32>
        %all_reduce_ffs3A_605 = tpu.all_reduce %eq3A_604 {dim = 0 : i64, kind = #tpu.reduction_kind<find_first_set>} : vector<16xi1> -> vector<16xi32>
        %eq3A_606 = arith.cmpi eq, %iota3A, %all_reduce_ffs3A_605 : vector<16xi32>
        %jit3A_607 = arith.constant 2147483647 : i32
        %broadcast_in_dim3A_608 = vector.broadcast %jit3A_607 : i32 to vector<16xi32>
        %select_n3A_609 = arith.select %eq3A_606, %broadcast_in_dim3A_608, %get3A_598 : vector<16xi1>, vector<16xi32>
        %mul3A_610 = arith.constant 16 : i32
        %mul3A_611 = arith.muli %reduce_min3A_594, %mul3A_610 : i32
        %swap3A = arith.index_cast %mul3A_611 : i32 to index
        %swap3A_612 = tpu.vector_load %arg15[%swap3A] {strides = array<i32>} : memref<528xi32, #tpu.memory_space<vmem>>, vector<16xi32>,
        tpu.vector_store %arg15[%swap3A], %select_n3A_609 {strides = array<i32>} : memref<528xi32, #tpu.memory_space<vmem>>, vector<16xi32>,
        %broadcast_in_dim3A_613 = vector.broadcast %scan3A_564 : i32 to vector<16xi32>
        tpu.vector_store_idx %arg17[%broadcast_in_dim3A_613], %get3A_602 masked %eq3A_606 : memref<64xi32, #tpu.memory_space<vmem>>[vector<16xi32>], vector<16xi32>, vector<16xi1>
        %reduce_min3A_614 = arith.constant true
        %reduce_min3A_615 = vector.broadcast %reduce_min3A_614 : i1 to vector<16xi1>
        %reduce_min3A_616 = arith.constant -2147483648 : i32
        %reduce_min3A_617 = vector.broadcast %reduce_min3A_616 : i32 to vector<16xi32>
        %reduce_min3A_618 = arith.xori %select_n3A_609, %reduce_min3A_617 : vector<16xi32>
        %reduce_min3A_619 = tpu.scan <min>, %reduce_min3A_618 masked %reduce_min3A_615 : vector<16xi32>, vector<16xi1> -> vector<16xi32>
        %reduce_min3A_620 = arith.xori %reduce_min3A_619, %reduce_min3A_617 : vector<16xi32>
        %reduce_min3A_621 = vector.extract %reduce_min3A_620[15] : i32 from vector<16xi32>
        %eq3A_622 = arith.cmpi eq, %iota3A, %select_n3A_586 : vector<16xi32>
        %broadcast_in_dim3A_623 = vector.broadcast %reduce_min3A_621 : i32 to vector<16xi32>
        %select_n3A_624 = arith.select %eq3A_622, %broadcast_in_dim3A_623, %scan3A_565 : vector<16xi1>, vector<16xi32>
        %sub3A_625 = arith.constant 16 : i32
        %sub3A_626 = vector.broadcast %sub3A_625 : i32 to vector<16xi32>
        %sub3A_627 = arith.subi %select_n3A_586, %sub3A_626 : vector<16xi32>
        %eq3A_628 = arith.cmpi eq, %iota3A, %sub3A_627 : vector<16xi32>
        %broadcast_in_dim3A_629 = vector.broadcast %reduce_min3A_621 : i32 to vector<16xi32>
        %select_n3A_630 = arith.select %eq3A_628, %broadcast_in_dim3A_629, %scan3A_566 : vector<16xi1>, vector<16xi32>
        scf.yield %select_n3A_624, %select_n3A_630 : vector<16xi32>, vector<16xi32>
      }
      %scan3A_236 = arith.constant 64 : i32
      %broadcast_in_dim3A_237 = vector.broadcast %mul3A_122 : i32 to vector<16xi32>
      %gather3A = tpu.vector_load_idx %arg9[%broadcast_in_dim3A_237] : memref<64xf32, #tpu.memory_space<vmem>>[vector<16xi32>], vector<16xf32>,
      %broadcast_in_dim3A_238 = vector.broadcast %mul3A_122 : i32 to vector<16xi32>
      %gather3A_239 = tpu.vector_load_idx %arg10[%broadcast_in_dim3A_238] : memref<64xf32, #tpu.memory_space<vmem>>[vector<16xi32>], vector<16xf32>,
      %broadcast_in_dim3A_240 = vector.broadcast %mul3A_122 : i32 to vector<16xi32>
      %gather3A_241 = tpu.vector_load_idx %arg11[%broadcast_in_dim3A_240] : memref<64xf32, #tpu.memory_space<vmem>>[vector<16xi32>], vector<16xf32>,
      %get3A_242 = arith.constant 0 : index
      %get3A_243 = tpu.vector_load %arg17[%get3A_242] {strides = array<i32>} : memref<64xi32, #tpu.memory_space<vmem>>, vector<16xi32>,
      %add3A_244 = arith.constant 0 : i32
      %add3A_245 = vector.broadcast %add3A_244 : i32 to vector<16xi32>
      %add3A_246 = arith.addi %add3A_245, %iota3A : vector<16xi32>
      %mul3A_247 = arith.constant 3 : i32
      %mul3A_248 = vector.broadcast %mul3A_247 : i32 to vector<16xi32>
      %mul3A_249 = arith.muli %add3A_246, %mul3A_248 : vector<16xi32>
      %gather3A_250 = tpu.vector_load_idx %arg6[%get3A_243] : memref<8192xf32, #tpu.memory_space<vmem>>[vector<16xi32>], vector<16xf32>,
      %sub3A_251 = arith.subf %gather3A_250, %gather3A : vector<16xf32>
      tpu.vector_store_idx %arg18[%mul3A_249], %sub3A_251 : memref<192xf32, #tpu.memory_space<vmem>>[vector<16xi32>], vector<16xf32>,
      %add3A_252 = arith.constant 1 : i32
      %add3A_253 = vector.broadcast %add3A_252 : i32 to vector<16xi32>
      %add3A_254 = arith.addi %mul3A_249, %add3A_253 : vector<16xi32>
      %gather3A_255 = tpu.vector_load_idx %arg7[%get3A_243] : memref<8192xf32, #tpu.memory_space<vmem>>[vector<16xi32>], vector<16xf32>,
      %sub3A_256 = arith.subf %gather3A_255, %gather3A_239 : vector<16xf32>
      tpu.vector_store_idx %arg18[%add3A_254], %sub3A_256 : memref<192xf32, #tpu.memory_space<vmem>>[vector<16xi32>], vector<16xf32>,
      %add3A_257 = arith.constant 2 : i32
      %add3A_258 = vector.broadcast %add3A_257 : i32 to vector<16xi32>
      %add3A_259 = arith.addi %mul3A_249, %add3A_258 : vector<16xi32>
      %gather3A_260 = tpu.vector_load_idx %arg8[%get3A_243] : memref<8192xf32, #tpu.memory_space<vmem>>[vector<16xi32>], vector<16xf32>,
      %sub3A_261 = arith.subf %gather3A_260, %gather3A_241 : vector<16xf32>
      tpu.vector_store_idx %arg18[%add3A_259], %sub3A_261 : memref<192xf32, #tpu.memory_space<vmem>>[vector<16xi32>], vector<16xf32>,
      %get3A_262 = arith.constant 16 : index
      %get3A_263 = tpu.vector_load %arg17[%get3A_262] {strides = array<i32>} : memref<64xi32, #tpu.memory_space<vmem>>, vector<16xi32>,
      %add3A_264 = arith.constant 16 : i32
      %add3A_265 = vector.broadcast %add3A_264 : i32 to vector<16xi32>
      %add3A_266 = arith.addi %add3A_265, %iota3A : vector<16xi32>
      %mul3A_267 = arith.constant 3 : i32
      %mul3A_268 = vector.broadcast %mul3A_267 : i32 to vector<16xi32>
      %mul3A_269 = arith.muli %add3A_266, %mul3A_268 : vector<16xi32>
      %gather3A_270 = tpu.vector_load_idx %arg6[%get3A_263] : memref<8192xf32, #tpu.memory_space<vmem>>[vector<16xi32>], vector<16xf32>,
      %sub3A_271 = arith.subf %gather3A_270, %gather3A : vector<16xf32>
      tpu.vector_store_idx %arg18[%mul3A_269], %sub3A_271 : memref<192xf32, #tpu.memory_space<vmem>>[vector<16xi32>], vector<16xf32>,
      %add3A_272 = arith.constant 1 : i32
      %add3A_273 = vector.broadcast %add3A_272 : i32 to vector<16xi32>
      %add3A_274 = arith.addi %mul3A_269, %add3A_273 : vector<16xi32>
      %gather3A_275 = tpu.vector_load_idx %arg7[%get3A_263] : memref<8192xf32, #tpu.memory_space<vmem>>[vector<16xi32>], vector<16xf32>,
      %sub3A_276 = arith.subf %gather3A_275, %gather3A_239 : vector<16xf32>
      tpu.vector_store_idx %arg18[%add3A_274], %sub3A_276 : memref<192xf32, #tpu.memory_space<vmem>>[vector<16xi32>], vector<16xf32>,
      %add3A_277 = arith.constant 2 : i32
      %add3A_278 = vector.broadcast %add3A_277 : i32 to vector<16xi32>
      %add3A_279 = arith.addi %mul3A_269, %add3A_278 : vector<16xi32>
      %gather3A_280 = tpu.vector_load_idx %arg8[%get3A_263] : memref<8192xf32, #tpu.memory_space<vmem>>[vector<16xi32>], vector<16xf32>,
      %sub3A_281 = arith.subf %gather3A_280, %gather3A_241 : vector<16xf32>
      tpu.vector_store_idx %arg18[%add3A_279], %sub3A_281 : memref<192xf32, #tpu.memory_space<vmem>>[vector<16xi32>], vector<16xf32>,
      %get3A_282 = arith.constant 32 : index
      %get3A_283 = tpu.vector_load %arg17[%get3A_282] {strides = array<i32>} : memref<64xi32, #tpu.memory_space<vmem>>, vector<16xi32>,
      %add3A_284 = arith.constant 32 : i32
      %add3A_285 = vector.broadcast %add3A_284 : i32 to vector<16xi32>
      %add3A_286 = arith.addi %add3A_285, %iota3A : vector<16xi32>
      %mul3A_287 = arith.constant 3 : i32
      %mul3A_288 = vector.broadcast %mul3A_287 : i32 to vector<16xi32>
      %mul3A_289 = arith.muli %add3A_286, %mul3A_288 : vector<16xi32>
      %gather3A_290 = tpu.vector_load_idx %arg6[%get3A_283] : memref<8192xf32, #tpu.memory_space<vmem>>[vector<16xi32>], vector<16xf32>,
      %sub3A_291 = arith.subf %gather3A_290, %gather3A : vector<16xf32>
      tpu.vector_store_idx %arg18[%mul3A_289], %sub3A_291 : memref<192xf32, #tpu.memory_space<vmem>>[vector<16xi32>], vector<16xf32>,
      %add3A_292 = arith.constant 1 : i32
      %add3A_293 = vector.broadcast %add3A_292 : i32 to vector<16xi32>
      %add3A_294 = arith.addi %mul3A_289, %add3A_293 : vector<16xi32>
      %gather3A_295 = tpu.vector_load_idx %arg7[%get3A_283] : memref<8192xf32, #tpu.memory_space<vmem>>[vector<16xi32>], vector<16xf32>,
      %sub3A_296 = arith.subf %gather3A_295, %gather3A_239 : vector<16xf32>
      tpu.vector_store_idx %arg18[%add3A_294], %sub3A_296 : memref<192xf32, #tpu.memory_space<vmem>>[vector<16xi32>], vector<16xf32>,
      %add3A_297 = arith.constant 2 : i32
      %add3A_298 = vector.broadcast %add3A_297 : i32 to vector<16xi32>
      %add3A_299 = arith.addi %mul3A_289, %add3A_298 : vector<16xi32>
      %gather3A_300 = tpu.vector_load_idx %arg8[%get3A_283] : memref<8192xf32, #tpu.memory_space<vmem>>[vector<16xi32>], vector<16xf32>,
      %sub3A_301 = arith.subf %gather3A_300, %gather3A_241 : vector<16xf32>
      tpu.vector_store_idx %arg18[%add3A_299], %sub3A_301 : memref<192xf32, #tpu.memory_space<vmem>>[vector<16xi32>], vector<16xf32>,
      %get3A_302 = arith.constant 48 : index
      %get3A_303 = tpu.vector_load %arg17[%get3A_302] {strides = array<i32>} : memref<64xi32, #tpu.memory_space<vmem>>, vector<16xi32>,
      %add3A_304 = arith.constant 48 : i32
      %add3A_305 = vector.broadcast %add3A_304 : i32 to vector<16xi32>
      %add3A_306 = arith.addi %add3A_305, %iota3A : vector<16xi32>
      %mul3A_307 = arith.constant 3 : i32
      %mul3A_308 = vector.broadcast %mul3A_307 : i32 to vector<16xi32>
      %mul3A_309 = arith.muli %add3A_306, %mul3A_308 : vector<16xi32>
      %gather3A_310 = tpu.vector_load_idx %arg6[%get3A_303] : memref<8192xf32, #tpu.memory_space<vmem>>[vector<16xi32>], vector<16xf32>,
      %sub3A_311 = arith.subf %gather3A_310, %gather3A : vector<16xf32>
      tpu.vector_store_idx %arg18[%mul3A_309], %sub3A_311 : memref<192xf32, #tpu.memory_space<vmem>>[vector<16xi32>], vector<16xf32>,
      %add3A_312 = arith.constant 1 : i32
      %add3A_313 = vector.broadcast %add3A_312 : i32 to vector<16xi32>
      %add3A_314 = arith.addi %mul3A_309, %add3A_313 : vector<16xi32>
      %gather3A_315 = tpu.vector_load_idx %arg7[%get3A_303] : memref<8192xf32, #tpu.memory_space<vmem>>[vector<16xi32>], vector<16xf32>,
      %sub3A_316 = arith.subf %gather3A_315, %gather3A_239 : vector<16xf32>
      tpu.vector_store_idx %arg18[%add3A_314], %sub3A_316 : memref<192xf32, #tpu.memory_space<vmem>>[vector<16xi32>], vector<16xf32>,
      %add3A_317 = arith.constant 2 : i32
      %add3A_318 = vector.broadcast %add3A_317 : i32 to vector<16xi32>
      %add3A_319 = arith.addi %mul3A_309, %add3A_318 : vector<16xi32>
      %gather3A_320 = tpu.vector_load_idx %arg8[%get3A_303] : memref<8192xf32, #tpu.memory_space<vmem>>[vector<16xi32>], vector<16xf32>,
      %sub3A_321 = arith.subf %gather3A_320, %gather3A_241 : vector<16xf32>
      tpu.vector_store_idx %arg18[%add3A_319], %sub3A_321 : memref<192xf32, #tpu.memory_space<vmem>>[vector<16xi32>], vector<16xf32>,
      %add3A_322 = arith.addi %add3A_35, %mul3A_122 : i32
      %dma_start3A_323 = arith.constant 0 : i32
      %dma_start3A_324 = tpu.memref_slice %arg5[%add3A_322, %dma_start3A_323] : memref<2048x192xf32, #tpu.memory_space<hbm>> -> memref<1x192xf32, #tpu.memory_space<hbm>>
      %dma_start3A_325 = tpu.memref_squeeze %dma_start3A_324 : memref<1x192xf32, #tpu.memory_space<hbm>> -> memref<192xf32, #tpu.memory_space<hbm>>
      %dma_start3A_326 = arith.constant 0 : i32
      %dma_start3A_327 = tpu.memref_slice %arg5[%add3A_322, %dma_start3A_326] : memref<2048x192xf32, #tpu.memory_space<hbm>> -> memref<1x192xf32, #tpu.memory_space<hbm>>
      %dma_start3A_328 = tpu.memref_squeeze %dma_start3A_327 : memref<1x192xf32, #tpu.memory_space<hbm>> -> memref<192xf32, #tpu.memory_space<hbm>>
      tpu.enqueue_dma source(%arg18 : memref<192xf32, #tpu.memory_space<vmem>>) target(%dma_start3A_328 : memref<192xf32, #tpu.memory_space<hbm>>) target_semaphore(%arg21 : memref<!tpu.dma_semaphore, #tpu.memory_space<semaphore_mem>>)
      %add3A_329 = arith.addi %add3A_35, %mul3A_122 : i32
      %dma_wait3A_330 = arith.constant 0 : i32
      %dma_wait3A_331 = tpu.memref_slice %arg5[%add3A_329, %dma_wait3A_330] : memref<2048x192xf32, #tpu.memory_space<hbm>> -> memref<1x192xf32, #tpu.memory_space<hbm>>
      %dma_wait3A_332 = tpu.memref_squeeze %dma_wait3A_331 : memref<1x192xf32, #tpu.memory_space<hbm>> -> memref<192xf32, #tpu.memory_space<hbm>>
      %dma_wait3A_333 = arith.constant 0 : i32
      %dma_wait3A_334 = tpu.memref_slice %arg5[%add3A_329, %dma_wait3A_333] : memref<2048x192xf32, #tpu.memory_space<hbm>> -> memref<1x192xf32, #tpu.memory_space<hbm>>
      %dma_wait3A_335 = tpu.memref_squeeze %dma_wait3A_334 : memref<1x192xf32, #tpu.memory_space<hbm>> -> memref<192xf32, #tpu.memory_space<hbm>>
      tpu.wait_dma2 semaphore(%arg21 : memref<!tpu.dma_semaphore, #tpu.memory_space<semaphore_mem>>) src(%arg18 : memref<192xf32, #tpu.memory_space<vmem>>) dst(%dma_wait3A_335 : memref<192xf32, #tpu.memory_space<hbm>>)
      %add3A_336 = arith.addi %add3A_35, %mul3A_122 : i32
      %add3A_337 = arith.constant 1 : i32
      %add3A_338 = arith.addi %add3A_336, %add3A_337 : i32
      %dma_wait3A_339 = arith.constant 0 : i32
      %dma_wait3A_340 = tpu.memref_slice %arg2[%add3A_338, %dma_wait3A_339] : memref<2048x8192xi32, #tpu.memory_space<hbm>> -> memref<1x8192xi32, #tpu.memory_space<hbm>>
      %dma_wait3A_341 = tpu.memref_squeeze %dma_wait3A_340 : memref<1x8192xi32, #tpu.memory_space<hbm>> -> memref<8192xi32, #tpu.memory_space<hbm>>
      %dma_wait3A_342 = arith.constant 0 : i32
      %dma_wait3A_343 = tpu.memref_slice %arg2[%add3A_338, %dma_wait3A_342] : memref<2048x8192xi32, #tpu.memory_space<hbm>> -> memref<1x8192xi32, #tpu.memory_space<hbm>>
      %dma_wait3A_344 = tpu.memref_squeeze %dma_wait3A_343 : memref<1x8192xi32, #tpu.memory_space<hbm>> -> memref<8192xi32, #tpu.memory_space<hbm>>
      tpu.wait_dma2 semaphore(%arg20 : memref<!tpu.dma_semaphore, #tpu.memory_space<semaphore_mem>>) src(%dma_wait3A_344 : memref<8192xi32, #tpu.memory_space<hbm>>) dst(%arg13 : memref<8192xi32, #tpu.memory_space<vmem>>)
      %add3A_345 = arith.constant 2 : i32
      %add3A_346 = arith.addi %mul3A_122, %add3A_345 : i32
      %lt3A_347 = arith.constant 64 : i32
      %lt3A_348 = arith.cmpi slt, %add3A_346, %lt3A_347 : i32
      %convert_element_type3A_349 = arith.extui %lt3A_348 : i1 to i32
      %cond3A_350 = arith.constant 0 : i32
      %cond3A_351 = arith.cmpi ne, %convert_element_type3A_349, %cond3A_350 : i32
      scf.if %cond3A_351 {
        %add3A_564 = arith.addi %add3A_35, %mul3A_122 : i32
        %add3A_565 = arith.constant 2 : i32
        %add3A_566 = arith.addi %add3A_564, %add3A_565 : i32
        %dma_start3A_567 = arith.constant 0 : i32
        %dma_start3A_568 = tpu.memref_slice %arg2[%add3A_566, %dma_start3A_567] : memref<2048x8192xi32, #tpu.memory_space<hbm>> -> memref<1x8192xi32, #tpu.memory_space<hbm>>
        %dma_start3A_569 = tpu.memref_squeeze %dma_start3A_568 : memref<1x8192xi32, #tpu.memory_space<hbm>> -> memref<8192xi32, #tpu.memory_space<hbm>>
        %dma_start3A_570 = arith.constant 0 : i32
        %dma_start3A_571 = tpu.memref_slice %arg2[%add3A_566, %dma_start3A_570] : memref<2048x8192xi32, #tpu.memory_space<hbm>> -> memref<1x8192xi32, #tpu.memory_space<hbm>>
        %dma_start3A_572 = tpu.memref_squeeze %dma_start3A_571 : memref<1x8192xi32, #tpu.memory_space<hbm>> -> memref<8192xi32, #tpu.memory_space<hbm>>
        tpu.enqueue_dma source(%dma_start3A_572 : memref<8192xi32, #tpu.memory_space<hbm>>) target(%arg12 : memref<8192xi32, #tpu.memory_space<vmem>>) target_semaphore(%arg19 : memref<!tpu.dma_semaphore, #tpu.memory_space<semaphore_mem>>)
      } else {
      }
      %add3A_352 = arith.constant 1 : i32
      %add3A_353 = arith.addi %mul3A_122, %add3A_352 : i32
      %scan3A_354 = arith.constant 0 : i32
      %scan3A_355 = arith.constant 0 : i32
      %scan3A_356 = arith.constant 128 : i32
      %scan3A_357 = arith.addi %scan3A_355, %scan3A_356 : i32
      %scan3A_358 = arith.constant 8 : i32
      %scan3A_359 = scf.for %scan3A_564 = %scan3A_355 to %scan3A_357 step %scan3A_358 iter_args(%scan3A_565 = %scan3A_354) -> (i32)  : i32 {
        %broadcast_in_dim3A_566 = arith.constant 0 : i32
        %broadcast_in_dim3A_567 = vector.broadcast %broadcast_in_dim3A_566 : i32 to vector<16xi32>
        %mul3A_568 = arith.constant 16 : i32
        %mul3A_569 = arith.muli %scan3A_564, %mul3A_568 : i32
        %swap3A = arith.index_cast %mul3A_569 : i32 to index
        %swap3A_570 = tpu.vector_load %arg14[%swap3A] {strides = array<i32>} : memref<2048xi32, #tpu.memory_space<vmem>>, vector<16xi32>,
        tpu.vector_store %arg14[%swap3A], %broadcast_in_dim3A_567 {strides = array<i32>} : memref<2048xi32, #tpu.memory_space<vmem>>, vector<16xi32>,
        %scan3A_571 = arith.constant 0 : i32
        %scan3A_572 = arith.constant 1 : i32
        %scan3A_573 = arith.addi %scan3A_564, %scan3A_572 : i32
        %broadcast_in_dim3A_574 = arith.constant 0 : i32
        %broadcast_in_dim3A_575 = vector.broadcast %broadcast_in_dim3A_574 : i32 to vector<16xi32>
        %mul3A_576 = arith.constant 16 : i32
        %mul3A_577 = arith.muli %scan3A_573, %mul3A_576 : i32
        %swap3A_578 = arith.index_cast %mul3A_577 : i32 to index
        %swap3A_579 = tpu.vector_load %arg14[%swap3A_578] {strides = array<i32>} : memref<2048xi32, #tpu.memory_space<vmem>>, vector<16xi32>,
        tpu.vector_store %arg14[%swap3A_578], %broadcast_in_dim3A_575 {strides = array<i32>} : memref<2048xi32, #tpu.memory_space<vmem>>, vector<16xi32>,
        %scan3A_580 = arith.constant 0 : i32
        %scan3A_581 = arith.constant 2 : i32
        %scan3A_582 = arith.addi %scan3A_564, %scan3A_581 : i32
        %broadcast_in_dim3A_583 = arith.constant 0 : i32
        %broadcast_in_dim3A_584 = vector.broadcast %broadcast_in_dim3A_583 : i32 to vector<16xi32>
        %mul3A_585 = arith.constant 16 : i32
        %mul3A_586 = arith.muli %scan3A_582, %mul3A_585 : i32
        %swap3A_587 = arith.index_cast %mul3A_586 : i32 to index
        %swap3A_588 = tpu.vector_load %arg14[%swap3A_587] {strides = array<i32>} : memref<2048xi32, #tpu.memory_space<vmem>>, vector<16xi32>,
        tpu.vector_store %arg14[%swap3A_587], %broadcast_in_dim3A_584 {strides = array<i32>} : memref<2048xi32, #tpu.memory_space<vmem>>, vector<16xi32>,
        %scan3A_589 = arith.constant 0 : i32
        %scan3A_590 = arith.constant 3 : i32
        %scan3A_591 = arith.addi %scan3A_564, %scan3A_590 : i32
        %broadcast_in_dim3A_592 = arith.constant 0 : i32
        %broadcast_in_dim3A_593 = vector.broadcast %broadcast_in_dim3A_592 : i32 to vector<16xi32>
        %mul3A_594 = arith.constant 16 : i32
        %mul3A_595 = arith.muli %scan3A_591, %mul3A_594 : i32
        %swap3A_596 = arith.index_cast %mul3A_595 : i32 to index
        %swap3A_597 = tpu.vector_load %arg14[%swap3A_596] {strides = array<i32>} : memref<2048xi32, #tpu.memory_space<vmem>>, vector<16xi32>,
        tpu.vector_store %arg14[%swap3A_596], %broadcast_in_dim3A_593 {strides = array<i32>} : memref<2048xi32, #tpu.memory_space<vmem>>, vector<16xi32>,
        %scan3A_598 = arith.constant 0 : i32
        %scan3A_599 = arith.constant 4 : i32
        %scan3A_600 = arith.addi %scan3A_564, %scan3A_599 : i32
        %broadcast_in_dim3A_601 = arith.constant 0 : i32
        %broadcast_in_dim3A_602 = vector.broadcast %broadcast_in_dim3A_601 : i32 to vector<16xi32>
        %mul3A_603 = arith.constant 16 : i32
        %mul3A_604 = arith.muli %scan3A_600, %mul3A_603 : i32
        %swap3A_605 = arith.index_cast %mul3A_604 : i32 to index
        %swap3A_606 = tpu.vector_load %arg14[%swap3A_605] {strides = array<i32>} : memref<2048xi32, #tpu.memory_space<vmem>>, vector<16xi32>,
        tpu.vector_store %arg14[%swap3A_605], %broadcast_in_dim3A_602 {strides = array<i32>} : memref<2048xi32, #tpu.memory_space<vmem>>, vector<16xi32>,
        %scan3A_607 = arith.constant 0 : i32
        %scan3A_608 = arith.constant 5 : i32
        %scan3A_609 = arith.addi %scan3A_564, %scan3A_608 : i32
        %broadcast_in_dim3A_610 = arith.constant 0 : i32
        %broadcast_in_dim3A_611 = vector.broadcast %broadcast_in_dim3A_610 : i32 to vector<16xi32>
        %mul3A_612 = arith.constant 16 : i32
        %mul3A_613 = arith.muli %scan3A_609, %mul3A_612 : i32
        %swap3A_614 = arith.index_cast %mul3A_613 : i32 to index
        %swap3A_615 = tpu.vector_load %arg14[%swap3A_614] {strides = array<i32>} : memref<2048xi32, #tpu.memory_space<vmem>>, vector<16xi32>,
        tpu.vector_store %arg14[%swap3A_614], %broadcast_in_dim3A_611 {strides = array<i32>} : memref<2048xi32, #tpu.memory_space<vmem>>, vector<16xi32>,
        %scan3A_616 = arith.constant 0 : i32
        %scan3A_617 = arith.constant 6 : i32
        %scan3A_618 = arith.addi %scan3A_564, %scan3A_617 : i32
        %broadcast_in_dim3A_619 = arith.constant 0 : i32
        %broadcast_in_dim3A_620 = vector.broadcast %broadcast_in_dim3A_619 : i32 to vector<16xi32>
        %mul3A_621 = arith.constant 16 : i32
        %mul3A_622 = arith.muli %scan3A_618, %mul3A_621 : i32
        %swap3A_623 = arith.index_cast %mul3A_622 : i32 to index
        %swap3A_624 = tpu.vector_load %arg14[%swap3A_623] {strides = array<i32>} : memref<2048xi32, #tpu.memory_space<vmem>>, vector<16xi32>,
        tpu.vector_store %arg14[%swap3A_623], %broadcast_in_dim3A_620 {strides = array<i32>} : memref<2048xi32, #tpu.memory_space<vmem>>, vector<16xi32>,
        %scan3A_625 = arith.constant 0 : i32
        %scan3A_626 = arith.constant 7 : i32
        %scan3A_627 = arith.addi %scan3A_564, %scan3A_626 : i32
        %broadcast_in_dim3A_628 = arith.constant 0 : i32
        %broadcast_in_dim3A_629 = vector.broadcast %broadcast_in_dim3A_628 : i32 to vector<16xi32>
        %mul3A_630 = arith.constant 16 : i32
        %mul3A_631 = arith.muli %scan3A_627, %mul3A_630 : i32
        %swap3A_632 = arith.index_cast %mul3A_631 : i32 to index
        %swap3A_633 = tpu.vector_load %arg14[%swap3A_632] {strides = array<i32>} : memref<2048xi32, #tpu.memory_space<vmem>>, vector<16xi32>,
        tpu.vector_store %arg14[%swap3A_632], %broadcast_in_dim3A_629 {strides = array<i32>} : memref<2048xi32, #tpu.memory_space<vmem>>, vector<16xi32>,
        %scan3A_634 = arith.constant 0 : i32
        scf.yield %scan3A_634 : i32
      }
      %scan3A_360 = arith.constant 128 : i32
      %broadcast_in_dim3A_361 = arith.constant 2147483647 : i32
      %broadcast_in_dim3A_362 = vector.broadcast %broadcast_in_dim3A_361 : i32 to vector<16xi32>
      %scan3A_363 = arith.constant 0 : i32
      %scan3A_364 = arith.constant 512 : i32
      %scan3A_365 = arith.addi %scan3A_363, %scan3A_364 : i32
      %scan3A_366 = arith.constant 8 : i32
      %scan3A_367 = scf.for %scan3A_564 = %scan3A_363 to %scan3A_365 step %scan3A_366 iter_args(%scan3A_565 = %broadcast_in_dim3A_362) -> (vector<16xi32>)  : i32 {
        %mul3A_566 = arith.constant 16 : i32
        %mul3A_567 = arith.muli %scan3A_564, %mul3A_566 : i32
        %get3A_568 = arith.index_cast %mul3A_567 : i32 to index
        %get3A_569 = tpu.vector_load %arg13[%get3A_568] {strides = array<i32>} : memref<8192xi32, #tpu.memory_space<vmem>>, vector<16xi32>,
        %shift_right_arithmetic3A_570 = arith.constant 21 : i32
        %shift_right_arithmetic3A_571 = vector.broadcast %shift_right_arithmetic3A_570 : i32 to vector<16xi32>
        %shift_right_arithmetic3A_572 = arith.shrsi %get3A_569, %shift_right_arithmetic3A_571 : vector<16xi32>
        %add3A_573 = arith.constant 1024 : i32
        %add3A_574 = vector.broadcast %add3A_573 : i32 to vector<16xi32>
        %add3A_575 = arith.addi %shift_right_arithmetic3A_572, %add3A_574 : vector<16xi32>
        tpu.vector_store_idx %arg14[%add3A_575], %broadcast_in_dim3A_36 {add = true} : memref<2048xi32, #tpu.memory_space<vmem>>[vector<16xi32>], vector<16xi32>,
        %min3A_576 = arith.minsi %scan3A_565, %get3A_569 : vector<16xi32>
        %scan3A_577 = arith.constant 1 : i32
        %scan3A_578 = arith.addi %scan3A_564, %scan3A_577 : i32
        %mul3A_579 = arith.constant 16 : i32
        %mul3A_580 = arith.muli %scan3A_578, %mul3A_579 : i32
        %get3A_581 = arith.index_cast %mul3A_580 : i32 to index
        %get3A_582 = tpu.vector_load %arg13[%get3A_581] {strides = array<i32>} : memref<8192xi32, #tpu.memory_space<vmem>>, vector<16xi32>,
        %shift_right_arithmetic3A_583 = arith.constant 21 : i32
        %shift_right_arithmetic3A_584 = vector.broadcast %shift_right_arithmetic3A_583 : i32 to vector<16xi32>
        %shift_right_arithmetic3A_585 = arith.shrsi %get3A_582, %shift_right_arithmetic3A_584 : vector<16xi32>
        %add3A_586 = arith.constant 1024 : i32
        %add3A_587 = vector.broadcast %add3A_586 : i32 to vector<16xi32>
        %add3A_588 = arith.addi %shift_right_arithmetic3A_585, %add3A_587 : vector<16xi32>
        tpu.vector_store_idx %arg14[%add3A_588], %broadcast_in_dim3A_36 {add = true} : memref<2048xi32, #tpu.memory_space<vmem>>[vector<16xi32>], vector<16xi32>,
        %min3A_589 = arith.minsi %min3A_576, %get3A_582 : vector<16xi32>
        %scan3A_590 = arith.constant 2 : i32
        %scan3A_591 = arith.addi %scan3A_564, %scan3A_590 : i32
        %mul3A_592 = arith.constant 16 : i32
        %mul3A_593 = arith.muli %scan3A_591, %mul3A_592 : i32
        %get3A_594 = arith.index_cast %mul3A_593 : i32 to index
        %get3A_595 = tpu.vector_load %arg13[%get3A_594] {strides = array<i32>} : memref<8192xi32, #tpu.memory_space<vmem>>, vector<16xi32>,
        %shift_right_arithmetic3A_596 = arith.constant 21 : i32
        %shift_right_arithmetic3A_597 = vector.broadcast %shift_right_arithmetic3A_596 : i32 to vector<16xi32>
        %shift_right_arithmetic3A_598 = arith.shrsi %get3A_595, %shift_right_arithmetic3A_597 : vector<16xi32>
        %add3A_599 = arith.constant 1024 : i32
        %add3A_600 = vector.broadcast %add3A_599 : i32 to vector<16xi32>
        %add3A_601 = arith.addi %shift_right_arithmetic3A_598, %add3A_600 : vector<16xi32>
        tpu.vector_store_idx %arg14[%add3A_601], %broadcast_in_dim3A_36 {add = true} : memref<2048xi32, #tpu.memory_space<vmem>>[vector<16xi32>], vector<16xi32>,
        %min3A_602 = arith.minsi %min3A_589, %get3A_595 : vector<16xi32>
        %scan3A_603 = arith.constant 3 : i32
        %scan3A_604 = arith.addi %scan3A_564, %scan3A_603 : i32
        %mul3A_605 = arith.constant 16 : i32
        %mul3A_606 = arith.muli %scan3A_604, %mul3A_605 : i32
        %get3A_607 = arith.index_cast %mul3A_606 : i32 to index
        %get3A_608 = tpu.vector_load %arg13[%get3A_607] {strides = array<i32>} : memref<8192xi32, #tpu.memory_space<vmem>>, vector<16xi32>,
        %shift_right_arithmetic3A_609 = arith.constant 21 : i32
        %shift_right_arithmetic3A_610 = vector.broadcast %shift_right_arithmetic3A_609 : i32 to vector<16xi32>
        %shift_right_arithmetic3A_611 = arith.shrsi %get3A_608, %shift_right_arithmetic3A_610 : vector<16xi32>
        %add3A_612 = arith.constant 1024 : i32
        %add3A_613 = vector.broadcast %add3A_612 : i32 to vector<16xi32>
        %add3A_614 = arith.addi %shift_right_arithmetic3A_611, %add3A_613 : vector<16xi32>
        tpu.vector_store_idx %arg14[%add3A_614], %broadcast_in_dim3A_36 {add = true} : memref<2048xi32, #tpu.memory_space<vmem>>[vector<16xi32>], vector<16xi32>,
        %min3A_615 = arith.minsi %min3A_602, %get3A_608 : vector<16xi32>
        %scan3A_616 = arith.constant 4 : i32
        %scan3A_617 = arith.addi %scan3A_564, %scan3A_616 : i32
        %mul3A_618 = arith.constant 16 : i32
        %mul3A_619 = arith.muli %scan3A_617, %mul3A_618 : i32
        %get3A_620 = arith.index_cast %mul3A_619 : i32 to index
        %get3A_621 = tpu.vector_load %arg13[%get3A_620] {strides = array<i32>} : memref<8192xi32, #tpu.memory_space<vmem>>, vector<16xi32>,
        %shift_right_arithmetic3A_622 = arith.constant 21 : i32
        %shift_right_arithmetic3A_623 = vector.broadcast %shift_right_arithmetic3A_622 : i32 to vector<16xi32>
        %shift_right_arithmetic3A_624 = arith.shrsi %get3A_621, %shift_right_arithmetic3A_623 : vector<16xi32>
        %add3A_625 = arith.constant 1024 : i32
        %add3A_626 = vector.broadcast %add3A_625 : i32 to vector<16xi32>
        %add3A_627 = arith.addi %shift_right_arithmetic3A_624, %add3A_626 : vector<16xi32>
        tpu.vector_store_idx %arg14[%add3A_627], %broadcast_in_dim3A_36 {add = true} : memref<2048xi32, #tpu.memory_space<vmem>>[vector<16xi32>], vector<16xi32>,
        %min3A_628 = arith.minsi %min3A_615, %get3A_621 : vector<16xi32>
        %scan3A_629 = arith.constant 5 : i32
        %scan3A_630 = arith.addi %scan3A_564, %scan3A_629 : i32
        %mul3A_631 = arith.constant 16 : i32
        %mul3A_632 = arith.muli %scan3A_630, %mul3A_631 : i32
        %get3A_633 = arith.index_cast %mul3A_632 : i32 to index
        %get3A_634 = tpu.vector_load %arg13[%get3A_633] {strides = array<i32>} : memref<8192xi32, #tpu.memory_space<vmem>>, vector<16xi32>,
        %shift_right_arithmetic3A_635 = arith.constant 21 : i32
        %shift_right_arithmetic3A_636 = vector.broadcast %shift_right_arithmetic3A_635 : i32 to vector<16xi32>
        %shift_right_arithmetic3A_637 = arith.shrsi %get3A_634, %shift_right_arithmetic3A_636 : vector<16xi32>
        %add3A_638 = arith.constant 1024 : i32
        %add3A_639 = vector.broadcast %add3A_638 : i32 to vector<16xi32>
        %add3A_640 = arith.addi %shift_right_arithmetic3A_637, %add3A_639 : vector<16xi32>
        tpu.vector_store_idx %arg14[%add3A_640], %broadcast_in_dim3A_36 {add = true} : memref<2048xi32, #tpu.memory_space<vmem>>[vector<16xi32>], vector<16xi32>,
        %min3A_641 = arith.minsi %min3A_628, %get3A_634 : vector<16xi32>
        %scan3A_642 = arith.constant 6 : i32
        %scan3A_643 = arith.addi %scan3A_564, %scan3A_642 : i32
        %mul3A_644 = arith.constant 16 : i32
        %mul3A_645 = arith.muli %scan3A_643, %mul3A_644 : i32
        %get3A_646 = arith.index_cast %mul3A_645 : i32 to index
        %get3A_647 = tpu.vector_load %arg13[%get3A_646] {strides = array<i32>} : memref<8192xi32, #tpu.memory_space<vmem>>, vector<16xi32>,
        %shift_right_arithmetic3A_648 = arith.constant 21 : i32
        %shift_right_arithmetic3A_649 = vector.broadcast %shift_right_arithmetic3A_648 : i32 to vector<16xi32>
        %shift_right_arithmetic3A_650 = arith.shrsi %get3A_647, %shift_right_arithmetic3A_649 : vector<16xi32>
        %add3A_651 = arith.constant 1024 : i32
        %add3A_652 = vector.broadcast %add3A_651 : i32 to vector<16xi32>
        %add3A_653 = arith.addi %shift_right_arithmetic3A_650, %add3A_652 : vector<16xi32>
        tpu.vector_store_idx %arg14[%add3A_653], %broadcast_in_dim3A_36 {add = true} : memref<2048xi32, #tpu.memory_space<vmem>>[vector<16xi32>], vector<16xi32>,
        %min3A_654 = arith.minsi %min3A_641, %get3A_647 : vector<16xi32>
        %scan3A_655 = arith.constant 7 : i32
        %scan3A_656 = arith.addi %scan3A_564, %scan3A_655 : i32
        %mul3A_657 = arith.constant 16 : i32
        %mul3A_658 = arith.muli %scan3A_656, %mul3A_657 : i32
        %get3A_659 = arith.index_cast %mul3A_658 : i32 to index
        %get3A_660 = tpu.vector_load %arg13[%get3A_659] {strides = array<i32>} : memref<8192xi32, #tpu.memory_space<vmem>>, vector<16xi32>,
        %shift_right_arithmetic3A_661 = arith.constant 21 : i32
        %shift_right_arithmetic3A_662 = vector.broadcast %shift_right_arithmetic3A_661 : i32 to vector<16xi32>
        %shift_right_arithmetic3A_663 = arith.shrsi %get3A_660, %shift_right_arithmetic3A_662 : vector<16xi32>
        %add3A_664 = arith.constant 1024 : i32
        %add3A_665 = vector.broadcast %add3A_664 : i32 to vector<16xi32>
        %add3A_666 = arith.addi %shift_right_arithmetic3A_663, %add3A_665 : vector<16xi32>
        tpu.vector_store_idx %arg14[%add3A_666], %broadcast_in_dim3A_36 {add = true} : memref<2048xi32, #tpu.memory_space<vmem>>[vector<16xi32>], vector<16xi32>,
        %min3A_667 = arith.minsi %min3A_654, %get3A_660 : vector<16xi32>
        scf.yield %min3A_667 : vector<16xi32>
      }
      %scan3A_368 = arith.constant 512 : i32
      %reduce_min3A_369 = arith.constant true
      %reduce_min3A_370 = vector.broadcast %reduce_min3A_369 : i1 to vector<16xi1>
      %reduce_min3A_371 = arith.constant -2147483648 : i32
      %reduce_min3A_372 = vector.broadcast %reduce_min3A_371 : i32 to vector<16xi32>
      %reduce_min3A_373 = arith.xori %scan3A_367, %reduce_min3A_372 : vector<16xi32>
      %reduce_min3A_374 = tpu.scan <min>, %reduce_min3A_373 masked %reduce_min3A_370 : vector<16xi32>, vector<16xi1> -> vector<16xi32>
      %reduce_min3A_375 = arith.xori %reduce_min3A_374, %reduce_min3A_372 : vector<16xi32>
      %reduce_min3A_376 = vector.extract %reduce_min3A_375[15] : i32 from vector<16xi32>
      %shift_right_arithmetic3A_377 = arith.constant 21 : i32
      %shift_right_arithmetic3A_378 = arith.shrsi %reduce_min3A_376, %shift_right_arithmetic3A_377 : i32
      %add3A_379 = arith.constant 1024 : i32
      %add3A_380 = arith.addi %shift_right_arithmetic3A_378, %add3A_379 : i32
      %shift_right_arithmetic3A_381 = arith.constant 4 : i32
      %shift_right_arithmetic3A_382 = arith.shrsi %add3A_380, %shift_right_arithmetic3A_381 : i32
      %while3A_383 = arith.constant 0 : i32
      %while3A_384 = arith.constant false
      %while3A_385:3 = scf.while (%while3A_564 = %shift_right_arithmetic3A_382, %while3A_565 = %while3A_383, %while3A_566 = %while3A_384) : (i32, i32, i1) -> (i32, i32, i1) {
        %not3A = arith.constant true
        %not3A_567 = arith.xori %while3A_566, %not3A : i1
        scf.condition(%not3A_567) %while3A_564, %while3A_565, %while3A_566 : i32, i32, i1
      } do {
      ^bb0(%while3A_564: i32, %while3A_565: i32, %while3A_566: i1):
        %mul3A_567 = arith.constant 16 : i32
        %mul3A_568 = arith.muli %while3A_564, %mul3A_567 : i32
        %get3A_569 = arith.index_cast %mul3A_568 : i32 to index
        %get3A_570 = tpu.vector_load %arg14[%get3A_569] {strides = array<i32>} : memref<2048xi32, #tpu.memory_space<vmem>>, vector<16xi32>,
        %reduce_sum3A = arith.constant true
        %reduce_sum3A_571 = vector.broadcast %reduce_sum3A : i1 to vector<16xi1>
        %reduce_sum3A_572 = tpu.scan <sum>, %get3A_570 masked %reduce_sum3A_571 : vector<16xi32>, vector<16xi1> -> vector<16xi32>
        %reduce_sum3A_573 = vector.extract %reduce_sum3A_572[15] : i32 from vector<16xi32>
        %add3A_574 = arith.addi %while3A_565, %reduce_sum3A_573 : i32
        %ge3A_575 = arith.constant 64 : i32
        %ge3A_576 = arith.cmpi sge, %add3A_574, %ge3A_575 : i32
        %ge3A_577 = arith.constant 127 : i32
        %ge3A_578 = arith.cmpi sge, %while3A_564, %ge3A_577 : i32
        %or3A = arith.ori %ge3A_576, %ge3A_578 : i1
        %add3A_579 = arith.constant 1 : i32
        %add3A_580 = arith.addi %while3A_564, %add3A_579 : i32
        %select_n3A_581 = arith.select %or3A, %while3A_564, %add3A_580 : i32
        %add3A_582 = arith.addi %while3A_565, %reduce_sum3A_573 : i32
        %select_n3A_583 = arith.select %or3A, %while3A_565, %add3A_582 : i32
        scf.yield %select_n3A_581, %select_n3A_583, %or3A : i32, i32, i1
      }
      %mul3A_386 = arith.constant 16 : i32
      %mul3A_387 = arith.muli %while3A_385#0, %mul3A_386 : i32
      %get3A_388 = arith.index_cast %mul3A_387 : i32 to index
      %get3A_389 = tpu.vector_load %arg14[%get3A_388] {strides = array<i32>} : memref<2048xi32, #tpu.memory_space<vmem>>, vector<16xi32>,
      %broadcast_in_dim3A_390 = arith.constant true
      %broadcast_in_dim3A_391 = vector.broadcast %broadcast_in_dim3A_390 : i1 to vector<16xi1>
      %masked_cumsum3A_392 = tpu.scan <sum>, %get3A_389 masked %broadcast_in_dim3A_391 : vector<16xi32>, vector<16xi1> -> vector<16xi32>
      %add3A_393 = vector.broadcast %while3A_385#1 : i32 to vector<16xi32>
      %add3A_394 = arith.addi %masked_cumsum3A_392, %add3A_393 : vector<16xi32>
      %ge3A_395 = arith.constant 64 : i32
      %ge3A_396 = vector.broadcast %ge3A_395 : i32 to vector<16xi32>
      %ge3A_397 = arith.cmpi sge, %add3A_394, %ge3A_396 : vector<16xi32>
      %jit3A_398 = arith.constant 16 : i32
      %broadcast_in_dim3A_399 = vector.broadcast %jit3A_398 : i32 to vector<16xi32>
      %select_n3A_400 = arith.select %ge3A_397, %iota3A, %broadcast_in_dim3A_399 : vector<16xi1>, vector<16xi32>
      %reduce_min3A_401 = arith.constant true
      %reduce_min3A_402 = vector.broadcast %reduce_min3A_401 : i1 to vector<16xi1>
      %reduce_min3A_403 = arith.constant -2147483648 : i32
      %reduce_min3A_404 = vector.broadcast %reduce_min3A_403 : i32 to vector<16xi32>
      %reduce_min3A_405 = arith.xori %select_n3A_400, %reduce_min3A_404 : vector<16xi32>
      %reduce_min3A_406 = tpu.scan <min>, %reduce_min3A_405 masked %reduce_min3A_402 : vector<16xi32>, vector<16xi1> -> vector<16xi32>
      %reduce_min3A_407 = arith.xori %reduce_min3A_406, %reduce_min3A_404 : vector<16xi32>
      %reduce_min3A_408 = vector.extract %reduce_min3A_407[15] : i32 from vector<16xi32>
      %mul3A_409 = arith.constant 16 : i32
      %mul3A_410 = arith.muli %while3A_385#0, %mul3A_409 : i32
      %min3A_411 = arith.constant 15 : i32
      %min3A_412 = arith.minsi %reduce_min3A_408, %min3A_411 : i32
      %add3A_413 = arith.addi %mul3A_410, %min3A_412 : i32
      %broadcast_in_dim3A_414 = arith.constant 0 : i32
      %broadcast_in_dim3A_415 = vector.broadcast %broadcast_in_dim3A_414 : i32 to vector<16xi32>
      %scan3A_416 = arith.constant 0 : i32
      %scan3A_417 = arith.constant 512 : i32
      %scan3A_418 = arith.addi %scan3A_416, %scan3A_417 : i32
      %scan3A_419 = arith.constant 4 : i32
      %scan3A_420 = scf.for %scan3A_564 = %scan3A_416 to %scan3A_418 step %scan3A_419 iter_args(%scan3A_565 = %broadcast_in_dim3A_415) -> (vector<16xi32>)  : i32 {
        %mul3A_566 = arith.constant 16 : i32
        %mul3A_567 = arith.muli %scan3A_564, %mul3A_566 : i32
        %get3A_568 = arith.index_cast %mul3A_567 : i32 to index
        %get3A_569 = tpu.vector_load %arg13[%get3A_568] {strides = array<i32>} : memref<8192xi32, #tpu.memory_space<vmem>>, vector<16xi32>,
        %shift_right_arithmetic3A_570 = arith.constant 21 : i32
        %shift_right_arithmetic3A_571 = vector.broadcast %shift_right_arithmetic3A_570 : i32 to vector<16xi32>
        %shift_right_arithmetic3A_572 = arith.shrsi %get3A_569, %shift_right_arithmetic3A_571 : vector<16xi32>
        %add3A_573 = arith.constant 1024 : i32
        %add3A_574 = vector.broadcast %add3A_573 : i32 to vector<16xi32>
        %add3A_575 = arith.addi %shift_right_arithmetic3A_572, %add3A_574 : vector<16xi32>
        %le3A = vector.broadcast %add3A_413 : i32 to vector<16xi32>
        %le3A_576 = arith.cmpi sle, %add3A_575, %le3A : vector<16xi32>
        %all_reduce_population_count3A = tpu.all_reduce %le3A_576 {dim = 0 : i64, kind = #tpu.reduction_kind<sum>} : vector<16xi1> -> vector<16xi32>
        %convert_element_type3A_577 = arith.extui %le3A_576 : vector<16xi1> to vector<16xi32>
        %broadcast_in_dim3A_578 = arith.constant true
        %broadcast_in_dim3A_579 = vector.broadcast %broadcast_in_dim3A_578 : i1 to vector<16xi1>
        %masked_cumsum3A_580 = tpu.scan <sum>, %convert_element_type3A_577 masked %broadcast_in_dim3A_579 : vector<16xi32>, vector<16xi1> -> vector<16xi32>
        %add3A_581 = arith.addi %scan3A_565, %masked_cumsum3A_580 : vector<16xi32>
        %sub3A_582 = arith.constant 1 : i32
        %sub3A_583 = vector.broadcast %sub3A_582 : i32 to vector<16xi32>
        %sub3A_584 = arith.subi %add3A_581, %sub3A_583 : vector<16xi32>
        %lt3A_585 = arith.constant 512 : i32
        %lt3A_586 = vector.broadcast %lt3A_585 : i32 to vector<16xi32>
        %lt3A_587 = arith.cmpi slt, %sub3A_584, %lt3A_586 : vector<16xi32>
        %and3A_588 = arith.andi %le3A_576, %lt3A_587 : vector<16xi1>
        tpu.vector_store_idx %arg15[%sub3A_584], %get3A_569 masked %and3A_588 : memref<528xi32, #tpu.memory_space<vmem>>[vector<16xi32>], vector<16xi32>, vector<16xi1>
        %mul3A_589 = arith.constant 16 : i32
        %mul3A_590 = arith.muli %scan3A_564, %mul3A_589 : i32
        %add3A_591 = vector.broadcast %mul3A_590 : i32 to vector<16xi32>
        %add3A_592 = arith.addi %add3A_591, %iota3A : vector<16xi32>
        tpu.vector_store_idx %arg16[%sub3A_584], %add3A_592 masked %and3A_588 : memref<528xi32, #tpu.memory_space<vmem>>[vector<16xi32>], vector<16xi32>, vector<16xi1>
        %add3A_593 = arith.addi %scan3A_565, %all_reduce_population_count3A : vector<16xi32>
        %scan3A_594 = arith.constant 1 : i32
        %scan3A_595 = arith.addi %scan3A_564, %scan3A_594 : i32
        %mul3A_596 = arith.constant 16 : i32
        %mul3A_597 = arith.muli %scan3A_595, %mul3A_596 : i32
        %get3A_598 = arith.index_cast %mul3A_597 : i32 to index
        %get3A_599 = tpu.vector_load %arg13[%get3A_598] {strides = array<i32>} : memref<8192xi32, #tpu.memory_space<vmem>>, vector<16xi32>,
        %shift_right_arithmetic3A_600 = arith.constant 21 : i32
        %shift_right_arithmetic3A_601 = vector.broadcast %shift_right_arithmetic3A_600 : i32 to vector<16xi32>
        %shift_right_arithmetic3A_602 = arith.shrsi %get3A_599, %shift_right_arithmetic3A_601 : vector<16xi32>
        %add3A_603 = arith.constant 1024 : i32
        %add3A_604 = vector.broadcast %add3A_603 : i32 to vector<16xi32>
        %add3A_605 = arith.addi %shift_right_arithmetic3A_602, %add3A_604 : vector<16xi32>
        %le3A_606 = vector.broadcast %add3A_413 : i32 to vector<16xi32>
        %le3A_607 = arith.cmpi sle, %add3A_605, %le3A_606 : vector<16xi32>
        %all_reduce_population_count3A_608 = tpu.all_reduce %le3A_607 {dim = 0 : i64, kind = #tpu.reduction_kind<sum>} : vector<16xi1> -> vector<16xi32>
        %convert_element_type3A_609 = arith.extui %le3A_607 : vector<16xi1> to vector<16xi32>
        %broadcast_in_dim3A_610 = arith.constant true
        %broadcast_in_dim3A_611 = vector.broadcast %broadcast_in_dim3A_610 : i1 to vector<16xi1>
        %masked_cumsum3A_612 = tpu.scan <sum>, %convert_element_type3A_609 masked %broadcast_in_dim3A_611 : vector<16xi32>, vector<16xi1> -> vector<16xi32>
        %add3A_613 = arith.addi %add3A_593, %masked_cumsum3A_612 : vector<16xi32>
        %sub3A_614 = arith.constant 1 : i32
        %sub3A_615 = vector.broadcast %sub3A_614 : i32 to vector<16xi32>
        %sub3A_616 = arith.subi %add3A_613, %sub3A_615 : vector<16xi32>
        %lt3A_617 = arith.constant 512 : i32
        %lt3A_618 = vector.broadcast %lt3A_617 : i32 to vector<16xi32>
        %lt3A_619 = arith.cmpi slt, %sub3A_616, %lt3A_618 : vector<16xi32>
        %and3A_620 = arith.andi %le3A_607, %lt3A_619 : vector<16xi1>
        tpu.vector_store_idx %arg15[%sub3A_616], %get3A_599 masked %and3A_620 : memref<528xi32, #tpu.memory_space<vmem>>[vector<16xi32>], vector<16xi32>, vector<16xi1>
        %mul3A_621 = arith.constant 16 : i32
        %mul3A_622 = arith.muli %scan3A_595, %mul3A_621 : i32
        %add3A_623 = vector.broadcast %mul3A_622 : i32 to vector<16xi32>
        %add3A_624 = arith.addi %add3A_623, %iota3A : vector<16xi32>
        tpu.vector_store_idx %arg16[%sub3A_616], %add3A_624 masked %and3A_620 : memref<528xi32, #tpu.memory_space<vmem>>[vector<16xi32>], vector<16xi32>, vector<16xi1>
        %add3A_625 = arith.addi %add3A_593, %all_reduce_population_count3A_608 : vector<16xi32>
        %scan3A_626 = arith.constant 2 : i32
        %scan3A_627 = arith.addi %scan3A_564, %scan3A_626 : i32
        %mul3A_628 = arith.constant 16 : i32
        %mul3A_629 = arith.muli %scan3A_627, %mul3A_628 : i32
        %get3A_630 = arith.index_cast %mul3A_629 : i32 to index
        %get3A_631 = tpu.vector_load %arg13[%get3A_630] {strides = array<i32>} : memref<8192xi32, #tpu.memory_space<vmem>>, vector<16xi32>,
        %shift_right_arithmetic3A_632 = arith.constant 21 : i32
        %shift_right_arithmetic3A_633 = vector.broadcast %shift_right_arithmetic3A_632 : i32 to vector<16xi32>
        %shift_right_arithmetic3A_634 = arith.shrsi %get3A_631, %shift_right_arithmetic3A_633 : vector<16xi32>
        %add3A_635 = arith.constant 1024 : i32
        %add3A_636 = vector.broadcast %add3A_635 : i32 to vector<16xi32>
        %add3A_637 = arith.addi %shift_right_arithmetic3A_634, %add3A_636 : vector<16xi32>
        %le3A_638 = vector.broadcast %add3A_413 : i32 to vector<16xi32>
        %le3A_639 = arith.cmpi sle, %add3A_637, %le3A_638 : vector<16xi32>
        %all_reduce_population_count3A_640 = tpu.all_reduce %le3A_639 {dim = 0 : i64, kind = #tpu.reduction_kind<sum>} : vector<16xi1> -> vector<16xi32>
        %convert_element_type3A_641 = arith.extui %le3A_639 : vector<16xi1> to vector<16xi32>
        %broadcast_in_dim3A_642 = arith.constant true
        %broadcast_in_dim3A_643 = vector.broadcast %broadcast_in_dim3A_642 : i1 to vector<16xi1>
        %masked_cumsum3A_644 = tpu.scan <sum>, %convert_element_type3A_641 masked %broadcast_in_dim3A_643 : vector<16xi32>, vector<16xi1> -> vector<16xi32>
        %add3A_645 = arith.addi %add3A_625, %masked_cumsum3A_644 : vector<16xi32>
        %sub3A_646 = arith.constant 1 : i32
        %sub3A_647 = vector.broadcast %sub3A_646 : i32 to vector<16xi32>
        %sub3A_648 = arith.subi %add3A_645, %sub3A_647 : vector<16xi32>
        %lt3A_649 = arith.constant 512 : i32
        %lt3A_650 = vector.broadcast %lt3A_649 : i32 to vector<16xi32>
        %lt3A_651 = arith.cmpi slt, %sub3A_648, %lt3A_650 : vector<16xi32>
        %and3A_652 = arith.andi %le3A_639, %lt3A_651 : vector<16xi1>
        tpu.vector_store_idx %arg15[%sub3A_648], %get3A_631 masked %and3A_652 : memref<528xi32, #tpu.memory_space<vmem>>[vector<16xi32>], vector<16xi32>, vector<16xi1>
        %mul3A_653 = arith.constant 16 : i32
        %mul3A_654 = arith.muli %scan3A_627, %mul3A_653 : i32
        %add3A_655 = vector.broadcast %mul3A_654 : i32 to vector<16xi32>
        %add3A_656 = arith.addi %add3A_655, %iota3A : vector<16xi32>
        tpu.vector_store_idx %arg16[%sub3A_648], %add3A_656 masked %and3A_652 : memref<528xi32, #tpu.memory_space<vmem>>[vector<16xi32>], vector<16xi32>, vector<16xi1>
        %add3A_657 = arith.addi %add3A_625, %all_reduce_population_count3A_640 : vector<16xi32>
        %scan3A_658 = arith.constant 3 : i32
        %scan3A_659 = arith.addi %scan3A_564, %scan3A_658 : i32
        %mul3A_660 = arith.constant 16 : i32
        %mul3A_661 = arith.muli %scan3A_659, %mul3A_660 : i32
        %get3A_662 = arith.index_cast %mul3A_661 : i32 to index
        %get3A_663 = tpu.vector_load %arg13[%get3A_662] {strides = array<i32>} : memref<8192xi32, #tpu.memory_space<vmem>>, vector<16xi32>,
        %shift_right_arithmetic3A_664 = arith.constant 21 : i32
        %shift_right_arithmetic3A_665 = vector.broadcast %shift_right_arithmetic3A_664 : i32 to vector<16xi32>
        %shift_right_arithmetic3A_666 = arith.shrsi %get3A_663, %shift_right_arithmetic3A_665 : vector<16xi32>
        %add3A_667 = arith.constant 1024 : i32
        %add3A_668 = vector.broadcast %add3A_667 : i32 to vector<16xi32>
        %add3A_669 = arith.addi %shift_right_arithmetic3A_666, %add3A_668 : vector<16xi32>
        %le3A_670 = vector.broadcast %add3A_413 : i32 to vector<16xi32>
        %le3A_671 = arith.cmpi sle, %add3A_669, %le3A_670 : vector<16xi32>
        %all_reduce_population_count3A_672 = tpu.all_reduce %le3A_671 {dim = 0 : i64, kind = #tpu.reduction_kind<sum>} : vector<16xi1> -> vector<16xi32>
        %convert_element_type3A_673 = arith.extui %le3A_671 : vector<16xi1> to vector<16xi32>
        %broadcast_in_dim3A_674 = arith.constant true
        %broadcast_in_dim3A_675 = vector.broadcast %broadcast_in_dim3A_674 : i1 to vector<16xi1>
        %masked_cumsum3A_676 = tpu.scan <sum>, %convert_element_type3A_673 masked %broadcast_in_dim3A_675 : vector<16xi32>, vector<16xi1> -> vector<16xi32>
        %add3A_677 = arith.addi %add3A_657, %masked_cumsum3A_676 : vector<16xi32>
        %sub3A_678 = arith.constant 1 : i32
        %sub3A_679 = vector.broadcast %sub3A_678 : i32 to vector<16xi32>
        %sub3A_680 = arith.subi %add3A_677, %sub3A_679 : vector<16xi32>
        %lt3A_681 = arith.constant 512 : i32
        %lt3A_682 = vector.broadcast %lt3A_681 : i32 to vector<16xi32>
        %lt3A_683 = arith.cmpi slt, %sub3A_680, %lt3A_682 : vector<16xi32>
        %and3A_684 = arith.andi %le3A_671, %lt3A_683 : vector<16xi1>
        tpu.vector_store_idx %arg15[%sub3A_680], %get3A_663 masked %and3A_684 : memref<528xi32, #tpu.memory_space<vmem>>[vector<16xi32>], vector<16xi32>, vector<16xi1>
        %mul3A_685 = arith.constant 16 : i32
        %mul3A_686 = arith.muli %scan3A_659, %mul3A_685 : i32
        %add3A_687 = vector.broadcast %mul3A_686 : i32 to vector<16xi32>
        %add3A_688 = arith.addi %add3A_687, %iota3A : vector<16xi32>
        tpu.vector_store_idx %arg16[%sub3A_680], %add3A_688 masked %and3A_684 : memref<528xi32, #tpu.memory_space<vmem>>[vector<16xi32>], vector<16xi32>, vector<16xi1>
        %add3A_689 = arith.addi %add3A_657, %all_reduce_population_count3A_672 : vector<16xi32>
        scf.yield %add3A_689 : vector<16xi32>
      }
      %scan3A_421 = arith.constant 512 : i32
      %reduce_min3A_422 = arith.constant true
      %reduce_min3A_423 = vector.broadcast %reduce_min3A_422 : i1 to vector<16xi1>
      %reduce_min3A_424 = arith.constant -2147483648 : i32
      %reduce_min3A_425 = vector.broadcast %reduce_min3A_424 : i32 to vector<16xi32>
      %reduce_min3A_426 = arith.xori %scan3A_420, %reduce_min3A_425 : vector<16xi32>
      %reduce_min3A_427 = tpu.scan <min>, %reduce_min3A_426 masked %reduce_min3A_423 : vector<16xi32>, vector<16xi1> -> vector<16xi32>
      %reduce_min3A_428 = arith.xori %reduce_min3A_427, %reduce_min3A_425 : vector<16xi32>
      %reduce_min3A_429 = vector.extract %reduce_min3A_428[15] : i32 from vector<16xi32>
      %min3A_430 = arith.constant 512 : i32
      %min3A_431 = arith.minsi %reduce_min3A_429, %min3A_430 : i32
      %add3A_432 = vector.broadcast %min3A_431 : i32 to vector<16xi32>
      %add3A_433 = arith.addi %add3A_432, %iota3A : vector<16xi32>
      %broadcast_in_dim3A_434 = arith.constant 2147483647 : i32
      %broadcast_in_dim3A_435 = vector.broadcast %broadcast_in_dim3A_434 : i32 to vector<16xi32>
      tpu.vector_store_idx %arg15[%add3A_433], %broadcast_in_dim3A_435 : memref<528xi32, #tpu.memory_space<vmem>>[vector<16xi32>], vector<16xi32>,
      %add3A_436 = arith.constant 16 : i32
      %add3A_437 = arith.addi %min3A_431, %add3A_436 : i32
      %sub3A_438 = arith.constant 1 : i32
      %sub3A_439 = arith.subi %add3A_437, %sub3A_438 : i32
      %shift_right_arithmetic3A_440 = arith.constant 4 : i32
      %shift_right_arithmetic3A_441 = arith.shrsi %sub3A_439, %shift_right_arithmetic3A_440 : i32
      %broadcast_in_dim3A_442 = arith.constant 2147483647 : i32
      %broadcast_in_dim3A_443 = vector.broadcast %broadcast_in_dim3A_442 : i32 to vector<16xi32>
      %broadcast_in_dim3A_444 = arith.constant 2147483647 : i32
      %broadcast_in_dim3A_445 = vector.broadcast %broadcast_in_dim3A_444 : i32 to vector<16xi32>
      %while3A_446 = arith.constant 0 : i32
      %while3A_447 = arith.subi %shift_right_arithmetic3A_441, %while3A_446 : i32
      %while3A_448 = arith.addi %while3A_446, %while3A_447 : i32
      %while3A_449 = arith.constant 1 : i32
      %while3A_450 = arith.divsi %while3A_447, %while3A_449 : i32
      %while3A_451 = arith.muli %while3A_450, %while3A_449 : i32
      %while3A_452 = arith.addi %while3A_446, %while3A_451 : i32
      %while3A_453 = arith.constant 1 : i32
      %while3A_454:2 = scf.for %while3A_564 = %while3A_446 to %while3A_452 step %while3A_453 iter_args(%while3A_565 = %broadcast_in_dim3A_443, %while3A_566 = %broadcast_in_dim3A_445) -> (vector<16xi32>, vector<16xi32>)  : i32 {
        %mul3A_567 = arith.constant 16 : i32
        %mul3A_568 = arith.muli %while3A_564, %mul3A_567 : i32
        %get3A_569 = arith.index_cast %mul3A_568 : i32 to index
        %get3A_570 = tpu.vector_load %arg15[%get3A_569] {strides = array<i32>} : memref<528xi32, #tpu.memory_space<vmem>>, vector<16xi32>,
        %reduce_min3A_571 = arith.constant true
        %reduce_min3A_572 = vector.broadcast %reduce_min3A_571 : i1 to vector<16xi1>
        %reduce_min3A_573 = arith.constant -2147483648 : i32
        %reduce_min3A_574 = vector.broadcast %reduce_min3A_573 : i32 to vector<16xi32>
        %reduce_min3A_575 = arith.xori %get3A_570, %reduce_min3A_574 : vector<16xi32>
        %reduce_min3A_576 = tpu.scan <min>, %reduce_min3A_575 masked %reduce_min3A_572 : vector<16xi32>, vector<16xi1> -> vector<16xi32>
        %reduce_min3A_577 = arith.xori %reduce_min3A_576, %reduce_min3A_574 : vector<16xi32>
        %reduce_min3A_578 = vector.extract %reduce_min3A_577[15] : i32 from vector<16xi32>
        %eq3A_579 = vector.broadcast %while3A_564 : i32 to vector<16xi32>
        %eq3A_580 = arith.cmpi eq, %iota3A, %eq3A_579 : vector<16xi32>
        %broadcast_in_dim3A_581 = vector.broadcast %reduce_min3A_578 : i32 to vector<16xi32>
        %select_n3A_582 = arith.select %eq3A_580, %broadcast_in_dim3A_581, %while3A_565 : vector<16xi1>, vector<16xi32>
        %sub3A_583 = arith.constant 16 : i32
        %sub3A_584 = arith.subi %while3A_564, %sub3A_583 : i32
        %eq3A_585 = vector.broadcast %sub3A_584 : i32 to vector<16xi32>
        %eq3A_586 = arith.cmpi eq, %iota3A, %eq3A_585 : vector<16xi32>
        %broadcast_in_dim3A_587 = vector.broadcast %reduce_min3A_578 : i32 to vector<16xi32>
        %select_n3A_588 = arith.select %eq3A_586, %broadcast_in_dim3A_587, %while3A_566 : vector<16xi1>, vector<16xi32>
        scf.yield %select_n3A_582, %select_n3A_588 : vector<16xi32>, vector<16xi32>
      }
      %while3A_455 = arith.constant 1 : i32
      %while3A_456:2 = scf.for %while3A_564 = %while3A_452 to %while3A_448 step %while3A_455 iter_args(%while3A_565 = %while3A_454#0, %while3A_566 = %while3A_454#1) -> (vector<16xi32>, vector<16xi32>)  : i32 {
        %mul3A_567 = arith.constant 16 : i32
        %mul3A_568 = arith.muli %while3A_564, %mul3A_567 : i32
        %get3A_569 = arith.index_cast %mul3A_568 : i32 to index
        %get3A_570 = tpu.vector_load %arg15[%get3A_569] {strides = array<i32>} : memref<528xi32, #tpu.memory_space<vmem>>, vector<16xi32>,
        %reduce_min3A_571 = arith.constant true
        %reduce_min3A_572 = vector.broadcast %reduce_min3A_571 : i1 to vector<16xi1>
        %reduce_min3A_573 = arith.constant -2147483648 : i32
        %reduce_min3A_574 = vector.broadcast %reduce_min3A_573 : i32 to vector<16xi32>
        %reduce_min3A_575 = arith.xori %get3A_570, %reduce_min3A_574 : vector<16xi32>
        %reduce_min3A_576 = tpu.scan <min>, %reduce_min3A_575 masked %reduce_min3A_572 : vector<16xi32>, vector<16xi1> -> vector<16xi32>
        %reduce_min3A_577 = arith.xori %reduce_min3A_576, %reduce_min3A_574 : vector<16xi32>
        %reduce_min3A_578 = vector.extract %reduce_min3A_577[15] : i32 from vector<16xi32>
        %eq3A_579 = vector.broadcast %while3A_564 : i32 to vector<16xi32>
        %eq3A_580 = arith.cmpi eq, %iota3A, %eq3A_579 : vector<16xi32>
        %broadcast_in_dim3A_581 = vector.broadcast %reduce_min3A_578 : i32 to vector<16xi32>
        %select_n3A_582 = arith.select %eq3A_580, %broadcast_in_dim3A_581, %while3A_565 : vector<16xi1>, vector<16xi32>
        %sub3A_583 = arith.constant 16 : i32
        %sub3A_584 = arith.subi %while3A_564, %sub3A_583 : i32
        %eq3A_585 = vector.broadcast %sub3A_584 : i32 to vector<16xi32>
        %eq3A_586 = arith.cmpi eq, %iota3A, %eq3A_585 : vector<16xi32>
        %broadcast_in_dim3A_587 = vector.broadcast %reduce_min3A_578 : i32 to vector<16xi32>
        %select_n3A_588 = arith.select %eq3A_586, %broadcast_in_dim3A_587, %while3A_566 : vector<16xi1>, vector<16xi32>
        scf.yield %select_n3A_582, %select_n3A_588 : vector<16xi32>, vector<16xi32>
      }
      %scan3A_457 = arith.constant 0 : i32
      %scan3A_458 = arith.constant 64 : i32
      %scan3A_459 = arith.addi %scan3A_457, %scan3A_458 : i32
      %scan3A_460 = arith.constant 1 : i32
      %scan3A_461:2 = scf.for %scan3A_564 = %scan3A_457 to %scan3A_459 step %scan3A_460 iter_args(%scan3A_565 = %while3A_456#0, %scan3A_566 = %while3A_456#1) -> (vector<16xi32>, vector<16xi32>)  : i32 {
        %min3A_567 = arith.minsi %scan3A_565, %scan3A_566 : vector<16xi32>
        %reduce_min3A_568 = arith.constant true
        %reduce_min3A_569 = vector.broadcast %reduce_min3A_568 : i1 to vector<16xi1>
        %reduce_min3A_570 = arith.constant -2147483648 : i32
        %reduce_min3A_571 = vector.broadcast %reduce_min3A_570 : i32 to vector<16xi32>
        %reduce_min3A_572 = arith.xori %min3A_567, %reduce_min3A_571 : vector<16xi32>
        %reduce_min3A_573 = tpu.scan <min>, %reduce_min3A_572 masked %reduce_min3A_569 : vector<16xi32>, vector<16xi1> -> vector<16xi32>
        %reduce_min3A_574 = arith.xori %reduce_min3A_573, %reduce_min3A_571 : vector<16xi32>
        %reduce_min3A_575 = vector.extract %reduce_min3A_574[15] : i32 from vector<16xi32>
        %eq3A_576 = vector.broadcast %reduce_min3A_575 : i32 to vector<16xi32>
        %eq3A_577 = arith.cmpi eq, %scan3A_565, %eq3A_576 : vector<16xi32>
        %all_reduce_ffs3A = tpu.all_reduce %eq3A_577 {dim = 0 : i64, kind = #tpu.reduction_kind<find_first_set>} : vector<16xi1> -> vector<16xi32>
        %eq3A_578 = vector.broadcast %reduce_min3A_575 : i32 to vector<16xi32>
        %eq3A_579 = arith.cmpi eq, %scan3A_566, %eq3A_578 : vector<16xi32>
        %all_reduce_ffs3A_580 = tpu.all_reduce %eq3A_579 {dim = 0 : i64, kind = #tpu.reduction_kind<find_first_set>} : vector<16xi1> -> vector<16xi32>
        %all_reduce_population_count3A = tpu.all_reduce %eq3A_577 {dim = 0 : i64, kind = #tpu.reduction_kind<sum>} : vector<16xi1> -> vector<16xi32>
        %gt3A = arith.constant 0 : i32
        %gt3A_581 = vector.broadcast %gt3A : i32 to vector<16xi32>
        %gt3A_582 = arith.cmpi sgt, %all_reduce_population_count3A, %gt3A_581 : vector<16xi32>
        %add3A_583 = arith.constant 16 : i32
        %add3A_584 = vector.broadcast %add3A_583 : i32 to vector<16xi32>
        %add3A_585 = arith.addi %all_reduce_ffs3A_580, %add3A_584 : vector<16xi32>
        %select_n3A_586 = arith.select %gt3A_582, %all_reduce_ffs3A, %add3A_585 : vector<16xi1>, vector<16xi32>
        %reduce_min3A_587 = arith.constant true
        %reduce_min3A_588 = vector.broadcast %reduce_min3A_587 : i1 to vector<16xi1>
        %reduce_min3A_589 = arith.constant -2147483648 : i32
        %reduce_min3A_590 = vector.broadcast %reduce_min3A_589 : i32 to vector<16xi32>
        %reduce_min3A_591 = arith.xori %select_n3A_586, %reduce_min3A_590 : vector<16xi32>
        %reduce_min3A_592 = tpu.scan <min>, %reduce_min3A_591 masked %reduce_min3A_588 : vector<16xi32>, vector<16xi1> -> vector<16xi32>
        %reduce_min3A_593 = arith.xori %reduce_min3A_592, %reduce_min3A_590 : vector<16xi32>
        %reduce_min3A_594 = vector.extract %reduce_min3A_593[15] : i32 from vector<16xi32>
        %mul3A_595 = arith.constant 16 : i32
        %mul3A_596 = arith.muli %reduce_min3A_594, %mul3A_595 : i32
        %get3A_597 = arith.index_cast %mul3A_596 : i32 to index
        %get3A_598 = tpu.vector_load %arg15[%get3A_597] {strides = array<i32>} : memref<528xi32, #tpu.memory_space<vmem>>, vector<16xi32>,
        %mul3A_599 = arith.constant 16 : i32
        %mul3A_600 = arith.muli %reduce_min3A_594, %mul3A_599 : i32
        %get3A_601 = arith.index_cast %mul3A_600 : i32 to index
        %get3A_602 = tpu.vector_load %arg16[%get3A_601] {strides = array<i32>} : memref<528xi32, #tpu.memory_space<vmem>>, vector<16xi32>,
        %eq3A_603 = vector.broadcast %reduce_min3A_575 : i32 to vector<16xi32>
        %eq3A_604 = arith.cmpi eq, %get3A_598, %eq3A_603 : vector<16xi32>
        %all_reduce_ffs3A_605 = tpu.all_reduce %eq3A_604 {dim = 0 : i64, kind = #tpu.reduction_kind<find_first_set>} : vector<16xi1> -> vector<16xi32>
        %eq3A_606 = arith.cmpi eq, %iota3A, %all_reduce_ffs3A_605 : vector<16xi32>
        %jit3A_607 = arith.constant 2147483647 : i32
        %broadcast_in_dim3A_608 = vector.broadcast %jit3A_607 : i32 to vector<16xi32>
        %select_n3A_609 = arith.select %eq3A_606, %broadcast_in_dim3A_608, %get3A_598 : vector<16xi1>, vector<16xi32>
        %mul3A_610 = arith.constant 16 : i32
        %mul3A_611 = arith.muli %reduce_min3A_594, %mul3A_610 : i32
        %swap3A = arith.index_cast %mul3A_611 : i32 to index
        %swap3A_612 = tpu.vector_load %arg15[%swap3A] {strides = array<i32>} : memref<528xi32, #tpu.memory_space<vmem>>, vector<16xi32>,
        tpu.vector_store %arg15[%swap3A], %select_n3A_609 {strides = array<i32>} : memref<528xi32, #tpu.memory_space<vmem>>, vector<16xi32>,
        %broadcast_in_dim3A_613 = vector.broadcast %scan3A_564 : i32 to vector<16xi32>
        tpu.vector_store_idx %arg17[%broadcast_in_dim3A_613], %get3A_602 masked %eq3A_606 : memref<64xi32, #tpu.memory_space<vmem>>[vector<16xi32>], vector<16xi32>, vector<16xi1>
        %reduce_min3A_614 = arith.constant true
        %reduce_min3A_615 = vector.broadcast %reduce_min3A_614 : i1 to vector<16xi1>
        %reduce_min3A_616 = arith.constant -2147483648 : i32
        %reduce_min3A_617 = vector.broadcast %reduce_min3A_616 : i32 to vector<16xi32>
        %reduce_min3A_618 = arith.xori %select_n3A_609, %reduce_min3A_617 : vector<16xi32>
        %reduce_min3A_619 = tpu.scan <min>, %reduce_min3A_618 masked %reduce_min3A_615 : vector<16xi32>, vector<16xi1> -> vector<16xi32>
        %reduce_min3A_620 = arith.xori %reduce_min3A_619, %reduce_min3A_617 : vector<16xi32>
        %reduce_min3A_621 = vector.extract %reduce_min3A_620[15] : i32 from vector<16xi32>
        %eq3A_622 = arith.cmpi eq, %iota3A, %select_n3A_586 : vector<16xi32>
        %broadcast_in_dim3A_623 = vector.broadcast %reduce_min3A_621 : i32 to vector<16xi32>
        %select_n3A_624 = arith.select %eq3A_622, %broadcast_in_dim3A_623, %scan3A_565 : vector<16xi1>, vector<16xi32>
        %sub3A_625 = arith.constant 16 : i32
        %sub3A_626 = vector.broadcast %sub3A_625 : i32 to vector<16xi32>
        %sub3A_627 = arith.subi %select_n3A_586, %sub3A_626 : vector<16xi32>
        %eq3A_628 = arith.cmpi eq, %iota3A, %sub3A_627 : vector<16xi32>
        %broadcast_in_dim3A_629 = vector.broadcast %reduce_min3A_621 : i32 to vector<16xi32>
        %select_n3A_630 = arith.select %eq3A_628, %broadcast_in_dim3A_629, %scan3A_566 : vector<16xi1>, vector<16xi32>
        scf.yield %select_n3A_624, %select_n3A_630 : vector<16xi32>, vector<16xi32>
      }
      %scan3A_462 = arith.constant 64 : i32
      %broadcast_in_dim3A_463 = vector.broadcast %add3A_353 : i32 to vector<16xi32>
      %gather3A_464 = tpu.vector_load_idx %arg9[%broadcast_in_dim3A_463] : memref<64xf32, #tpu.memory_space<vmem>>[vector<16xi32>], vector<16xf32>,
      %broadcast_in_dim3A_465 = vector.broadcast %add3A_353 : i32 to vector<16xi32>
      %gather3A_466 = tpu.vector_load_idx %arg10[%broadcast_in_dim3A_465] : memref<64xf32, #tpu.memory_space<vmem>>[vector<16xi32>], vector<16xf32>,
      %broadcast_in_dim3A_467 = vector.broadcast %add3A_353 : i32 to vector<16xi32>
      %gather3A_468 = tpu.vector_load_idx %arg11[%broadcast_in_dim3A_467] : memref<64xf32, #tpu.memory_space<vmem>>[vector<16xi32>], vector<16xf32>,
      %get3A_469 = arith.constant 0 : index
      %get3A_470 = tpu.vector_load %arg17[%get3A_469] {strides = array<i32>} : memref<64xi32, #tpu.memory_space<vmem>>, vector<16xi32>,
      %add3A_471 = arith.constant 0 : i32
      %add3A_472 = vector.broadcast %add3A_471 : i32 to vector<16xi32>
      %add3A_473 = arith.addi %add3A_472, %iota3A : vector<16xi32>
      %mul3A_474 = arith.constant 3 : i32
      %mul3A_475 = vector.broadcast %mul3A_474 : i32 to vector<16xi32>
      %mul3A_476 = arith.muli %add3A_473, %mul3A_475 : vector<16xi32>
      %gather3A_477 = tpu.vector_load_idx %arg6[%get3A_470] : memref<8192xf32, #tpu.memory_space<vmem>>[vector<16xi32>], vector<16xf32>,
      %sub3A_478 = arith.subf %gather3A_477, %gather3A_464 : vector<16xf32>
      tpu.vector_store_idx %arg18[%mul3A_476], %sub3A_478 : memref<192xf32, #tpu.memory_space<vmem>>[vector<16xi32>], vector<16xf32>,
      %add3A_479 = arith.constant 1 : i32
      %add3A_480 = vector.broadcast %add3A_479 : i32 to vector<16xi32>
      %add3A_481 = arith.addi %mul3A_476, %add3A_480 : vector<16xi32>
      %gather3A_482 = tpu.vector_load_idx %arg7[%get3A_470] : memref<8192xf32, #tpu.memory_space<vmem>>[vector<16xi32>], vector<16xf32>,
      %sub3A_483 = arith.subf %gather3A_482, %gather3A_466 : vector<16xf32>
      tpu.vector_store_idx %arg18[%add3A_481], %sub3A_483 : memref<192xf32, #tpu.memory_space<vmem>>[vector<16xi32>], vector<16xf32>,
      %add3A_484 = arith.constant 2 : i32
      %add3A_485 = vector.broadcast %add3A_484 : i32 to vector<16xi32>
      %add3A_486 = arith.addi %mul3A_476, %add3A_485 : vector<16xi32>
      %gather3A_487 = tpu.vector_load_idx %arg8[%get3A_470] : memref<8192xf32, #tpu.memory_space<vmem>>[vector<16xi32>], vector<16xf32>,
      %sub3A_488 = arith.subf %gather3A_487, %gather3A_468 : vector<16xf32>
      tpu.vector_store_idx %arg18[%add3A_486], %sub3A_488 : memref<192xf32, #tpu.memory_space<vmem>>[vector<16xi32>], vector<16xf32>,
      %get3A_489 = arith.constant 16 : index
      %get3A_490 = tpu.vector_load %arg17[%get3A_489] {strides = array<i32>} : memref<64xi32, #tpu.memory_space<vmem>>, vector<16xi32>,
      %add3A_491 = arith.constant 16 : i32
      %add3A_492 = vector.broadcast %add3A_491 : i32 to vector<16xi32>
      %add3A_493 = arith.addi %add3A_492, %iota3A : vector<16xi32>
      %mul3A_494 = arith.constant 3 : i32
      %mul3A_495 = vector.broadcast %mul3A_494 : i32 to vector<16xi32>
      %mul3A_496 = arith.muli %add3A_493, %mul3A_495 : vector<16xi32>
      %gather3A_497 = tpu.vector_load_idx %arg6[%get3A_490] : memref<8192xf32, #tpu.memory_space<vmem>>[vector<16xi32>], vector<16xf32>,
      %sub3A_498 = arith.subf %gather3A_497, %gather3A_464 : vector<16xf32>
      tpu.vector_store_idx %arg18[%mul3A_496], %sub3A_498 : memref<192xf32, #tpu.memory_space<vmem>>[vector<16xi32>], vector<16xf32>,
      %add3A_499 = arith.constant 1 : i32
      %add3A_500 = vector.broadcast %add3A_499 : i32 to vector<16xi32>
      %add3A_501 = arith.addi %mul3A_496, %add3A_500 : vector<16xi32>
      %gather3A_502 = tpu.vector_load_idx %arg7[%get3A_490] : memref<8192xf32, #tpu.memory_space<vmem>>[vector<16xi32>], vector<16xf32>,
      %sub3A_503 = arith.subf %gather3A_502, %gather3A_466 : vector<16xf32>
      tpu.vector_store_idx %arg18[%add3A_501], %sub3A_503 : memref<192xf32, #tpu.memory_space<vmem>>[vector<16xi32>], vector<16xf32>,
      %add3A_504 = arith.constant 2 : i32
      %add3A_505 = vector.broadcast %add3A_504 : i32 to vector<16xi32>
      %add3A_506 = arith.addi %mul3A_496, %add3A_505 : vector<16xi32>
      %gather3A_507 = tpu.vector_load_idx %arg8[%get3A_490] : memref<8192xf32, #tpu.memory_space<vmem>>[vector<16xi32>], vector<16xf32>,
      %sub3A_508 = arith.subf %gather3A_507, %gather3A_468 : vector<16xf32>
      tpu.vector_store_idx %arg18[%add3A_506], %sub3A_508 : memref<192xf32, #tpu.memory_space<vmem>>[vector<16xi32>], vector<16xf32>,
      %get3A_509 = arith.constant 32 : index
      %get3A_510 = tpu.vector_load %arg17[%get3A_509] {strides = array<i32>} : memref<64xi32, #tpu.memory_space<vmem>>, vector<16xi32>,
      %add3A_511 = arith.constant 32 : i32
      %add3A_512 = vector.broadcast %add3A_511 : i32 to vector<16xi32>
      %add3A_513 = arith.addi %add3A_512, %iota3A : vector<16xi32>
      %mul3A_514 = arith.constant 3 : i32
      %mul3A_515 = vector.broadcast %mul3A_514 : i32 to vector<16xi32>
      %mul3A_516 = arith.muli %add3A_513, %mul3A_515 : vector<16xi32>
      %gather3A_517 = tpu.vector_load_idx %arg6[%get3A_510] : memref<8192xf32, #tpu.memory_space<vmem>>[vector<16xi32>], vector<16xf32>,
      %sub3A_518 = arith.subf %gather3A_517, %gather3A_464 : vector<16xf32>
      tpu.vector_store_idx %arg18[%mul3A_516], %sub3A_518 : memref<192xf32, #tpu.memory_space<vmem>>[vector<16xi32>], vector<16xf32>,
      %add3A_519 = arith.constant 1 : i32
      %add3A_520 = vector.broadcast %add3A_519 : i32 to vector<16xi32>
      %add3A_521 = arith.addi %mul3A_516, %add3A_520 : vector<16xi32>
      %gather3A_522 = tpu.vector_load_idx %arg7[%get3A_510] : memref<8192xf32, #tpu.memory_space<vmem>>[vector<16xi32>], vector<16xf32>,
      %sub3A_523 = arith.subf %gather3A_522, %gather3A_466 : vector<16xf32>
      tpu.vector_store_idx %arg18[%add3A_521], %sub3A_523 : memref<192xf32, #tpu.memory_space<vmem>>[vector<16xi32>], vector<16xf32>,
      %add3A_524 = arith.constant 2 : i32
      %add3A_525 = vector.broadcast %add3A_524 : i32 to vector<16xi32>
      %add3A_526 = arith.addi %mul3A_516, %add3A_525 : vector<16xi32>
      %gather3A_527 = tpu.vector_load_idx %arg8[%get3A_510] : memref<8192xf32, #tpu.memory_space<vmem>>[vector<16xi32>], vector<16xf32>,
      %sub3A_528 = arith.subf %gather3A_527, %gather3A_468 : vector<16xf32>
      tpu.vector_store_idx %arg18[%add3A_526], %sub3A_528 : memref<192xf32, #tpu.memory_space<vmem>>[vector<16xi32>], vector<16xf32>,
      %get3A_529 = arith.constant 48 : index
      %get3A_530 = tpu.vector_load %arg17[%get3A_529] {strides = array<i32>} : memref<64xi32, #tpu.memory_space<vmem>>, vector<16xi32>,
      %add3A_531 = arith.constant 48 : i32
      %add3A_532 = vector.broadcast %add3A_531 : i32 to vector<16xi32>
      %add3A_533 = arith.addi %add3A_532, %iota3A : vector<16xi32>
      %mul3A_534 = arith.constant 3 : i32
      %mul3A_535 = vector.broadcast %mul3A_534 : i32 to vector<16xi32>
      %mul3A_536 = arith.muli %add3A_533, %mul3A_535 : vector<16xi32>
      %gather3A_537 = tpu.vector_load_idx %arg6[%get3A_530] : memref<8192xf32, #tpu.memory_space<vmem>>[vector<16xi32>], vector<16xf32>,
      %sub3A_538 = arith.subf %gather3A_537, %gather3A_464 : vector<16xf32>
      tpu.vector_store_idx %arg18[%mul3A_536], %sub3A_538 : memref<192xf32, #tpu.memory_space<vmem>>[vector<16xi32>], vector<16xf32>,
      %add3A_539 = arith.constant 1 : i32
      %add3A_540 = vector.broadcast %add3A_539 : i32 to vector<16xi32>
      %add3A_541 = arith.addi %mul3A_536, %add3A_540 : vector<16xi32>
      %gather3A_542 = tpu.vector_load_idx %arg7[%get3A_530] : memref<8192xf32, #tpu.memory_space<vmem>>[vector<16xi32>], vector<16xf32>,
      %sub3A_543 = arith.subf %gather3A_542, %gather3A_466 : vector<16xf32>
      tpu.vector_store_idx %arg18[%add3A_541], %sub3A_543 : memref<192xf32, #tpu.memory_space<vmem>>[vector<16xi32>], vector<16xf32>,
      %add3A_544 = arith.constant 2 : i32
      %add3A_545 = vector.broadcast %add3A_544 : i32 to vector<16xi32>
      %add3A_546 = arith.addi %mul3A_536, %add3A_545 : vector<16xi32>
      %gather3A_547 = tpu.vector_load_idx %arg8[%get3A_530] : memref<8192xf32, #tpu.memory_space<vmem>>[vector<16xi32>], vector<16xf32>,
      %sub3A_548 = arith.subf %gather3A_547, %gather3A_468 : vector<16xf32>
      tpu.vector_store_idx %arg18[%add3A_546], %sub3A_548 : memref<192xf32, #tpu.memory_space<vmem>>[vector<16xi32>], vector<16xf32>,
      %add3A_549 = arith.addi %add3A_35, %add3A_353 : i32
      %dma_start3A_550 = arith.constant 0 : i32
      %dma_start3A_551 = tpu.memref_slice %arg5[%add3A_549, %dma_start3A_550] : memref<2048x192xf32, #tpu.memory_space<hbm>> -> memref<1x192xf32, #tpu.memory_space<hbm>>
      %dma_start3A_552 = tpu.memref_squeeze %dma_start3A_551 : memref<1x192xf32, #tpu.memory_space<hbm>> -> memref<192xf32, #tpu.memory_space<hbm>>
      %dma_start3A_553 = arith.constant 0 : i32
      %dma_start3A_554 = tpu.memref_slice %arg5[%add3A_549, %dma_start3A_553] : memref<2048x192xf32, #tpu.memory_space<hbm>> -> memref<1x192xf32, #tpu.memory_space<hbm>>
      %dma_start3A_555 = tpu.memref_squeeze %dma_start3A_554 : memref<1x192xf32, #tpu.memory_space<hbm>> -> memref<192xf32, #tpu.memory_space<hbm>>
      tpu.enqueue_dma source(%arg18 : memref<192xf32, #tpu.memory_space<vmem>>) target(%dma_start3A_555 : memref<192xf32, #tpu.memory_space<hbm>>) target_semaphore(%arg21 : memref<!tpu.dma_semaphore, #tpu.memory_space<semaphore_mem>>)
      %add3A_556 = arith.addi %add3A_35, %add3A_353 : i32
      %dma_wait3A_557 = arith.constant 0 : i32
      %dma_wait3A_558 = tpu.memref_slice %arg5[%add3A_556, %dma_wait3A_557] : memref<2048x192xf32, #tpu.memory_space<hbm>> -> memref<1x192xf32, #tpu.memory_space<hbm>>
      %dma_wait3A_559 = tpu.memref_squeeze %dma_wait3A_558 : memref<1x192xf32, #tpu.memory_space<hbm>> -> memref<192xf32, #tpu.memory_space<hbm>>
      %dma_wait3A_560 = arith.constant 0 : i32
      %dma_wait3A_561 = tpu.memref_slice %arg5[%add3A_556, %dma_wait3A_560] : memref<2048x192xf32, #tpu.memory_space<hbm>> -> memref<1x192xf32, #tpu.memory_space<hbm>>
      %dma_wait3A_562 = tpu.memref_squeeze %dma_wait3A_561 : memref<1x192xf32, #tpu.memory_space<hbm>> -> memref<192xf32, #tpu.memory_space<hbm>>
      tpu.wait_dma2 semaphore(%arg21 : memref<!tpu.dma_semaphore, #tpu.memory_space<semaphore_mem>>) src(%arg18 : memref<192xf32, #tpu.memory_space<vmem>>) dst(%dma_wait3A_562 : memref<192xf32, #tpu.memory_space<hbm>>)
      %scan3A_563 = arith.constant 0 : i32
      scf.yield %scan3A_563 : i32
    }
    %scan3A_118 = arith.constant 32 : i32
    return
  }
}

module attributes {stable_mosaic.version = 14 : i64} {
  func.func @_fps_body(%arg0: memref<3x16x8192xf32, #tpu.memory_space<vmem>>, %arg1: memref<128x16x3xf32, #tpu.memory_space<vmem>>) attributes {dimension_semantics = [], scalar_prefetch = 0 : i64, scratch_operands = 0 : i64, tpu.core_type = #tpu.core_type<tc>} {
    %get3A = arith.constant 0 : index
    %get3A_0 = arith.constant 0 : index
    %get3A_1 = arith.constant 0 : index
    %get3A_2 = vector.load %arg0[%get3A, %get3A_0, %get3A_1] : memref<3x16x8192xf32, #tpu.memory_space<vmem>>, vector<1x16x8192xf32>
    %get3A_3 = vector.shape_cast %get3A_2 : vector<1x16x8192xf32> to vector<16x8192xf32>
    %get3A_4 = arith.constant 1 : index
    %get3A_5 = arith.constant 0 : index
    %get3A_6 = arith.constant 0 : index
    %get3A_7 = vector.load %arg0[%get3A_4, %get3A_5, %get3A_6] : memref<3x16x8192xf32, #tpu.memory_space<vmem>>, vector<1x16x8192xf32>
    %get3A_8 = vector.shape_cast %get3A_7 : vector<1x16x8192xf32> to vector<16x8192xf32>
    %get3A_9 = arith.constant 2 : index
    %get3A_10 = arith.constant 0 : index
    %get3A_11 = arith.constant 0 : index
    %get3A_12 = vector.load %arg0[%get3A_9, %get3A_10, %get3A_11] : memref<3x16x8192xf32, #tpu.memory_space<vmem>>, vector<1x16x8192xf32>
    %get3A_13 = vector.shape_cast %get3A_12 : vector<1x16x8192xf32> to vector<16x8192xf32>
    %iota3A = tpu.iota {dimensions = array<i32: 1>} : vector<16x8192xi32>
    %slice3A = vector.extract_strided_slice %get3A_3 {offsets = [0, 0], sizes = [16, 1], strides = [1, 1]} : vector<16x8192xf32> to vector<16x1xf32>
    %slice3A_14 = vector.extract_strided_slice %get3A_8 {offsets = [0, 0], sizes = [16, 1], strides = [1, 1]} : vector<16x8192xf32> to vector<16x1xf32>
    %slice3A_15 = vector.extract_strided_slice %get3A_13 {offsets = [0, 0], sizes = [16, 1], strides = [1, 1]} : vector<16x8192xf32> to vector<16x1xf32>
    %concatenate3A = tpu.concatenate %slice3A, %slice3A_14, %slice3A_15 in 1 : vector<16x1xf32>, vector<16x1xf32>, vector<16x1xf32> -> vector<16x3xf32>
    %reshape3A = vector.shape_cast %concatenate3A : vector<16x3xf32> to vector<1x16x3xf32>
    %swap3A = arith.constant 0 : index
    %swap3A_16 = arith.constant 0 : index
    %swap3A_17 = arith.constant 0 : index
    %swap3A_18 = vector.load %arg1[%swap3A, %swap3A_16, %swap3A_17] : memref<128x16x3xf32, #tpu.memory_space<vmem>>, vector<1x16x3xf32>
    tpu.vector_store %arg1[%swap3A, %swap3A_16, %swap3A_17], %reshape3A {strides = array<i32>} : memref<128x16x3xf32, #tpu.memory_space<vmem>>, vector<1x16x3xf32>,
    %broadcast_in_dim3A = arith.constant 0x7F800000 : f32
    %broadcast_in_dim3A_19 = vector.broadcast %broadcast_in_dim3A : f32 to vector<16x8192xf32>
    %scan3A = arith.constant 1 : i32
    %scan3A_20 = arith.constant 127 : i32
    %scan3A_21 = arith.addi %scan3A, %scan3A_20 : i32
    %scan3A_22 = arith.constant 1 : i32
    %scan3A_23:4 = scf.for %scan3A_25 = %scan3A to %scan3A_21 step %scan3A_22 iter_args(%scan3A_26 = %broadcast_in_dim3A_19, %scan3A_27 = %slice3A, %scan3A_28 = %slice3A_14, %scan3A_29 = %slice3A_15) -> (vector<16x8192xf32>, vector<16x1xf32>, vector<16x1xf32>, vector<16x1xf32>)  : i32 {
      %sub3A = vector.broadcast %scan3A_27 : vector<16x1xf32> to vector<16x8192xf32>
      %sub3A_30 = arith.subf %get3A_3, %sub3A : vector<16x8192xf32>
      %integer_pow3A = arith.mulf %sub3A_30, %sub3A_30 : vector<16x8192xf32>
      %sub3A_31 = vector.broadcast %scan3A_28 : vector<16x1xf32> to vector<16x8192xf32>
      %sub3A_32 = arith.subf %get3A_8, %sub3A_31 : vector<16x8192xf32>
      %integer_pow3A_33 = arith.mulf %sub3A_32, %sub3A_32 : vector<16x8192xf32>
      %add3A = arith.addf %integer_pow3A, %integer_pow3A_33 : vector<16x8192xf32>
      %sub3A_34 = vector.broadcast %scan3A_29 : vector<16x1xf32> to vector<16x8192xf32>
      %sub3A_35 = arith.subf %get3A_13, %sub3A_34 : vector<16x8192xf32>
      %integer_pow3A_36 = arith.mulf %sub3A_35, %sub3A_35 : vector<16x8192xf32>
      %add3A_37 = arith.addf %add3A, %integer_pow3A_36 : vector<16x8192xf32>
      %min3A = arith.minimumf %scan3A_26, %add3A_37 : vector<16x8192xf32>
      %reduce_max3A = arith.constant dense<0xFF800000> : vector<16xf32>
      %reduce_max3A_38 = vector.multi_reduction <maximumf>, %min3A, %reduce_max3A [1] : vector<16x8192xf32> to vector<16xf32>
      %broadcast_in_dim3A_39 = vector.shape_cast %reduce_max3A_38 : vector<16xf32> to vector<16x1xf32>
      %eq3A = vector.broadcast %broadcast_in_dim3A_39 : vector<16x1xf32> to vector<16x8192xf32>
      %eq3A_40 = arith.cmpf oeq, %min3A, %eq3A : vector<16x8192xf32>
      %jit3A = arith.constant 8192 : i32
      %broadcast_in_dim3A_41 = vector.broadcast %jit3A : i32 to vector<16x8192xi32>
      %select_n3A = arith.select %eq3A_40, %iota3A, %broadcast_in_dim3A_41 : vector<16x8192xi1>, vector<16x8192xi32>
      %reduce_min3A = arith.constant dense<2147483647> : vector<16xi32>
      %reduce_min3A_42 = vector.multi_reduction <minsi>, %select_n3A, %reduce_min3A [1] : vector<16x8192xi32> to vector<16xi32>
      %broadcast_in_dim3A_43 = vector.shape_cast %reduce_min3A_42 : vector<16xi32> to vector<16x1xi32>
      %eq3A_44 = vector.broadcast %broadcast_in_dim3A_43 : vector<16x1xi32> to vector<16x8192xi32>
      %eq3A_45 = arith.cmpi eq, %iota3A, %eq3A_44 : vector<16x8192xi32>
      %jit3A_46 = arith.constant 0.000000e+00 : f32
      %broadcast_in_dim3A_47 = vector.broadcast %jit3A_46 : f32 to vector<16x8192xf32>
      %select_n3A_48 = arith.select %eq3A_45, %get3A_3, %broadcast_in_dim3A_47 : vector<16x8192xi1>, vector<16x8192xf32>
      %reduce_sum3A = arith.constant dense<0.000000e+00> : vector<16xf32>
      %reduce_sum3A_49 = vector.multi_reduction <add>, %select_n3A_48, %reduce_sum3A [1] : vector<16x8192xf32> to vector<16xf32>
      %broadcast_in_dim3A_50 = vector.shape_cast %reduce_sum3A_49 : vector<16xf32> to vector<16x1xf32>
      %jit3A_51 = arith.constant 0.000000e+00 : f32
      %broadcast_in_dim3A_52 = vector.broadcast %jit3A_51 : f32 to vector<16x8192xf32>
      %select_n3A_53 = arith.select %eq3A_45, %get3A_8, %broadcast_in_dim3A_52 : vector<16x8192xi1>, vector<16x8192xf32>
      %reduce_sum3A_54 = arith.constant dense<0.000000e+00> : vector<16xf32>
      %reduce_sum3A_55 = vector.multi_reduction <add>, %select_n3A_53, %reduce_sum3A_54 [1] : vector<16x8192xf32> to vector<16xf32>
      %broadcast_in_dim3A_56 = vector.shape_cast %reduce_sum3A_55 : vector<16xf32> to vector<16x1xf32>
      %jit3A_57 = arith.constant 0.000000e+00 : f32
      %broadcast_in_dim3A_58 = vector.broadcast %jit3A_57 : f32 to vector<16x8192xf32>
      %select_n3A_59 = arith.select %eq3A_45, %get3A_13, %broadcast_in_dim3A_58 : vector<16x8192xi1>, vector<16x8192xf32>
      %reduce_sum3A_60 = arith.constant dense<0.000000e+00> : vector<16xf32>
      %reduce_sum3A_61 = vector.multi_reduction <add>, %select_n3A_59, %reduce_sum3A_60 [1] : vector<16x8192xf32> to vector<16xf32>
      %broadcast_in_dim3A_62 = vector.shape_cast %reduce_sum3A_61 : vector<16xf32> to vector<16x1xf32>
      %concatenate3A_63 = tpu.concatenate %broadcast_in_dim3A_50, %broadcast_in_dim3A_56, %broadcast_in_dim3A_62 in 1 : vector<16x1xf32>, vector<16x1xf32>, vector<16x1xf32> -> vector<16x3xf32>
      %reshape3A_64 = vector.shape_cast %concatenate3A_63 : vector<16x3xf32> to vector<1x16x3xf32>
      %swap3A_65 = arith.index_cast %scan3A_25 : i32 to index
      %swap3A_66 = arith.constant 0 : index
      %swap3A_67 = arith.constant 0 : index
      %swap3A_68 = vector.load %arg1[%swap3A_65, %swap3A_66, %swap3A_67] : memref<128x16x3xf32, #tpu.memory_space<vmem>>, vector<1x16x3xf32>
      tpu.vector_store %arg1[%swap3A_65, %swap3A_66, %swap3A_67], %reshape3A_64 {strides = array<i32>} : memref<128x16x3xf32, #tpu.memory_space<vmem>>, vector<1x16x3xf32>,
      scf.yield %min3A, %broadcast_in_dim3A_50, %broadcast_in_dim3A_56, %broadcast_in_dim3A_62 : vector<16x8192xf32>, vector<16x1xf32>, vector<16x1xf32>, vector<16x1xf32>
    }
    %scan3A_24 = arith.constant 127 : i32
    return
  }
}

module attributes {stable_mosaic.version = 14 : i64} {
  func.func @_keys_body(%arg0: i32, %arg1: i32, %arg2: memref<1x3x8192xf32, #tpu.memory_space<vmem>>, %arg3: memref<1x8x3xf32, #tpu.memory_space<vmem>>, %arg4: memref<8x8192xi32, #tpu.memory_space<vmem>>) attributes {dimension_semantics = [#tpu.dimension_semantics<arbitrary>, #tpu.dimension_semantics<arbitrary>], iteration_bounds = array<i64: 16, 16>, scalar_prefetch = 0 : i64, scratch_operands = 0 : i64, tpu.core_type = #tpu.core_type<tc>, window_params = [{transform_indices = @transform_0, window_bounds = array<i64: 1, 3, 8192>}, {transform_indices = @transform_1, window_bounds = array<i64: 1, 8, 3>}, {transform_indices = @transform_2, window_bounds = array<i64: 8, 8192>}]} {
    %get3A = arith.constant 0 : index
    %get3A_0 = arith.constant 0 : index
    %get3A_1 = arith.constant 0 : index
    %get3A_2 = vector.load %arg2[%get3A, %get3A_0, %get3A_1] : memref<1x3x8192xf32, #tpu.memory_space<vmem>>, vector<1x1x8192xf32>
    %get3A_3 = vector.shape_cast %get3A_2 : vector<1x1x8192xf32> to vector<1x8192xf32>
    %get3A_4 = arith.constant 0 : index
    %get3A_5 = arith.constant 1 : index
    %get3A_6 = arith.constant 0 : index
    %get3A_7 = vector.load %arg2[%get3A_4, %get3A_5, %get3A_6] : memref<1x3x8192xf32, #tpu.memory_space<vmem>>, vector<1x1x8192xf32>
    %get3A_8 = vector.shape_cast %get3A_7 : vector<1x1x8192xf32> to vector<1x8192xf32>
    %get3A_9 = arith.constant 0 : index
    %get3A_10 = arith.constant 2 : index
    %get3A_11 = arith.constant 0 : index
    %get3A_12 = vector.load %arg2[%get3A_9, %get3A_10, %get3A_11] : memref<1x3x8192xf32, #tpu.memory_space<vmem>>, vector<1x1x8192xf32>
    %get3A_13 = vector.shape_cast %get3A_12 : vector<1x1x8192xf32> to vector<1x8192xf32>
    %get3A_14 = arith.constant 0 : index
    %get3A_15 = arith.constant 0 : index
    %get3A_16 = arith.constant 0 : index
    %get3A_17 = vector.load %arg3[%get3A_14, %get3A_15, %get3A_16] : memref<1x8x3xf32, #tpu.memory_space<vmem>>, vector<1x8x1xf32>
    %get3A_18 = vector.shape_cast %get3A_17 : vector<1x8x1xf32> to vector<8x1xf32>
    %get3A_19 = arith.constant 0 : index
    %get3A_20 = arith.constant 0 : index
    %get3A_21 = arith.constant 1 : index
    %get3A_22 = vector.load %arg3[%get3A_19, %get3A_20, %get3A_21] : memref<1x8x3xf32, #tpu.memory_space<vmem>>, vector<1x8x1xf32>
    %get3A_23 = vector.shape_cast %get3A_22 : vector<1x8x1xf32> to vector<8x1xf32>
    %get3A_24 = arith.constant 0 : index
    %get3A_25 = arith.constant 0 : index
    %get3A_26 = arith.constant 2 : index
    %get3A_27 = vector.load %arg3[%get3A_24, %get3A_25, %get3A_26] : memref<1x8x3xf32, #tpu.memory_space<vmem>>, vector<1x8x1xf32>
    %get3A_28 = vector.shape_cast %get3A_27 : vector<1x8x1xf32> to vector<8x1xf32>
    %mul3A = arith.mulf %get3A_18, %get3A_18 : vector<8x1xf32>
    %mul3A_29 = arith.mulf %get3A_23, %get3A_23 : vector<8x1xf32>
    %add3A = arith.addf %mul3A, %mul3A_29 : vector<8x1xf32>
    %mul3A_30 = arith.mulf %get3A_28, %get3A_28 : vector<8x1xf32>
    %add3A_31 = arith.addf %add3A, %mul3A_30 : vector<8x1xf32>
    %mul3A_32 = arith.mulf %get3A_3, %get3A_3 : vector<1x8192xf32>
    %mul3A_33 = arith.mulf %get3A_8, %get3A_8 : vector<1x8192xf32>
    %add3A_34 = arith.addf %mul3A_32, %mul3A_33 : vector<1x8192xf32>
    %mul3A_35 = arith.mulf %get3A_13, %get3A_13 : vector<1x8192xf32>
    %add3A_36 = arith.addf %add3A_34, %mul3A_35 : vector<1x8192xf32>
    %convert_element_type3A = arith.truncf %get3A_18 : vector<8x1xf32> to vector<8x1xbf16>
    %convert_element_type3A_37 = arith.extf %convert_element_type3A : vector<8x1xbf16> to vector<8x1xf32>
    %convert_element_type3A_38 = arith.truncf %get3A_3 : vector<1x8192xf32> to vector<1x8192xbf16>
    %convert_element_type3A_39 = arith.extf %convert_element_type3A_38 : vector<1x8192xbf16> to vector<1x8192xf32>
    %mul3A_40 = vector.broadcast %convert_element_type3A_37 : vector<8x1xf32> to vector<8x8192xf32>
    %mul3A_41 = vector.broadcast %convert_element_type3A_39 : vector<1x8192xf32> to vector<8x8192xf32>
    %mul3A_42 = arith.mulf %mul3A_40, %mul3A_41 : vector<8x8192xf32>
    %convert_element_type3A_43 = arith.truncf %get3A_23 : vector<8x1xf32> to vector<8x1xbf16>
    %convert_element_type3A_44 = arith.extf %convert_element_type3A_43 : vector<8x1xbf16> to vector<8x1xf32>
    %convert_element_type3A_45 = arith.truncf %get3A_8 : vector<1x8192xf32> to vector<1x8192xbf16>
    %convert_element_type3A_46 = arith.extf %convert_element_type3A_45 : vector<1x8192xbf16> to vector<1x8192xf32>
    %mul3A_47 = vector.broadcast %convert_element_type3A_44 : vector<8x1xf32> to vector<8x8192xf32>
    %mul3A_48 = vector.broadcast %convert_element_type3A_46 : vector<1x8192xf32> to vector<8x8192xf32>
    %mul3A_49 = arith.mulf %mul3A_47, %mul3A_48 : vector<8x8192xf32>
    %add3A_50 = arith.addf %mul3A_42, %mul3A_49 : vector<8x8192xf32>
    %convert_element_type3A_51 = arith.truncf %get3A_28 : vector<8x1xf32> to vector<8x1xbf16>
    %convert_element_type3A_52 = arith.extf %convert_element_type3A_51 : vector<8x1xbf16> to vector<8x1xf32>
    %convert_element_type3A_53 = arith.truncf %get3A_13 : vector<1x8192xf32> to vector<1x8192xbf16>
    %convert_element_type3A_54 = arith.extf %convert_element_type3A_53 : vector<1x8192xbf16> to vector<1x8192xf32>
    %mul3A_55 = vector.broadcast %convert_element_type3A_52 : vector<8x1xf32> to vector<8x8192xf32>
    %mul3A_56 = vector.broadcast %convert_element_type3A_54 : vector<1x8192xf32> to vector<8x8192xf32>
    %mul3A_57 = arith.mulf %mul3A_55, %mul3A_56 : vector<8x8192xf32>
    %add3A_58 = arith.addf %add3A_50, %mul3A_57 : vector<8x8192xf32>
    %add3A_59 = vector.broadcast %add3A_31 : vector<8x1xf32> to vector<8x8192xf32>
    %add3A_60 = vector.broadcast %add3A_36 : vector<1x8192xf32> to vector<8x8192xf32>
    %add3A_61 = arith.addf %add3A_59, %add3A_60 : vector<8x8192xf32>
    %mul3A_62 = arith.constant 2.000000e+00 : f32
    %mul3A_63 = vector.broadcast %mul3A_62 : f32 to vector<8x8192xf32>
    %mul3A_64 = arith.mulf %mul3A_63, %add3A_58 : vector<8x8192xf32>
    %sub3A = arith.subf %add3A_61, %mul3A_64 : vector<8x8192xf32>
    %bitcast_convert_type3A = tpu.bitcast %sub3A : vector<8x8192xf32> -> vector<8x8192xi32>
    %shift_right_arithmetic3A = arith.constant 31 : i32
    %shift_right_arithmetic3A_65 = vector.broadcast %shift_right_arithmetic3A : i32 to vector<8x8192xi32>
    %shift_right_arithmetic3A_66 = arith.shrsi %bitcast_convert_type3A, %shift_right_arithmetic3A_65 : vector<8x8192xi32>
    %and3A = arith.constant 2147483647 : i32
    %and3A_67 = vector.broadcast %and3A : i32 to vector<8x8192xi32>
    %and3A_68 = arith.andi %shift_right_arithmetic3A_66, %and3A_67 : vector<8x8192xi32>
    %xor3A = arith.xori %bitcast_convert_type3A, %and3A_68 : vector<8x8192xi32>
    %swap3A = arith.constant 0 : index
    %swap3A_69 = arith.constant 0 : index
    %swap3A_70 = vector.load %arg4[%swap3A, %swap3A_69] : memref<8x8192xi32, #tpu.memory_space<vmem>>, vector<8x8192xi32>
    tpu.vector_store %arg4[%swap3A, %swap3A_69], %xor3A {strides = array<i32>} : memref<8x8192xi32, #tpu.memory_space<vmem>>, vector<8x8192xi32>,
    return
  }
  func.func @transform_0(%arg0: i32, %arg1: i32) -> (i32, i32, i32) {
    %c0_i32 = arith.constant 0 : i32
    %c0_i32_0 = arith.constant 0 : i32
    %c0_i32_1 = arith.constant 0 : i32
    return %arg0, %c0_i32, %c0_i32_0 : i32, i32, i32
  }
  func.func @transform_1(%arg0: i32, %arg1: i32) -> (i32, i32, i32) {
    %c0_i32 = arith.constant 0 : i32
    %c0_i32_0 = arith.constant 0 : i32
    return %arg0, %arg1, %c0_i32 : i32, i32, i32
  }
  func.func @transform_2(%arg0: i32, %arg1: i32) -> (i32, i32) {
    %mul3A = arith.constant 16 : i32
    %mul3A_0 = arith.muli %arg0, %mul3A : i32
    %add3A = arith.addi %mul3A_0, %arg1 : i32
    %c0_i32 = arith.constant 0 : i32
    %c0_i32_1 = arith.constant 0 : i32
    return %add3A, %c0_i32 : i32, i32
  }
}

</mosaic_0001>

<sc_bundles>
// kernel: kernel.5.cloned.1.call-start
scs
__scs_entry_jumppad:
0x0: {  	(pc) =	sbr.rel $0x88, $3  }
0x1: {  	(tag) =	ssettag $0x0;
	lr =	simm.s32 $0x1  }
0x2: {  	[smem:$0x3FA0] =	sst lr;
	_ =	strace $0xD0000000  }
0x3: {  	_ = 	snop  }
0x4: {  	_ = 	snop  }
0x5: {  	_ = 	snop  }
0x6: {  	_ = 	snop  }
0x7: {  	_ = 	snop  }
__scs_overlays_trampoline_lowered:
0x8: {  	[smem:$0x3FAF] =	sst s0  }
0x9: {  	[smem:$0x3FB0] =	sst s1  }
0xa: {  	[smem:$0x3FB1] =	sst s2  }
0xb: {  	[smem:$0x3FB2] =	sst s3  }
0xc: {  	[smem:$0x3FB3] =	sst s4  }
0xd: {  	[smem:$0x3FB4] =	sst s5  }
0xe: {  	[smem:$0x3FB5] =	sst s6  }
0xf: {  	[smem:$0x3FB6] =	sst s7  }
0x10: {  	[smem:$0x3FB7] =	sst s8  }
0x11: {  	[smem:$0x3FB8] =	sst s9;
	s0 =	simm.s32 @!p0 $0x0  }
0x12: {  	s1 =	sld [smem:$0x3F9E];
	s0 =	simm.s32 @p0 $0x1  }
0x13: {  	[smem:$0x3FB9] =	sst s0;
	s0 =	simm.s32 @!p1 $0x0  }
0x14: {  	s2 =	sld [smem:$0x3F9D];
	s0 =	simm.s32 @p1 $0x1  }
0x15: {  	[smem:$0x3FBA] =	sst s0;
	s0 =	simm.s32 @!p2 $0x0  }
0x16: {  	s3 =	sld [smem:$0x3FDB];
	s0 =	simm.s32 @p2 $0x1  }
0x17: {  	s4 =	simm.s32 $0x1BF5;
	[smem:$0x3FBC] =	sst s0  }
0x18: {  	s0 =	sld [smem:$0x3F9F];
	_ =	swait.ge [sflag:s4], $0x0  }
0x19: {  	s7 =	sld [smem:$0x3FA0]  }
0x1a: {  	s8 =	sadd.s32 $0xFFFFE003, lr  }
0x1b: {  	s9 =	sadd.s32 $0xFFFFFEF7, lr;
	s5 =	simm.s32 $0xFFFFFFFF;
	p2 =	slt.u32 s8, $0xFFFFF086  }
0x1c: {  	p1 =	slt.u32 s9, $0xF7A;
	s5 =	simm.s32 @!p2 $0x0  }
0x1d: {  	s5 =	simm.s32 @p1 $0x1;
	p0 =	seq.s32 s7, s2  }
0x1e: {  	s7 =	smul.u32 @!p0 $0xF7A, s2;
	p2 =	seq.s32 @!p0 s5, $0x0  }
0x1f: {  	s9 =	smul.u32 $0xF7A, s1;
	s8 =	simm.s32 @!p0 $0x1BF5;
	p2 =	por !p2, p0  }
0x20: {  	[sflag:s8] =	ssyncset.s32 @!p0 $0xFFFFF086;
	s6 =	sadd.s32 @!p0 s3, s7;
	s7 =	simm.s32 @!p0 $0x108  }
0x21: {  	s3 =	sadd.s32 s3, s9;
	s6 =	sadd.s32 @!p0 $0x88, s6;
	s7 =	simm.s32 @p2 $0x1082  }
0x22: {  	[simem:s7], [sflag:s8] =	dma.local @!p0 [hbm:s6], $0xF7A  }
0x23: {  	s9 =	sor.u32 $0xD0000000, s2;
	s6 =	simm.s32 $0x108;
	_ =	swait.ge @!p0 [sflag:s8], $0x0  }
0x24: {  	s3 =	sadd.s32 $0x88, s3;
	s6 =	simm.s32 @!p1 $0x1082;
	[sflag:s4] =	ssyncset.s32 $0xFFFFF086  }
0x25: {  	[simem:s6], [sflag:s4] =	dma.local [hbm:s3], $0xF7A  }
0x26: {  	[smem:$0x3FA0] =	sst s1;
	(tag) =	ssettag s2;
	_ =	strace s9  }
0x27: {  	s1 =	sld [smem:$0x3FB0]  }
0x28: {  	s2 =	sld [smem:$0x3FB1]  }
0x29: {  	s4 =	sld [smem:$0x3FB3]  }
0x2a: {  	p0 =	seq.s32 s5, $0x0;
	s5 =	sld [smem:$0x3FB4]  }
0x2b: {  	s6 =	sld [smem:$0x3FB5]  }
0x2c: {  	s7 =	sld [smem:$0x3FB6]  }
0x2d: {  	s3 =	simm.s32 $0x108;
	s8 =	sld [smem:$0x3FB7]  }
0x2e: {  	s3 =	simm.s32 @!p0 $0x1082;
	s9 =	sld [smem:$0x3FB8]  }
0x2f: {  	lr =	sadd.s32 s0, s3;
	s0 =	sld [smem:$0x3FAF]  }
0x30: {  	s3 =	sld [smem:$0x3FB2]  }
0x31: {  	[smem:$0x3FBB] =	sst s10  }
0x32: {  	s10 =	sld [smem:$0x3FB9];
	_ =	sdelay $0x3  }
0x33: {  	p0 =	seq.s32 s10, $0x1;
	s10 =	sld [smem:$0x3FBB];
	_ =	sdelay $0x3  }
0x34: {  	[smem:$0x3FBB] =	sst s10  }
0x35: {  	s10 =	sld [smem:$0x3FBA];
	_ =	sdelay $0x3  }
0x36: {  	p1 =	seq.s32 s10, $0x1;
	s10 =	sld [smem:$0x3FBB];
	_ =	sdelay $0x3  }
0x37: {  	[smem:$0x3FBB] =	sst s10  }
0x38: {  	s10 =	sld [smem:$0x3FBC]  }
0x39: {  	_ = 	snop;
	(pc) =	sbr.ind lr, $3  }
0x3a: {  	_ = 	snop  }
0x3b: {  	_ = 	snop  }
0x3c: {  	p2 =	seq.s32 s10, $0x1;
	s10 =	sld [smem:$0x3FBB]  }
0x3d: {  	_ =	shalt  }
0x3e: {  	_ =	shalt  }
0x3f: {  	_ =	shalt  }
0x40: {  	_ =	shalt  }
0x41: {  	_ =	shalt  }
0x42: {  	_ =	shalt  }
0x43: {  	_ =	shalt  }
0x44: {  	_ =	shalt  }
0x45: {  	_ =	shalt  }
0x46: {  	_ =	shalt  }
0x47: {  	_ =	shalt  }
0x48: {  	_ =	shalt  }
0x49: {  	_ =	shalt  }
0x4a: {  	_ =	shalt  }
0x4b: {  	_ =	shalt  }
0x4c: {  	_ =	shalt  }
0x4d: {  	_ =	shalt  }
0x4e: {  	_ =	shalt  }
0x4f: {  	_ =	shalt  }
0x50: {  	_ =	shalt  }
0x51: {  	_ =	shalt  }
0x52: {  	_ =	shalt  }
0x53: {  	_ =	shalt  }
0x54: {  	_ =	shalt  }
0x55: {  	_ =	shalt  }
0x56: {  	_ =	shalt  }
0x57: {  	_ =	shalt  }
0x58: {  	_ =	shalt  }
0x59: {  	_ =	shalt  }
0x5a: {  	_ =	shalt  }
0x5b: {  	_ =	shalt  }
0x5c: {  	_ =	shalt  }
0x5d: {  	_ =	shalt  }
0x5e: {  	_ =	shalt  }
0x5f: {  	_ =	shalt  }
0x60: {  	_ =	shalt  }
0x61: {  	_ =	shalt  }
0x62: {  	_ =	shalt  }
0x63: {  	_ =	shalt  }
0x64: {  	_ =	shalt  }
0x65: {  	_ =	shalt  }
0x66: {  	_ =	shalt  }
0x67: {  	_ =	shalt  }
0x68: {  	_ =	shalt  }
0x69: {  	_ =	shalt  }
0x6a: {  	_ =	shalt  }
0x6b: {  	_ =	shalt  }
0x6c: {  	_ =	shalt  }
0x6d: {  	_ =	shalt  }
0x6e: {  	_ =	shalt  }
0x6f: {  	_ =	shalt  }
0x70: {  	_ =	shalt  }
0x71: {  	_ =	shalt  }
0x72: {  	_ =	shalt  }
0x73: {  	_ =	shalt  }
0x74: {  	_ =	shalt  }
0x75: {  	_ =	shalt  }
0x76: {  	_ =	shalt  }
0x77: {  	_ =	shalt  }
0x78: {  	_ =	shalt  }
0x79: {  	_ =	shalt  }
0x7a: {  	_ =	shalt  }
0x7b: {  	_ =	shalt  }
0x7c: {  	_ =	shalt  }
0x7d: {  	_ =	shalt  }
0x7e: {  	_ =	shalt  }
0x7f: {  	_ =	shalt  }
0x80: {  	_ =	shalt  }
0x81: {  	_ =	shalt  }
0x82: {  	_ =	shalt  }
0x83: {  	_ =	shalt  }
0x84: {  	_ =	shalt  }
0x85: {  	_ =	shalt  }
0x86: {  	_ =	shalt  }
0x87: {  	_ =	shalt  }
.Lfunc_end0:
.L_simem_size_0:
called_computation_lowered:
.L_overlay_start_0:
0x88: {  	s2 =	sld [smem:$0x3FD9]  }
0x89: {  	s3 =	sld [smem:$0x3FFE];
	_ =	sdelay $0x1  }
0x8a: {  	s1 =	srdreg.scid  }
0x8b: {  	s0 =	sand.u32 $0x1, s1  }
0x8c: {  	s14 =	sshll.u32 s0, $0xA;
	s2 =	sadd.s32 s3, s2  }
0x8d: {  	s2 =	sadd.s32 s2, s14  }
0x8e: {  	[smem:$0x3FC7] =	sst s2  }
0x8f: {  	_ = 	snop  }
0x90: {  	s2 =	sld [smem:$0x3FD0];
	_ =	sdelay $0x2  }
0x91: {  	s4 =	simm.s32 $0xA;
	s5 =	simm.s32 $0x10;
	s15 =	sld [smem:$0x3FC9]  }
0x92: {  	[smem:s5], [sflag:s4] =	dma.local [hbm:s2], $0x1  }
0x93: {  	_ =	swait.eq [sflag:s4], $0x1  }
0x94: {  	[sflag:s4] =	ssyncset.done $0x0  }
0x95: {  	[sflag:s4] =	ssyncadd.s32 $0xFFFFFFFF  }
0x96: {  	s16 =	sld [smem:$0x10];
	(tm) =	ssettm $0x1  }
0x97: {  	s17 =	sld [smem:$0x3FFB];
	_ =	sdelay $0x3  }
0x98: {  	_ =	strace s17  }
0x99: {  	s4 =	sld [smem:$0x3FFC];
	_ =	sdelay $0x3  }
0x9a: {  	_ =	strace s4  }
0x9b: {  	s4 =	sld [smem:$0x3FFD];
	_ =	sdelay $0x3  }
0x9c: {  	_ =	strace s4  }
0x9d: {  	_ =	strace $0x8FFFFFFF  }
0x9e: {  	s18 =	sld [smem:$0x3FDB];
	_ =	sdelay $0x1  }
0x9f: {  	s19 =	simm.s32 $_scs_section_size  }
0xa0: {  	s6 =	simm.s32 $_size__tile_overlayer_lowered;
	s7 =	simm.s32 $_tile_overlayer_lowered  }
0xa1: {  	s22 =	simm.s32 $0x1BFF;
	s21 =	sshll.u32 s7, $0x1;
	s4 =	sadd.s32 s19, s18  }
0xa2: {  	s8 =	simm.s32 $0x0;
	s20 =	sshll.u32 s6, $0x1;
	s6 =	sadd.s32 s21, s4  }
0xa3: {  	[timem:s8], [sflag:s22] =	dma.local [hbm:s6], s20  }
0xa4: {  	_ =	swait.ge [sflag:s22], s20  }
0xa5: {  	s5 =	ssub.s32 $0x0, s20;
	[sflag:s22] =	ssyncset.done $0x0  }
0xa6: {  	[sflag:s22] =	ssyncadd.s32 s5;
	_ =	sdelay $0x1  }
0xa7: {  	s23 =	simm.s32 $0x1B8B  }
0xa8: {  	_ =	swait.ge [sflag:s23], $0x1  }
0xa9: {  	[sflag:s23] =	ssyncset.done $0x0  }
0xaa: {  	s25 =	simm.s32 $0x1B8E;
	s24 =	sld [smem:$0x3FFE];
	[sflag:s23] =	ssyncadd.s32 $0xFFFFFFFF  }
0xab: {  	s26 =	simm.s32 $execute0_lowered;
	[smem:$0x3FD2] =	sst s25  }
0xac: {  	s6 =	sshll.u32 s26, $0x1;
	_ =	strace $0x80000046;
	[dreg:$0x1] =	wrdreg $0xFFFFFFFF  }
0xad: {  	s28 =	simm.s32 $_size_execute0_lowered;
	s4 =	sadd.s32 s4, s6;
	[dreg:$0x0] =	wrdreg $0x0  }
0xae: {  	s6 =	sshll.u32 s28, $0x1;
	[dreg:$0x2] =	wrdreg s4  }
0xaf: {  	[dreg:$0x3] =	wrdreg s6  }
0xb0: {  	[dreg:$0x4] =	wrdreg $0xC0  }
0xb1: {  	_ =	task [dreg:s8], $0x5FFFF  }
0xb2: {  	[dreg:$0x1] =	wrdreg $0xFFFFFFFF  }
0xb3: {  	[dreg:$0x0] =	wrdreg $0x60  }
0xb4: {  	[dreg:$0x2] =	wrdreg s24  }
0xb5: {  	[dreg:$0x3] =	wrdreg s15  }
0xb6: {  	[dreg:$0x4] =	wrdreg s16  }
0xb7: {  	[dreg:$0x5] =	wrdreg $0x9  }
0xb8: {  	_ =	task.clear_ibuf [dreg:s8], $0x6FFFF;
	_ =	strace $0x90000046  }
0xb9: {  	s29 =	simm.s32 $0x9;
	_ =	strace $0x80000048  }
0xba: {  	_ =	swait.ge [sflag:s29], $0x1  }
0xbb: {  	[sflag:s29] =	ssyncadd.s32 $0xFFFFFFFF  }
0xbc: {  	_ =	strace $0x90000048  }
0xbd: {  	_ =	sfence  }
0xbe: {  	s30 =	sld [smem:$0x0];
	_ =	sdelay $0x2  }
0xbf: {  	s31 =	sshll.u32 s1, $0xD;
	s1 =	sshrl.u32 s1, $0x2  }
0xc0: {  	s3 =	sand.u32 $0x4000, s31;
	s1 =	sadd.s32 s1, s30  }
0xc1: {  	s0 =	sor.u32 s3, s0;
	s1 =	sshll.u32 s1, $0x11  }
0xc2: {  	s0 =	sor.u32 s1, s0  }
0xc3: {  	s0 =	sadd.s32 $0x8F2B, s0  }
0xc4: {  	[sflag:s0] =	ssyncadd.remote.s32 $0x1  }
0xc5: {  	_ =	sfence.sel $0xFFFF  }
0xc6: {  	[dreg:$0x0] =	wrdreg $0xFFFFFFFF;
	(pc) =	sbr.abs _section_cstart, $3  }
0xc7: {  	[dreg:$0x1] =	wrdreg $0xFFFFFFFF  }
0xc8: {  	_ =	task.clear_ibuf [dreg:s8], $0x2FFFF;
	_ =	strace $0x9FFFFFFF  }
0xc9: {  	(tm) =	ssettm $0x7FFFFFFF  }
tec
execute0_lowered:
.L_overlay_start_1:
0x0: {  	(tag) =	ssettag $0x1  }
0x1: {  	s1 =	rddreg [dreg:$0x0]  }
0x2: {  	s0 =	srdreg.scid;
	s6 =	rddreg [dreg:$0x1]  }
0x3: {  	s8 =	stileid.u32;
	s7 =	rddreg [dreg:$0x2];
	s5 =	simm.s32 $0x1  }
0x4: {  	s28 =	simm.s32 $0xAC00;
	s29 =	simm.s32 $0xAE80;
	s0 =	sand.u32 $0x1, s0  }
0x5: {  	s30 =	simm.s32 $0xAF00;
	s31 =	simm.s32 $0x2;
	s2 =	sor.u32 s0, s8  }
0x6: {  	s3 =	sadd.s32 $0x600, s1;
	p1 =	seq.s32 s0, $0x1;
	p0 =	seq.s32 s2, $0x0  }
0x7: {  	s4 =	sadd.s32 $0x200600, s1;
	s14 =	ssub.s32 $0x2, s0;
	p0 =	por !p0, !p1  }
0x8: {  	s0 =	sshll.u32 s0, $0x6;
	s9 =	sshrl.u32 s14, $0x1;
	p0 =	por !p0, !p0  }
0x9: {  	s2 =	simm.s32 $0x0;
	s9 =	ssub.s32 s14, s9;
	s5 =	simm.s32 @!p0 $0x0  }
0xa: {  	[smem:$0x7FF] =	sst s2;
	s26 =	smax.u32 s9, $0x1;
	s13 =	ssub.s32 s8, s5  }
0xb: {  	_ =	strace $0x80000047;
	[dreg:$0xc] =	wrdreg s26;
	s1 =	sshrl.u32 s13, $0x3  }
0xc: {  	s26 =	simm.s32 $0xA980;
	s8 =	sshll.u32 s13, $0x7;
	s10 =	sshll.u32 s1, $0x10  }
0xd: {  	s11 =	sand.u32 $0x380, s8;
	s15 =	sor.u32 s0, s8;
	s1 =	sshll.u32 s1, $0xA  }
0xe: {  	s10 =	sor.u32 s11, s10;
	s0 =	sor.u32 s0, s11;
	[dreg:$0x4] =	wrdreg s15  }
0xf: {  	s24 =	sshll.u32 s15, $0xA;
	s15 =	simm.s32 $0x80;
	s16 =	sshrl.u32 s10, $0x3  }
0x10: {  	s17 =	sadd.s32 $0x20000, s10;
	s10 =	sadd.s32 $0x40000, s10;
	s0 =	sor.u32 s1, s0  }
0x11: {  	s8 =	sadd.s32 s6, s16;
	s18 =	sshrl.u32 s17, $0x3;
	s19 =	sshrl.u32 s10, $0x3  }
0x12: {  	s20 =	sshrl.u32 s0, $0x3;
	s23 =	sadd.s32 $0x800, s0;
	s0 =	sadd.s32 $0x1000, s0  }
0x13: {  	s16 =	simm.s32 $0x400;
	s17 =	simm.s32 $0x3;
	[dreg:$0x5] =	wrdreg s8  }
0x14: {  	s1 =	sadd.s32 s6, s18;
	s21 =	sadd.s32 s6, s19;
	s22 =	sadd.s32 s7, s20  }
0x15: {  	s0 =	sshrl.u32 s0, $0x3;
	s6 =	sand.u32 $0x1FFF0000, s24;
	[dreg:$0x6] =	wrdreg s1  }
.Ltmp0:
0x16: {  	s18 =	simm.s32 $0x2000;
	[dreg:$0x7] =	wrdreg s21;
	(pc) =	sbr.rel .LBB2_1-.Ltmp0, $4  }
0x17: {  	v0 =	vlaneseq.u32;
	s19 =	simm.s32 $0x4000;
	[dreg:$0x8] =	wrdreg s22;
	s0 =	sadd.s32 s7, s0  }
0x18: {  	v1 =	vimm.s32 $0x0;
	v2 =	vmul.u32 $0x3, v0;
	s1 =	sshrl.u32 s23, $0x3;
	s25 =	sadd.s32 s3, s6;
	[dreg:$0xa] =	wrdreg s0  }
0x19: {  	v3 =	vimm.s32 $0x1;
	v4 =	vor.u32 $0x80000000, v0;
	v5 =	vor.u32 $0x10, v0;
	s24 =	simm.s32 $0x6000;
	s1 =	sadd.s32 s7, s1;
	[dreg:$0xb] =	wrdreg s25  }
0x1a: {  	v6 =	vadd.s32 $0x1, v2;
	v7 =	vadd.s32 $0x2, v2;
	v8 =	vadd.s32 $0x30, v2;
	s25 =	simm.s32 $0xA180;
	[dreg:$0x9] =	wrdreg s1;
	s1 =	simm.s32 $0x0  }
.LBB2_57:
0x1b: {  	s1 =	rddreg [dreg:$0xd]  }
0x1c: {  	s0 =	rddreg [dreg:$0xc];
	s1 =	sadd.s32 $0x1, s1  }
0x1d: {  	p0 =	sne.s32 s1, s0  }
.Ltmp1:
0x1e: {  	_ = 	snop;
	(pc) =	sbr.rel @!p0 .LBB2_58-.Ltmp1, $1  }
0x1f: {  	_ =	sdelay $0x3  }
.LBB2_1:
0x20: {  	[dreg:$0xd] =	wrdreg s1  }
0x21: {  	s0 =	rddreg [dreg:$0x5]  }
0x22: {  	[tilespmem:s2], [sflag:$0x3] =	stream.strided.gather [hbm4b:s0+s15], $0x2000, s16, s15, $0x38;
	[tilespmem:$0xB000] =	vst v63  }
0x23: {  	_ =	swait.ge [sflag:s17], $0x2000  }
0x24: {  	[sflag:s17] =	ssyncset.done $0x0  }
0x25: {  	s10 =	rddreg [dreg:$0x6];
	[sflag:s17] =	ssyncadd.s32 $0xFFFFE000  }
0x26: {  	[tilespmem:s18], [sflag:$0x3] =	stream.strided.gather [hbm4b:s10+s15], $0x2000, s16, s15, $0x38;
	[tilespmem:$0xB000] =	vst v63  }
0x27: {  	_ =	swait.ge [sflag:s17], $0x2000  }
0x28: {  	[sflag:s17] =	ssyncset.done $0x0  }
0x29: {  	s11 =	rddreg [dreg:$0x7];
	[sflag:s17] =	ssyncadd.s32 $0xFFFFE000  }
0x2a: {  	[tilespmem:s19], [sflag:$0x3] =	stream.strided.gather [hbm4b:s11+s15], $0x2000, s16, s15, $0x38;
	[tilespmem:$0xB000] =	vst v63  }
0x2b: {  	_ =	swait.ge [sflag:s17], $0x2000  }
0x2c: {  	[sflag:s17] =	ssyncset.done $0x0  }
0x2d: {  	s12 =	rddreg [dreg:$0x8];
	[sflag:s17] =	ssyncadd.s32 $0xFFFFE000  }
0x2e: {  	[tilespmem:s24], [sflag:$0x3] =	stream.linear.gather [hbm4b:s12+s2], $0x40, $0x38;
	[tilespmem:$0xB000] =	vst v63  }
0x2f: {  	_ =	swait.ge [sflag:s17], $0x40  }
0x30: {  	[sflag:s17] =	ssyncset.done $0x0  }
0x31: {  	s14 =	simm.s32 $0x6080;
	s13 =	rddreg [dreg:$0x9];
	[sflag:s17] =	ssyncadd.s32 $0xFFFFFFC0  }
0x32: {  	[tilespmem:s14], [sflag:$0x3] =	stream.linear.gather [hbm4b:s13+s2], $0x40, $0x38;
	[tilespmem:$0xB000] =	vst v63  }
0x33: {  	_ =	swait.ge [sflag:s17], $0x40  }
0x34: {  	[sflag:s17] =	ssyncset.done $0x0  }
0x35: {  	s21 =	simm.s32 $0x6100;
	s20 =	rddreg [dreg:$0xa];
	[sflag:s17] =	ssyncadd.s32 $0xFFFFFFC0  }
0x36: {  	[tilespmem:s21], [sflag:$0x3] =	stream.linear.gather [hbm4b:s20+s2], $0x40, $0x38;
	[tilespmem:$0xB000] =	vst v63  }
0x37: {  	_ =	swait.ge [sflag:s17], $0x40  }
0x38: {  	s23 =	simm.s32 $0x6180;
	[sflag:s17] =	ssyncset.done $0x0  }
0x39: {  	s0 =	simm.s32 $0x0;
	s22 =	rddreg [dreg:$0xb];
	[sflag:s17] =	ssyncadd.s32 $0xFFFFFFC0  }
0x3a: {  	[tilespmem:s23], [sflag:$0x1] =	stream.strided.gather [hbm4b:s22+s15], $0x2000, s16, s15, $0x38;
	[tilespmem:$0xB000] =	vst v63  }
.LBB2_2:
0x3b: {  	s8 =	sshll.u32 s0, $0x1;
	s1 =	rddreg [dreg:$0x4]  }
0x3c: {  	s7 =	sor.u32 s1, s8  }
0x3d: {  	s21 =	sshll.u32 s0, $0x8;
	s6 =	sshll.u32 s7, $0xD  }
0x3e: {  	s9 =	sand.u32 $0x300, s21;
	s22 =	sand.u32 $0xFFFF0000, s6  }
0x3f: {  	s5 =	simm.s32 $0x1;
	s1 =	sor.u32 s22, s9  }
0x40: {  	_ =	swait.ge [sflag:s5], $0x2000;
	s1 =	sshrl.u32 s1, $0x3  }
0x41: {  	s23 =	simm.s32 $0x8180;
	[sflag:s5] =	ssyncset.done $0x0;
	s1 =	sadd.s32 s1, s3  }
0x42: {  	s10 =	simm.s32 $0xA1C0;
	[sflag:s5] =	ssyncadd.s32 $0xFFFFE000;
	s1 =	sadd.s32 $0x10, s1  }
0x43: {  	[tilespmem:s23], [sflag:$0x2] =	stream.strided.gather [hbm4b:s1+s15], $0x2000, s16, s15, $0x38;
	[tilespmem:$0xB000] =	vst v63  }
0x44: {  	[tilespmem:s10+$0xFFFFFFC0] =	vst v1  }
0x45: {  	[tilespmem:s10+$0x30] =	vst v1  }
0x46: {  	[tilespmem:s10+$0x20] =	vst v1  }
0x47: {  	[tilespmem:s10+$0x10] =	vst v1  }
0x48: {  	[tilespmem:s10+$0x0] =	vst v1  }
0x49: {  	[tilespmem:s10+$0xFFFFFFF0] =	vst v1  }
0x4a: {  	s11 =	simm.s32 $0x0;
	s1 =	simm.s32 $0xFFFFFFF8;
	[tilespmem:s10+$0xFFFFFFE0] =	vst v1  }
.LBB2_3:
0x4b: {  	s11 =	sadd.s32 $0x8, s11;
	[tilespmem:s10+$0xFFFFFFD0] =	vst v1;
	s10 =	sadd.s32 $0x80, s10;
	v9 =	vimm.s32 $0x7FFFFFFF;
	s6 =	simm.s32 $0x61C0  }
0x4c: {  	[tilespmem:s10+$0xFFFFFFC0] =	vst v1;
	p0 =	slt.u32 s11, $0x78  }
0x4d: {  	[tilespmem:s10+$0x30] =	vst v1  }
.Ltmp2:
0x4e: {  	[tilespmem:s10+$0x20] =	vst v1;
	(pc) =	sbr.rel @p0 .LBB2_3-.Ltmp2, $4  }
0x4f: {  	[tilespmem:s10+$0x10] =	vst v1  }
0x50: {  	[tilespmem:s10+$0x0] =	vst v1  }
0x51: {  	[tilespmem:s10+$0xFFFFFFF0] =	vst v1  }
0x52: {  	[tilespmem:s10+$0xFFFFFFE0] =	vst v1  }
0x53: {  	[tilespmem:s10+$0xFFFFFFD0] =	vst v1  }
.LBB2_5:
0x54: {  	v10 =	vld [tilespmem:s6+$0xFFFFFFC0];
	_ =	sdelay $0x4  }
0x55: {  	v11 =	vshra.s32 v10, $0x15  }
0x56: {  	v11 =	vadd.s32 $0x400, v11;
	_ =	sdelay $0x4  }
0x57: {  	[tilespmem:v11+s25+$0x0] =	vst.idx.add.s32.msk $0xffff, v3  }
0x58: {  	v11 =	vld [tilespmem:s6+$0xFFFFFFD0];
	_ =	sdelay $0x4  }
0x59: {  	v12 =	vshra.s32 v11, $0x15  }
0x5a: {  	v12 =	vadd.s32 $0x400, v12;
	_ =	sdelay $0x4  }
0x5b: {  	[tilespmem:v12+s25+$0x0] =	vst.idx.add.s32.msk $0xffff, v3  }
0x5c: {  	v12 =	vld [tilespmem:s6+$0xFFFFFFE0];
	_ =	sdelay $0x4  }
0x5d: {  	v13 =	vshra.s32 v12, $0x15  }
0x5e: {  	v13 =	vadd.s32 $0x400, v13;
	_ =	sdelay $0x4  }
0x5f: {  	[tilespmem:v13+s25+$0x0] =	vst.idx.add.s32.msk $0xffff, v3  }
0x60: {  	v13 =	vld [tilespmem:s6+$0xFFFFFFF0];
	_ =	sdelay $0x4  }
0x61: {  	v14 =	vshra.s32 v13, $0x15  }
0x62: {  	v14 =	vadd.s32 $0x400, v14;
	_ =	sdelay $0x4  }
0x63: {  	[tilespmem:v14+s25+$0x0] =	vst.idx.add.s32.msk $0xffff, v3  }
0x64: {  	v14 =	vld [tilespmem:s6+$0x0];
	_ =	sdelay $0x4  }
0x65: {  	v15 =	vshra.s32 v14, $0x15  }
0x66: {  	v15 =	vadd.s32 $0x400, v15;
	_ =	sdelay $0x4  }
0x67: {  	[tilespmem:v15+s25+$0x0] =	vst.idx.add.s32.msk $0xffff, v3  }
0x68: {  	v15 =	vld [tilespmem:s6+$0x10];
	_ =	sdelay $0x4  }
0x69: {  	v16 =	vshra.s32 v15, $0x15  }
0x6a: {  	v16 =	vadd.s32 $0x400, v16;
	_ =	sdelay $0x4  }
0x6b: {  	[tilespmem:v16+s25+$0x0] =	vst.idx.add.s32.msk $0xffff, v3  }
0x6c: {  	v16 =	vld [tilespmem:s6+$0x20];
	_ =	sdelay $0x4  }
0x6d: {  	v17 =	vshra.s32 v16, $0x15  }
0x6e: {  	v17 =	vadd.s32 $0x400, v17;
	_ =	sdelay $0x1  }
0x6f: {  	vm0 =	vlt.s32 v9, v10  }
0x70: {  	v9 =	vsel vm0, v9, v10  }
0x71: {  	vm0 =	vlt.s32 v9, v11  }
0x72: {  	v9 =	vsel vm0, v9, v11;
	[tilespmem:v17+s25+$0x0] =	vst.idx.add.s32.msk $0xffff, v3  }
0x73: {  	vm0 =	vlt.s32 v9, v12;
	v10 =	vld [tilespmem:s6+$0x30]  }
0x74: {  	v9 =	vsel vm0, v9, v12  }
0x75: {  	vm0 =	vlt.s32 v9, v13  }
0x76: {  	v9 =	vsel vm0, v9, v13  }
0x77: {  	vm0 =	vlt.s32 v9, v14  }
0x78: {  	s1 =	sadd.s32 $0x8, s1;
	v9 =	vsel vm0, v9, v14;
	v11 =	vshra.s32 v10, $0x15  }
0x79: {  	p0 =	slt.u32 s1, $0x1F8;
	vm0 =	vlt.s32 v9, v15;
	v11 =	vadd.s32 $0x400, v11  }
.Ltmp3:
0x7a: {  	v9 =	vsel vm0, v9, v15;
	(pc) =	sbr.rel @p0 .LBB2_5-.Ltmp3, $4  }
0x7b: {  	vm0 =	vlt.s32 v9, v16  }
0x7c: {  	v9 =	vsel vm0, v9, v16  }
0x7d: {  	vm0 =	vlt.s32 v9, v10  }
0x7e: {  	s6 =	sadd.s32 $0x80, s6;
	v9 =	vsel vm0, v9, v10;
	[tilespmem:v11+s25+$0x0] =	vst.idx.add.s32.msk $0xffff, v3  }
0x7f: {  	v9 =	vxor.u32 $0x80000000, v9  }
0x80: {  	(xrf0) =	vmin.scan.msk.u32 $0xffff, v9;
	_ =	sdelay $0x5  }
0x81: {  	v9, _, _ =	vpop (xrf0)  }
0x82: {  	(v2sf) =	vpush v9, $0xF;
	_ =	sdelay $0xe  }
0x83: {  	s1 =	spop (v2sf)  }
0x84: {  	s1 =	sshra.s32 s1, $0x19  }
0x85: {  	s1 =	sxor.u32 $0xFFFFFFC0, s1  }
0x86: {  	s6 =	simm.s32 $0x0;
	s1 =	sadd.s32 $0x40, s1  }
.LBB2_7:
0x87: {  	s10 =	sshll.u32 s1, $0x6  }
0x88: {  	s10 =	sshra.s32 s10, $0x2  }
0x89: {  	v9 =	vld [tilespmem:s10+$0xA180];
	_ =	sdelay $0x4  }
0x8a: {  	(xrf0) =	vadd.scan.msk.s32 $0xffff, v9;
	_ =	sdelay $0x5  }
0x8b: {  	v9, _, _ =	vpop (xrf0)  }
0x8c: {  	(v2sf) =	vpush v9, $0xF;
	_ =	sdelay $0xe  }
0x8d: {  	s10 =	smov.u32 s6;
	s23 =	spop (v2sf)  }
0x8e: {  	s6 =	sadd.s32 s10, s23  }
0x8f: {  	p1 =	slt.s32 s1, $0x7F;
	p0 =	slt.s32 s6, $0x40  }
0x90: {  	p0 =	por !p1, !p0  }
0x91: {  	p0 =	por !p0, !p0  }
.Ltmp4:
0x92: {  	_ = 	snop;
	(pc) =	sbr.rel @p0 .LBB2_7-.Ltmp4, $4  }
0x93: {  	_ = 	snop  }
0x94: {  	s11 =	simm.s32 $0x1  }
0x95: {  	s11 =	simm.s32 @!p0 $0x0  }
0x96: {  	s1 =	sadd.s32 s11, s1  }
0x97: {  	s1 =	sshll.u32 s1, $0x4  }
0x98: {  	v9 =	vld [tilespmem:s1+$0xA180];
	_ =	sdelay $0x4  }
0x99: {  	(xrf0) =	vadd.scan.msk.s32 $0xffff, v9;
	_ =	sdelay $0x5  }
0x9a: {  	v9, _, _ =	vpop (xrf0)  }
0x9b: {  	v9 =	vadd.s32 s10, v9  }
0x9c: {  	vm0 =	vgt.s32 v9, $0x3F  }
0x9d: {  	v9 =	vnsel vm0, $0x80000010, v4  }
0x9e: {  	(xrf0) =	vmin.scan.msk.u32 $0xffff, v9;
	_ =	sdelay $0x5  }
0x9f: {  	v9, _, _ =	vpop (xrf0)  }
0xa0: {  	(v2sf) =	vpush v9, $0xF;
	_ =	sdelay $0xe  }
0xa1: {  	s6 =	spop (v2sf)  }
0xa2: {  	s6 =	sxor.u32 $0x80000000, s6  }
0xa3: {  	p0 =	slt.s32 s6, $0xF  }
0xa4: {  	s6 =	simm.s32 @!p0 $0xF  }
0xa5: {  	s1 =	sadd.s32 s1, s6  }
0xa6: {  	v10 =	vimm.s32 $0x0;
	s10 =	simm.s32 $0x61A0;
	s6 =	simm.s32 $0x0;
	v9 =	vmov s1;
	s1 =	simm.s32 $0xFFFFFFFC  }
.LBB2_9:
0xa7: {  	v11 =	vld [tilespmem:s10+$0xFFFFFFE0];
	_ =	sdelay $0x4  }
0xa8: {  	v12 =	vshra.s32 v11, $0x15  }
0xa9: {  	v12 =	vadd.s32 $0x400, v12  }
0xaa: {  	vm0 =	vle.s32 v12, v9  }
0xab: {  	v12 =	vsel vm0, $0x1, v1  }
0xac: {  	(xrf0) =	vadd.scan.msk.s32 $0xffff, v12;
	_ =	sdelay $0x5  }
0xad: {  	v12, _, _ =	vpop (xrf0)  }
0xae: {  	v12 =	vadd.s32 v12, v10  }
0xaf: {  	v12 =	vadd.s32 $0xFFFFFFFF, v12  }
0xb0: {  	vm1 =	vlt.s32 v12, $0x200  }
0xb1: {  	vm1 =	vmand vm0, vm1;
	_ =	sdelay $0x5  }
0xb2: {  	[tilespmem:v12+s26+$0x0] =	vst.idx.msk vm1, v11;
	v11 =	vor.u32 s6, v0  }
0xb3: {  	[tilespmem:v12+s28+$0x0] =	vst.idx.msk vm1, v11  }
0xb4: {  	v11 =	vld [tilespmem:s10+$0xFFFFFFF0];
	_ =	sdelay $0x4  }
0xb5: {  	v55 =	vshra.s32 v11, $0x15  }
0xb6: {  	v12 =	vadd.s32 $0x400, v55  }
0xb7: {  	vm10 =	vle.s32 v12, v9  }
0xb8: {  	v12 =	vsel vm10, $0x1, v1  }
0xb9: {  	(xrf0) =	vadd.scan.msk.s32 $0xffff, v12;
	_ =	sdelay $0x3  }
0xba: {  	v56 =	vmpcnt.ones.xlane vm0;
	_ =	sdelay $0x1  }
0xbb: {  	v10 =	vadd.s32 v10, v56;
	v57, _, _ =	vpop (xrf0)  }
0xbc: {  	v12 =	vadd.s32 v57, v10  }
0xbd: {  	v12 =	vadd.s32 $0xFFFFFFFF, v12  }
0xbe: {  	vm11 =	vlt.s32 v12, $0x200  }
0xbf: {  	vm0 =	vmand vm10, vm11;
	_ =	sdelay $0x4  }
0xc0: {  	s11 =	sadd.s32 $0x10, s6  }
0xc1: {  	[tilespmem:v12+s26+$0x0] =	vst.idx.msk vm0, v11;
	v11 =	vor.u32 s11, v0  }
0xc2: {  	[tilespmem:v12+s28+$0x0] =	vst.idx.msk vm0, v11  }
0xc3: {  	v11 =	vld [tilespmem:s10+$0x0];
	_ =	sdelay $0x4  }
0xc4: {  	v58 =	vshra.s32 v11, $0x15  }
0xc5: {  	v12 =	vadd.s32 $0x400, v58  }
0xc6: {  	vm12 =	vle.s32 v12, v9  }
0xc7: {  	v12 =	vsel vm12, $0x1, v1  }
0xc8: {  	(xrf0) =	vadd.scan.msk.s32 $0xffff, v12;
	_ =	sdelay $0x3  }
0xc9: {  	v59 =	vmpcnt.ones.xlane vm10;
	_ =	sdelay $0x1  }
0xca: {  	v10 =	vadd.s32 v10, v59;
	v60, _, _ =	vpop (xrf0)  }
0xcb: {  	v12 =	vadd.s32 v60, v10  }
0xcc: {  	v12 =	vadd.s32 $0xFFFFFFFF, v12  }
0xcd: {  	vm13 =	vlt.s32 v12, $0x200  }
0xce: {  	vm1 =	vmand vm12, vm13;
	_ =	sdelay $0x4  }
0xcf: {  	s22 =	sadd.s32 $0x20, s6  }
0xd0: {  	[tilespmem:v12+s26+$0x0] =	vst.idx.msk vm1, v11;
	v11 =	vor.u32 s22, v0  }
0xd1: {  	[tilespmem:v12+s28+$0x0] =	vst.idx.msk vm1, v11  }
0xd2: {  	v11 =	vld [tilespmem:s10+$0x10];
	_ =	sdelay $0x4  }
0xd3: {  	v61 =	vshra.s32 v11, $0x15  }
0xd4: {  	v12 =	vadd.s32 $0x400, v61  }
0xd5: {  	vm14 =	vle.s32 v12, v9  }
0xd6: {  	v12 =	vsel vm14, $0x1, v1  }
0xd7: {  	(xrf0) =	vadd.scan.msk.s32 $0xffff, v12;
	_ =	sdelay $0x3  }
0xd8: {  	v62 =	vmpcnt.ones.xlane vm12;
	_ =	sdelay $0x1  }
0xd9: {  	v10 =	vadd.s32 v10, v62;
	v63, _, _ =	vpop (xrf0)  }
0xda: {  	v12 =	vadd.s32 v63, v10  }
0xdb: {  	v12 =	vadd.s32 $0xFFFFFFFF, v12  }
0xdc: {  	vm15 =	vlt.s32 v12, $0x200  }
0xdd: {  	vm0 =	vmand vm14, vm15  }
0xde: {  	s1 =	sadd.s32 $0x4, s1  }
0xdf: {  	p0 =	slt.u32 s1, $0x1FC  }
.Ltmp5:
0xe0: {  	_ = 	snop;
	(pc) =	sbr.rel @p0 .LBB2_9-.Ltmp5, $4  }
0xe1: {  	_ = 	snop  }
0xe2: {  	s23 =	sadd.s32 $0x30, s6;
	v13 =	vmpcnt.ones.xlane vm14  }
0xe3: {  	[tilespmem:v12+s26+$0x0] =	vst.idx.msk vm0, v11;
	v11 =	vor.u32 s23, v0  }
0xe4: {  	s6 =	sadd.s32 $0x40, s6;
	s10 =	sadd.s32 $0x40, s10;
	v10 =	vadd.s32 v10, v13;
	[tilespmem:v12+s28+$0x0] =	vst.idx.msk vm0, v11  }
0xe5: {  	v9 =	vxor.u32 $0x80000000, v10  }
0xe6: {  	(xrf0) =	vmin.scan.msk.u32 $0xffff, v9;
	_ =	sdelay $0x5  }
0xe7: {  	v9, _, _ =	vpop (xrf0)  }
0xe8: {  	(v2sf) =	vpush v9, $0xF;
	_ =	sdelay $0xe  }
0xe9: {  	s1 =	spop (v2sf)  }
0xea: {  	s1 =	sxor.u32 $0x80000000, s1  }
0xeb: {  	p0 =	slt.s32 s1, $0x200  }
0xec: {  	s1 =	simm.s32 @!p0 $0x200  }
0xed: {  	v10 =	vadd.s32 s1, v0;
	s1 =	sadd.s32 $0xF, s1  }
0xee: {  	s21 =	sshra.s32 s1, $0x4  }
0xef: {  	p0 =	slt.s32 s21, $0x1  }
.Ltmp6:
0xf0: {  	_ = 	snop;
	(pc) =	sbr.rel @p0 .LBB2_11-.Ltmp6, $3  }
0xf1: {  	_ =	sdelay $0x1  }
0xf2: {  	s12 =	simm.s32 $0xA980;
	v9 =	vimm.s32 $0x7FFFFFFF  }
0xf3: {  	s10 =	simm.s32 $0x0;
	[tilespmem:v10+s12+$0x0] =	vst.idx.msk $0xffff, v9  }
0xf4: {  	p5 =	sne.s32 s21, $0x1  }
.Ltmp7:
0xf5: {  	_ = 	snop;
	(pc) =	sbr.rel @!p5 .LBB2_13-.Ltmp7, $3  }
0xf6: {  	_ =	sdelay $0x1  }
0xf7: {  	s11 =	simm.s32 $0x1;
	p0 =	por $0x0, $0x0;
	p1 =	por $0x0, $0x0  }
0xf8: {  	p2 =	por $0x0, $0x0;
	p3 =	por $0x0, $0x0;
	p4 =	por $0x0, $0x0  }
0xf9: {  	v10 =	vld [tilespmem:s12+$0x0];
	p5 =	sne.s32 s21, $0x2  }
.Ltmp8:
0xfa: {  	_ = 	snop;
	(pc) =	sbr.rel @!p5 .LBB2_15-.Ltmp8, $2  }
0xfb: {  	_ =	sdelay $0x2  }
0xfc: {  	s13 =	simm.s32 $0x2;
	s12 =	simm.s32 $0xA990;
	p0 =	por $0x1, $0x1;
	v10 =	vxor.u32 $0x80000000, v10  }
0xfd: {  	v11 =	vld [tilespmem:s12+$0x0];
	p5 =	sne.s32 s21, $0x3  }
.Ltmp9:
0xfe: {  	_ = 	snop;
	(pc) =	sbr.rel @!p5 .LBB2_17-.Ltmp9, $2  }
0xff: {  	_ =	sdelay $0x2  }
0x100: {  	(xrf0) =	vmin.scan.msk.u32 $0xffff, v10;
	s14 =	simm.s32 $0x3;
	s12 =	simm.s32 $0xA9A0;
	p1 =	por $0x1, $0x1;
	v10 =	vxor.u32 $0x80000000, v11  }
0x101: {  	_ = 	snop  }
0x102: {  	v11 =	vld [tilespmem:s12+$0x0];
	p5 =	sne.s32 s21, $0x4  }
.Ltmp10:
0x103: {  	_ = 	snop;
	(pc) =	sbr.rel @!p5 .LBB2_19-.Ltmp10, $3  }
0x104: {  	_ =	sdelay $0x1  }
0x105: {  	(xrf0) =	vmin.scan.msk.u32 $0xffff, v10;
	v10, _, _ =	vpop (xrf0)  }
0x106: {  	s24 =	simm.s32 $0x4;
	s12 =	simm.s32 $0xA9B0;
	p2 =	por $0x1, $0x1;
	(v2sf) =	vpush v10, $0xF;
	v10 =	vxor.u32 $0x80000000, v11  }
0x107: {  	_ =	sdelay $0x3  }
0x108: {  	(xrf0) =	vmin.scan.msk.u32 $0xffff, v10;
	v10, _, _ =	vpop (xrf0)  }
0x109: {  	(v2sf) =	vpush v10, $0xF;
	_ =	sdelay $0x2  }
0x10a: {  	v11 =	vld [tilespmem:s12+$0x0];
	p5 =	sne.s32 s21, $0x5  }
.Ltmp11:
0x10b: {  	_ = 	snop;
	(pc) =	sbr.rel @!p5 .LBB2_21-.Ltmp11, $2  }
0x10c: {  	_ =	sdelay $0x2  }
0x10d: {  	s23 =	simm.s32 $0x5;
	s12 =	simm.s32 $0xA9C0;
	p3 =	por $0x1, $0x1;
	v10 =	vxor.u32 $0x80000000, v11  }
0x10e: {  	v12, _, _ =	vpop (xrf0)  }
0x10f: {  	(v2sf) =	vpush v12, $0xF;
	_ =	sdelay $0x1  }
0x110: {  	v11 =	vld [tilespmem:s12+$0x0];
	p5 =	sne.s32 s21, $0x6  }
.Ltmp12:
0x111: {  	_ = 	snop;
	(pc) =	sbr.rel @!p5 .LBB2_23-.Ltmp12, $4  }
0x112: {  	(xrf0) =	vmin.scan.msk.u32 $0xffff, v10;
	s1 =	simm.s32 $0xFFFFFFF0  }
0x113: {  	s22 =	simm.s32 $0x6;
	v12 =	vmov s10;
	v13 =	vmov s1  }
0x114: {  	s6 =	spop (v2sf);
	s12 =	simm.s32 $0xA9D0;
	p4 =	por $0x1, $0x1;
	vm0 =	veq.s32 v12, v0;
	vm1 =	veq.s32 v13, v0  }
0x115: {  	s20 =	simm.s32 $0x2;
	s1 =	sxor.u32 $0x80000000, s6;
	s6 =	simm.s32 $0x1;
	v12 =	vimm.s32 $0x7FFFFFFF;
	v10 =	vxor.u32 $0x80000000, v11;
	v11 =	vimm.s32 $0x7FFFFFFF  }
.LBB2_24:
0x116: {  	s5 =	smov.u32 s24  }
0x117: {  	s24 =	smov.u32 s23;
	s23 =	smov.u32 s22;
	s22 =	sadd.s32 $0x1, s22  }
0x118: {  	v13 =	vld [tilespmem:s12+$0x0];
	(xrf0) =	vmin.scan.msk.u32 $0xffff, v10;
	v10, _, _ =	vpop (xrf0);
	v11 =	vsel vm0, s1, v11;
	v12 =	vsel vm1, s1, v12;
	p5 =	sne.s32 s22, s21  }
.Ltmp13:
0x119: {  	(v2sf) =	vpush v10, $0xF;
	(pc) =	sbr.rel @p5 .LBB2_24-.Ltmp13, $4  }
0x11a: {  	_ = 	snop  }
0x11b: {  	s1 =	sadd.s32 $0xFFFFFFF0, s6  }
0x11c: {  	v14 =	vmov s6;
	s6 =	smov.u32 s20;
	s20 =	smov.u32 s14;
	v15 =	vmov s1;
	s1 =	spop (v2sf)  }
0x11d: {  	s12 =	sadd.s32 $0x10, s12;
	vm0 =	veq.s32 v14, v0;
	s14 =	smov.u32 s5;
	vm1 =	veq.s32 v15, v0;
	v10 =	vxor.u32 $0x80000000, v13;
	s1 =	sxor.u32 $0x80000000, s1  }
0x11e: {  	s21 =	smov.u32 s24;
	s24 =	smov.u32 s23  }
.LBB2_26:
0x11f: {  	v13 =	vld [tilespmem:s12+$0x0];
	_ =	sdelay $0x2  }
0x120: {  	(xrf0) =	vmin.scan.msk.u32 @p0 $0xffff, v10;
	_ =	sdelay $0x1  }
0x121: {  	v13 =	vxor.u32 $0x80000000, v13  }
0x122: {  	v10, _, _ =	vpop @p1 (xrf0);
	(xrf0) =	vmin.scan.msk.u32 $0xffff, v13  }
0x123: {  	(v2sf) =	vpush @p1 v10, $0xF;
	_ =	sdelay $0x1  }
0x124: {  	v10, _, _ =	vpop @p0 (xrf0)  }
0x125: {  	(v2sf) =	vpush @p0 v10, $0xF;
	_ =	sdelay $0x1  }
0x126: {  	v10, _, _ =	vpop (xrf0)  }
0x127: {  	s5 =	sadd.s32 @p3 $0xFFFFFFF0, s6;
	(v2sf) =	vpush v10, $0xF  }
0x128: {  	v11 =	vsel @p4 vm0, s1, v11;
	v12 =	vsel @p4 vm1, s1, v12;
	s1 =	smov.u32 @p0 s21;
	s12 =	smov.u32 s10;
	v13 =	vmov @p3 s5;
	s5 =	smov.u32 @p2 s20  }
0x129: {  	s23 =	sadd.s32 $0xFFFFFFF0, s24;
	v62 =	vmov s24;
	vm1 =	veq.s32 @p3 v13, v0;
	s12 =	smov.u32 @p2 s5;
	v10 =	vmov @p3 s6;
	s6 =	spop @p3 (v2sf)  }
0x12a: {  	s11 =	smov.u32 @p1 s14;
	v63 =	vmov s23;
	vm1 =	vmmov @p3 vm1;
	s5 =	sadd.s32 @p2 $0xFFFFFFF0, s12;
	s6 =	sxor.u32 @p3 $0x80000000, s6;
	vm0 =	veq.s32 @p3 v10, v0  }
0x12b: {  	s13 =	smov.u32 @p0 s1;
	s1 =	smov.u32 @p1 s11;
	v13 =	vmov @p2 s5;
	v10 =	vpsel p4, v11, v9;
	vm0 =	vmmov @p3 vm0;
	s6 =	smov.u32 @p3 s6  }
0x12c: {  	s11 =	smov.u32 s10;
	s1 =	smov.u32 @p1 s1;
	s5 =	smov.u32 @p0 s13;
	v11 =	vpsel p4, v12, v9;
	v12 =	vmov @p2 s12;
	v10 =	vsel @p3 vm0, s6, v10  }
0x12d: {  	s11 =	smov.u32 @p0 s5;
	s5 =	sadd.s32 @p1 $0xFFFFFFF0, s1;
	s12 =	spop @p2 (v2sf);
	v11 =	vsel @p3 vm1, s6, v11;
	vm0 =	veq.s32 @p2 v12, v0;
	vm1 =	veq.s32 @p2 v13, v0  }
0x12e: {  	s6 =	sxor.u32 @p2 $0x80000000, s12;
	v12 =	vmov @p1 s1;
	v13 =	vmov @p1 s5;
	vm0 =	vmmov @p2 vm0  }
0x12f: {  	s5 =	smov.u32 @p0 s11;
	v10 =	vpsel p3, v10, v9;
	s6 =	smov.u32 @p2 s6;
	vm1 =	vmmov @p2 vm1;
	v11 =	vpsel p3, v11, v9  }
0x130: {  	s1 =	spop @p1 (v2sf);
	s5 =	smov.u32 @p0 s5;
	v10 =	vsel @p2 vm0, s6, v10;
	vm0 =	veq.s32 @p1 v12, v0;
	v11 =	vsel @p2 vm1, s6, v11  }
0x131: {  	s1 =	sxor.u32 @p1 $0x80000000, s1;
	vm1 =	veq.s32 @p1 v13, v0;
	v12 =	vmov @p0 s5;
	vm0 =	vmmov @p1 vm0  }
0x132: {  	s1 =	smov.u32 @p1 s1;
	s6 =	sadd.s32 @p0 $0xFFFFFFF0, s5;
	v10 =	vpsel p2, v10, v9;
	vm1 =	vmmov @p1 vm1;
	v11 =	vpsel p2, v11, v9  }
0x133: {  	v13 =	vmov @p0 s6;
	v10 =	vsel @p1 vm0, s1, v10;
	vm0 =	veq.s32 @p0 v12, v0;
	s5 =	spop @p0 (v2sf)  }
.Ltmp14:
0x134: {  	v11 =	vsel @p1 vm1, s1, v11;
	vm1 =	veq.s32 @p0 v13, v0;
	vm0 =	vmmov @p0 vm0;
	s1 =	sxor.u32 @p0 $0x80000000, s5;
	(pc) =	sbr.rel .LBB2_27-.Ltmp14, $4  }
0x135: {  	v10 =	vpsel p1, v10, v9;
	vm1 =	vmmov @p0 vm1;
	v11 =	vpsel p1, v11, v9;
	s1 =	smov.u32 @p0 s1  }
0x136: {  	vm14 =	veq.s32 v62, v0;
	v10 =	vsel @p0 vm0, s1, v10;
	v11 =	vsel @p0 vm1, s1, v11;
	s24 =	spop (v2sf)  }
0x137: {  	vm15 =	veq.s32 v63, v0;
	v10 =	vpsel p0, v10, v9;
	v9 =	vpsel p0, v11, v9;
	s1 =	sxor.u32 $0x80000000, s24  }
0x138: {  	s24 =	simm.s32 $0x6000;
	v10 =	vsel vm14, s1, v10;
	v9 =	vsel vm15, s1, v9  }
.LBB2_11:
0x139: {  	v10 =	vimm.s32 $0x7FFFFFFF  }
.LBB2_27:
0x13a: {  	s23 =	sor.u32 $0x1, s8;
	vm0 =	vlt.s32 v10, v9;
	s11 =	simm.s32 $0x1  }
.LBB2_28:
0x13b: {  	p0 =	sne.s32 s11, $0x3F;
	v11 =	vsel vm0, v10, v9  }
0x13c: {  	v11 =	vxor.u32 $0x80000000, v11  }
0x13d: {  	(xrf0) =	vmin.scan.msk.u32 $0xffff, v11;
	_ =	sdelay $0x5  }
0x13e: {  	v11, _, _ =	vpop (xrf0)  }
0x13f: {  	(v2sf) =	vpush v11, $0xF;
	_ =	sdelay $0xe  }
0x140: {  	s1 =	spop (v2sf)  }
0x141: {  	s1 =	sxor.u32 $0x80000000, s1  }
0x142: {  	vm0 =	veq.s32 v10, s1;
	vm1 =	veq.s32 v9, s1  }
0x143: {  	v11 =	vmctz.xlane vm1;
	v12 =	vmpcnt.ones.xlane vm0  }
0x144: {  	v13 =	vmctz.xlane vm0  }
0x145: {  	vm0 =	vgt.s32 v12, $0x0;
	v11 =	vadd.s32 $0x10, v11  }
0x146: {  	v11 =	vsel vm0, v13, v11  }
0x147: {  	v12 =	vxor.u32 $0x80000000, v11;
	vm0 =	veq.s32 v11, v0;
	vm1 =	veq.s32 v11, v5  }
0x148: {  	(xrf0) =	vmin.scan.msk.u32 $0xffff, v12;
	_ =	sdelay $0x5  }
0x149: {  	v11, _, _ =	vpop (xrf0)  }
0x14a: {  	(v2sf) =	vpush v11, $0xF;
	_ =	sdelay $0xe  }
0x14b: {  	s5 =	spop (v2sf)  }
0x14c: {  	s5 =	sshll.u32 s5, $0x4  }
0x14d: {  	v11 =	vld [tilespmem:s5+$0xA980]  }
0x14e: {  	v12 =	vld [tilespmem:s5+$0xAC00];
	_ =	sdelay $0x3  }
0x14f: {  	vm2 =	veq.s32 v11, s1  }
0x150: {  	v13 =	vmctz.xlane vm2;
	_ =	sdelay $0x1  }
0x151: {  	vm2 =	veq.s32 v13, v0  }
0x152: {  	v13 =	vmov s10;
	s10 =	smov.u32 s11;
	v11 =	vsel vm2, $0x7FFFFFFF, v11  }
0x153: {  	[tilespmem:s5+$0xA980] =	vst v11;
	v11 =	vxor.u32 $0x80000000, v11  }
0x154: {  	(xrf0) =	vmin.scan.msk.u32 $0xffff, v11;
	_ =	sdelay $0x2  }
0x155: {  	[tilespmem:v13+s29+$0x0] =	vst.idx.msk vm2, v12;
	_ =	sdelay $0x2  }
0x156: {  	v11, _, _ =	vpop (xrf0)  }
0x157: {  	(v2sf) =	vpush v11, $0xF;
	_ =	sdelay $0xd  }
.Ltmp15:
0x158: {  	(pc) =	sbr.rel @p0 .LBB2_28-.Ltmp15, $4  }
0x159: {  	s1 =	spop (v2sf)  }
0x15a: {  	s1 =	sxor.u32 $0x80000000, s1  }
0x15b: {  	v10 =	vsel vm0, s1, v10;
	v9 =	vsel vm1, s1, v9  }
0x15c: {  	s11 =	sadd.s32 $0x1, s11;
	vm0 =	vlt.s32 v10, v9  }
0x15d: {  	v11 =	vsel vm0, v10, v9  }
0x15e: {  	v11 =	vxor.u32 $0x80000000, v11  }
0x15f: {  	(xrf0) =	vmin.scan.msk.u32 $0xffff, v11;
	_ =	sdelay $0x5  }
0x160: {  	v11, _, _ =	vpop (xrf0)  }
0x161: {  	(v2sf) =	vpush v11, $0xF;
	_ =	sdelay $0xe  }
0x162: {  	s1 =	spop (v2sf)  }
0x163: {  	s1 =	sxor.u32 $0x80000000, s1  }
0x164: {  	vm13 =	veq.s32 v10, s1;
	vm1 =	veq.s32 v9, s1  }
0x165: {  	v9 =	vmctz.xlane vm1;
	v10 =	vmpcnt.ones.xlane vm13  }
0x166: {  	v11 =	vmctz.xlane vm13  }
0x167: {  	vm14 =	vgt.s32 v10, $0x0;
	v9 =	vadd.s32 $0x10, v9  }
0x168: {  	v9 =	vsel vm14, v11, v9  }
0x169: {  	v9 =	vxor.u32 $0x80000000, v9  }
0x16a: {  	(xrf0) =	vmin.scan.msk.u32 $0xffff, v9;
	_ =	sdelay $0x5  }
0x16b: {  	v9, _, _ =	vpop (xrf0)  }
0x16c: {  	(v2sf) =	vpush v9, $0xF;
	_ =	sdelay $0xe  }
0x16d: {  	s5 =	spop (v2sf)  }
0x16e: {  	s5 =	sshll.u32 s5, $0x4  }
0x16f: {  	v9 =	vld [tilespmem:s5+$0xA980];
	_ =	sdelay $0x4  }
0x170: {  	vm15 =	veq.s32 v9, s1  }
0x171: {  	v10 =	vmctz.xlane vm15;
	_ =	sdelay $0x1  }
0x172: {  	vm0 =	veq.s32 v10, v0  }
0x173: {  	v11 =	vmov s10;
	v10 =	vld [tilespmem:s5+$0xAC00];
	_ =	sdelay $0x2  }
0x174: {  	v12 =	vsel vm0, $0x7FFFFFFF, v9  }
0x175: {  	[tilespmem:s5+$0xA980] =	vst v12  }
0x176: {  	v9 =	vmov s8;
	[tilespmem:v11+s29+$0x0] =	vst.idx.msk vm0, v10  }
0x177: {  	v9 =	vand.u32 $0xFFFFFFFE, v9;
	v10 =	vld [tilespmem:$0xAE80]  }
0x178: {  	v9 =	vbroadcast v9, $0x0;
	_ =	sdelay $0x5  }
0x179: {  	v16 =	vld.idx.msk [tilespmem:v9+s24+$0x0], $0xffff  }
0x17a: {  	v11 =	vld.idx.msk [tilespmem:v10+s2+$0x0], $0xffff;
	_ =	sdelay $0x4  }
0x17b: {  	s14 =	simm.s32 $0x6080;
	v11 =	vsub.f32 v11, v16  }
0x17c: {  	s20 =	simm.s32 $0x6100;
	v17 =	vld.idx.msk [tilespmem:v9+s14+$0x0], $0xffff  }
0x17d: {  	v18 =	vld.idx.msk [tilespmem:v9+s20+$0x0], $0xffff;
	[tilespmem:v2+s30+$0x0] =	vst.idx.msk $0xffff, v11  }
0x17e: {  	v9 =	vld.idx.msk [tilespmem:v10+s18+$0x0], $0xffff;
	_ =	sdelay $0x4  }
0x17f: {  	v9 =	vsub.f32 v9, v17;
	_ =	sdelay $0x1  }
0x180: {  	[tilespmem:v6+s30+$0x0] =	vst.idx.msk $0xffff, v9  }
0x181: {  	v9 =	vld.idx.msk [tilespmem:v10+s19+$0x0], $0xffff;
	_ =	sdelay $0x4  }
0x182: {  	v9 =	vsub.f32 v9, v18;
	_ =	sdelay $0x1  }
0x183: {  	[tilespmem:v7+s30+$0x0] =	vst.idx.msk $0xffff, v9  }
0x184: {  	v10 =	vld [tilespmem:$0xAE90];
	_ =	sdelay $0x7  }
0x185: {  	v9 =	vld.idx.msk [tilespmem:v10+s2+$0x0], $0xffff;
	_ =	sdelay $0x4  }
0x186: {  	v9 =	vsub.f32 v9, v16;
	_ =	sdelay $0x1  }
0x187: {  	[tilespmem:v8+s30+$0x0] =	vst.idx.msk $0xffff, v9  }
0x188: {  	v11 =	vld.idx.msk [tilespmem:v10+s18+$0x0], $0xffff;
	_ =	sdelay $0x1  }
0x189: {  	v9 =	vadd.s32 $0x31, v2;
	_ =	sdelay $0x2  }
0x18a: {  	v11 =	vsub.f32 v11, v17;
	_ =	sdelay $0x1  }
0x18b: {  	[tilespmem:v9+s30+$0x0] =	vst.idx.msk $0xffff, v11  }
0x18c: {  	v11 =	vld.idx.msk [tilespmem:v10+s19+$0x0], $0xffff;
	_ =	sdelay $0x1  }
0x18d: {  	v10 =	vadd.s32 $0x32, v2;
	_ =	sdelay $0x2  }
0x18e: {  	v11 =	vsub.f32 v11, v18;
	_ =	sdelay $0x1  }
0x18f: {  	[tilespmem:v10+s30+$0x0] =	vst.idx.msk $0xffff, v11  }
0x190: {  	v14 =	vld [tilespmem:$0xAEA0];
	_ =	sdelay $0x7  }
0x191: {  	v13 =	vld.idx.msk [tilespmem:v14+s2+$0x0], $0xffff;
	_ =	sdelay $0x1  }
0x192: {  	v11 =	vadd.s32 $0x60, v2;
	_ =	sdelay $0x2  }
0x193: {  	v13 =	vsub.f32 v13, v16;
	_ =	sdelay $0x1  }
0x194: {  	[tilespmem:v11+s30+$0x0] =	vst.idx.msk $0xffff, v13  }
0x195: {  	v15 =	vld.idx.msk [tilespmem:v14+s18+$0x0], $0xffff;
	_ =	sdelay $0x1  }
0x196: {  	v13 =	vadd.s32 $0x61, v2;
	_ =	sdelay $0x2  }
0x197: {  	v15 =	vsub.f32 v15, v17;
	_ =	sdelay $0x1  }
0x198: {  	[tilespmem:v13+s30+$0x0] =	vst.idx.msk $0xffff, v15  }
0x199: {  	v14 =	vld.idx.msk [tilespmem:v14+s19+$0x0], $0xffff;
	_ =	sdelay $0x1  }
0x19a: {  	v15 =	vadd.s32 $0x62, v2;
	_ =	sdelay $0x2  }
0x19b: {  	v14 =	vsub.f32 v14, v18;
	_ =	sdelay $0x1  }
0x19c: {  	[tilespmem:v15+s30+$0x0] =	vst.idx.msk $0xffff, v14  }
0x19d: {  	v19 =	vld [tilespmem:$0xAEB0];
	_ =	sdelay $0x7  }
0x19e: {  	v12 =	vxor.u32 $0x80000000, v12;
	v20 =	vld.idx.msk [tilespmem:v19+s2+$0x0], $0xffff  }
0x19f: {  	(xrf0) =	vmin.scan.msk.u32 $0xffff, v12  }
0x1a0: {  	v14 =	vadd.s32 $0x90, v2;
	_ =	sdelay $0x2  }
0x1a1: {  	v12 =	vsub.f32 v20, v16;
	_ =	sdelay $0x1  }
0x1a2: {  	v16, _, _ =	vpop (xrf0);
	[tilespmem:v14+s30+$0x0] =	vst.idx.msk $0xffff, v12  }
0x1a3: {  	(v2sf) =	vpush v16, $0xF;
	v12 =	vld.idx.msk [tilespmem:v19+s18+$0x0], $0xffff;
	_ =	sdelay $0x1  }
0x1a4: {  	v16 =	vadd.s32 $0x91, v2;
	_ =	sdelay $0x2  }
0x1a5: {  	v12 =	vsub.f32 v12, v17;
	_ =	sdelay $0x1  }
0x1a6: {  	[tilespmem:v16+s30+$0x0] =	vst.idx.msk $0xffff, v12  }
0x1a7: {  	v17 =	vld.idx.msk [tilespmem:v19+s19+$0x0], $0xffff;
	_ =	sdelay $0x1  }
0x1a8: {  	v12 =	vadd.s32 $0x92, v2  }
0x1a9: {  	s21 =	sshll.u32 s7, $0x8  }
0x1aa: {  	s8 =	sand.u32 $0xFFFFF800, s21  }
0x1ab: {  	s1 =	sor.u32 s9, s8;
	v17 =	vsub.f32 v17, v18  }
0x1ac: {  	s1 =	sshrl.u32 s1, $0x3  }
0x1ad: {  	p0 =	seq.s32 s0, $0x1F;
	s1 =	sadd.s32 s4, s1;
	s22 =	spop (v2sf);
	[tilespmem:v12+s30+$0x0] =	vst.idx.msk $0xffff, v17  }
0x1ae: {  	[hbm4b:s1+s15] =	stream.strided.scatter [tilespmem:s30], [sflag:$0x3], $0x100, s16, s15, $0x38;
	[tilespmem:$0xB000] =	vst v63  }
0x1af: {  	s1 =	sadd.s32 @!p0 $0x2, s7;
	_ =	swait.ge [sflag:s17], $0x100  }
0x1b0: {  	s5 =	sshll.u32 @!p0 s1, $0xD;
	s1 =	sshll.u32 @!p0 s1, $0x7;
	[sflag:s17] =	ssyncset.done $0x0  }
0x1b1: {  	s5 =	sand.u32 @!p0 $0xFFFF0000, s5;
	s1 =	sand.u32 @!p0 $0x300, s1;
	[sflag:s17] =	ssyncadd.s32 $0xFFFFFF00  }
0x1b2: {  	s6 =	simm.s32 @!p0 $0x400;
	s1 =	sor.u32 @!p0 s1, s5;
	_ =	swait.ge [sflag:s31], $0x2000  }
0x1b3: {  	s7 =	simm.s32 @!p0 $0x6180;
	s1 =	sshrl.u32 @!p0 s1, $0x3;
	[sflag:s31] =	ssyncset.done $0x0  }
0x1b4: {  	s5 =	simm.s32 @!p0 $0x80;
	s1 =	sadd.s32 @!p0 s3, s1;
	[sflag:s31] =	ssyncadd.s32 $0xFFFFE000  }
0x1b5: {  	[tilespmem:s7], [sflag:$0x1] =	stream.strided.gather @!p0 [hbm4b:s1+s5], $0x2000, s6, s5, $0x38;
	[tilespmem:$0xB000] =	vst v63  }
0x1b6: {  	s7 =	simm.s32 $0xA1C0  }
0x1b7: {  	[tilespmem:s7+$0xFFFFFFC0] =	vst v1  }
0x1b8: {  	[tilespmem:s7+$0x30] =	vst v1  }
0x1b9: {  	[tilespmem:s7+$0x20] =	vst v1  }
0x1ba: {  	[tilespmem:s7+$0x10] =	vst v1  }
0x1bb: {  	[tilespmem:s7+$0x0] =	vst v1  }
0x1bc: {  	[tilespmem:s7+$0xFFFFFFF0] =	vst v1  }
0x1bd: {  	s9 =	simm.s32 $0x0;
	s1 =	simm.s32 $0xFFFFFFF8;
	[tilespmem:s7+$0xFFFFFFE0] =	vst v1  }
.LBB2_30:
0x1be: {  	s9 =	sadd.s32 $0x8, s9;
	[tilespmem:s7+$0xFFFFFFD0] =	vst v1;
	s7 =	sadd.s32 $0x80, s7;
	s6 =	simm.s32 $0x81C0  }
0x1bf: {  	[tilespmem:s7+$0xFFFFFFC0] =	vst v1;
	p0 =	slt.u32 s9, $0x78  }
0x1c0: {  	[tilespmem:s7+$0x30] =	vst v1  }
.Ltmp16:
0x1c1: {  	[tilespmem:s7+$0x20] =	vst v1;
	(pc) =	sbr.rel @p0 .LBB2_30-.Ltmp16, $4  }
0x1c2: {  	[tilespmem:s7+$0x10] =	vst v1  }
0x1c3: {  	[tilespmem:s7+$0x0] =	vst v1  }
0x1c4: {  	[tilespmem:s7+$0xFFFFFFF0] =	vst v1  }
0x1c5: {  	[tilespmem:s7+$0xFFFFFFE0] =	vst v1  }
0x1c6: {  	[tilespmem:s7+$0xFFFFFFD0] =	vst v1;
	v17 =	vimm.s32 $0x7FFFFFFF  }
.LBB2_32:
0x1c7: {  	v18 =	vld [tilespmem:s6+$0xFFFFFFC0];
	_ =	sdelay $0x4  }
0x1c8: {  	v19 =	vshra.s32 v18, $0x15  }
0x1c9: {  	v19 =	vadd.s32 $0x400, v19;
	_ =	sdelay $0x4  }
0x1ca: {  	[tilespmem:v19+s25+$0x0] =	vst.idx.add.s32.msk $0xffff, v3  }
0x1cb: {  	v19 =	vld [tilespmem:s6+$0xFFFFFFD0];
	_ =	sdelay $0x4  }
0x1cc: {  	v20 =	vshra.s32 v19, $0x15  }
0x1cd: {  	v20 =	vadd.s32 $0x400, v20;
	_ =	sdelay $0x4  }
0x1ce: {  	[tilespmem:v20+s25+$0x0] =	vst.idx.add.s32.msk $0xffff, v3  }
0x1cf: {  	v20 =	vld [tilespmem:s6+$0xFFFFFFE0];
	_ =	sdelay $0x4  }
0x1d0: {  	v21 =	vshra.s32 v20, $0x15  }
0x1d1: {  	v21 =	vadd.s32 $0x400, v21;
	_ =	sdelay $0x4  }
0x1d2: {  	[tilespmem:v21+s25+$0x0] =	vst.idx.add.s32.msk $0xffff, v3  }
0x1d3: {  	v21 =	vld [tilespmem:s6+$0xFFFFFFF0];
	_ =	sdelay $0x4  }
0x1d4: {  	v22 =	vshra.s32 v21, $0x15  }
0x1d5: {  	v22 =	vadd.s32 $0x400, v22;
	_ =	sdelay $0x4  }
0x1d6: {  	[tilespmem:v22+s25+$0x0] =	vst.idx.add.s32.msk $0xffff, v3  }
0x1d7: {  	v22 =	vld [tilespmem:s6+$0x0];
	_ =	sdelay $0x4  }
0x1d8: {  	v23 =	vshra.s32 v22, $0x15  }
0x1d9: {  	v23 =	vadd.s32 $0x400, v23;
	_ =	sdelay $0x4  }
0x1da: {  	[tilespmem:v23+s25+$0x0] =	vst.idx.add.s32.msk $0xffff, v3  }
0x1db: {  	v23 =	vld [tilespmem:s6+$0x10];
	_ =	sdelay $0x4  }
0x1dc: {  	v24 =	vshra.s32 v23, $0x15  }
0x1dd: {  	v24 =	vadd.s32 $0x400, v24;
	_ =	sdelay $0x4  }
0x1de: {  	[tilespmem:v24+s25+$0x0] =	vst.idx.add.s32.msk $0xffff, v3  }
0x1df: {  	v24 =	vld [tilespmem:s6+$0x20];
	_ =	sdelay $0x4  }
0x1e0: {  	v25 =	vshra.s32 v24, $0x15  }
0x1e1: {  	v25 =	vadd.s32 $0x400, v25;
	_ =	sdelay $0x1  }
0x1e2: {  	vm0 =	vlt.s32 v17, v18  }
0x1e3: {  	v17 =	vsel vm0, v17, v18  }
0x1e4: {  	vm0 =	vlt.s32 v17, v19  }
0x1e5: {  	v17 =	vsel vm0, v17, v19;
	[tilespmem:v25+s25+$0x0] =	vst.idx.add.s32.msk $0xffff, v3  }
0x1e6: {  	vm0 =	vlt.s32 v17, v20;
	v18 =	vld [tilespmem:s6+$0x30]  }
0x1e7: {  	v17 =	vsel vm0, v17, v20  }
0x1e8: {  	vm0 =	vlt.s32 v17, v21  }
0x1e9: {  	v17 =	vsel vm0, v17, v21  }
0x1ea: {  	vm0 =	vlt.s32 v17, v22  }
0x1eb: {  	s1 =	sadd.s32 $0x8, s1;
	v17 =	vsel vm0, v17, v22;
	v19 =	vshra.s32 v18, $0x15  }
0x1ec: {  	p0 =	slt.u32 s1, $0x1F8;
	vm0 =	vlt.s32 v17, v23;
	v19 =	vadd.s32 $0x400, v19  }
.Ltmp17:
0x1ed: {  	v17 =	vsel vm0, v17, v23;
	(pc) =	sbr.rel @p0 .LBB2_32-.Ltmp17, $4  }
0x1ee: {  	vm0 =	vlt.s32 v17, v24  }
0x1ef: {  	v17 =	vsel vm0, v17, v24  }
0x1f0: {  	vm0 =	vlt.s32 v17, v18  }
0x1f1: {  	s6 =	sadd.s32 $0x80, s6;
	v17 =	vsel vm0, v17, v18;
	[tilespmem:v19+s25+$0x0] =	vst.idx.add.s32.msk $0xffff, v3  }
0x1f2: {  	v17 =	vxor.u32 $0x80000000, v17  }
0x1f3: {  	(xrf0) =	vmin.scan.msk.u32 $0xffff, v17;
	_ =	sdelay $0x5  }
0x1f4: {  	v17, _, _ =	vpop (xrf0)  }
0x1f5: {  	(v2sf) =	vpush v17, $0xF;
	_ =	sdelay $0xe  }
0x1f6: {  	s1 =	spop (v2sf)  }
0x1f7: {  	s1 =	sshra.s32 s1, $0x19  }
0x1f8: {  	s1 =	sxor.u32 $0xFFFFFFC0, s1  }
0x1f9: {  	s6 =	simm.s32 $0x0;
	s1 =	sadd.s32 $0x40, s1  }
.LBB2_34:
0x1fa: {  	s5 =	sshll.u32 s1, $0x6  }
0x1fb: {  	s5 =	sshra.s32 s5, $0x2  }
0x1fc: {  	v17 =	vld [tilespmem:s5+$0xA180];
	_ =	sdelay $0x4  }
0x1fd: {  	(xrf0) =	vadd.scan.msk.s32 $0xffff, v17;
	_ =	sdelay $0x5  }
0x1fe: {  	v17, _, _ =	vpop (xrf0)  }
0x1ff: {  	(v2sf) =	vpush v17, $0xF;
	_ =	sdelay $0xe  }
0x200: {  	s22 =	spop (v2sf)  }
0x201: {  	s7 =	smov.u32 s6;
	s6 =	sadd.s32 s6, s22  }
0x202: {  	p1 =	slt.s32 s1, $0x7F;
	p0 =	slt.s32 s6, $0x40  }
0x203: {  	p0 =	por !p1, !p0  }
0x204: {  	p0 =	por !p0, !p0  }
.Ltmp18:
0x205: {  	_ = 	snop;
	(pc) =	sbr.rel @p0 .LBB2_34-.Ltmp18, $4  }
0x206: {  	_ = 	snop  }
0x207: {  	s5 =	simm.s32 $0x1  }
0x208: {  	s5 =	simm.s32 @!p0 $0x0  }
0x209: {  	s1 =	sadd.s32 s5, s1  }
0x20a: {  	s1 =	sshll.u32 s1, $0x4  }
0x20b: {  	v17 =	vld [tilespmem:s1+$0xA180];
	_ =	sdelay $0x4  }
0x20c: {  	(xrf0) =	vadd.scan.msk.s32 $0xffff, v17;
	_ =	sdelay $0x5  }
0x20d: {  	v17, _, _ =	vpop (xrf0)  }
0x20e: {  	v17 =	vadd.s32 s7, v17  }
0x20f: {  	vm0 =	vgt.s32 v17, $0x3F  }
0x210: {  	v17 =	vnsel vm0, $0x80000010, v4  }
0x211: {  	(xrf0) =	vmin.scan.msk.u32 $0xffff, v17;
	_ =	sdelay $0x5  }
0x212: {  	v17, _, _ =	vpop (xrf0)  }
0x213: {  	(v2sf) =	vpush v17, $0xF;
	_ =	sdelay $0xe  }
0x214: {  	s5 =	spop (v2sf)  }
0x215: {  	s5 =	sxor.u32 $0x80000000, s5  }
0x216: {  	p0 =	slt.s32 s5, $0xF  }
0x217: {  	s5 =	simm.s32 @!p0 $0xF  }
0x218: {  	s1 =	sadd.s32 s1, s5  }
0x219: {  	v18 =	vimm.s32 $0x0;
	s6 =	simm.s32 $0x0;
	s7 =	simm.s32 $0x81A0;
	v17 =	vmov s1;
	s1 =	simm.s32 $0xFFFFFFFC  }
.LBB2_36:
0x21a: {  	v19 =	vld [tilespmem:s7+$0xFFFFFFE0];
	_ =	sdelay $0x4  }
0x21b: {  	v20 =	vshra.s32 v19, $0x15  }
0x21c: {  	v20 =	vadd.s32 $0x400, v20  }
0x21d: {  	vm0 =	vle.s32 v20, v17  }
0x21e: {  	v20 =	vsel vm0, $0x1, v1  }
0x21f: {  	(xrf0) =	vadd.scan.msk.s32 $0xffff, v20;
	_ =	sdelay $0x5  }
0x220: {  	v20, _, _ =	vpop (xrf0)  }
0x221: {  	v20 =	vadd.s32 v20, v18  }
0x222: {  	v20 =	vadd.s32 $0xFFFFFFFF, v20  }
0x223: {  	vm1 =	vlt.s32 v20, $0x200  }
0x224: {  	vm1 =	vmand vm0, vm1;
	_ =	sdelay $0x5  }
0x225: {  	[tilespmem:v20+s26+$0x0] =	vst.idx.msk vm1, v19;
	v19 =	vor.u32 s6, v0  }
0x226: {  	[tilespmem:v20+s28+$0x0] =	vst.idx.msk vm1, v19  }
0x227: {  	v19 =	vld [tilespmem:s7+$0xFFFFFFF0];
	_ =	sdelay $0x4  }
0x228: {  	v20 =	vshra.s32 v19, $0x15  }
0x229: {  	v20 =	vadd.s32 $0x400, v20  }
0x22a: {  	vm10 =	vle.s32 v20, v17  }
0x22b: {  	v20 =	vsel vm10, $0x1, v1  }
0x22c: {  	(xrf0) =	vadd.scan.msk.s32 $0xffff, v20;
	_ =	sdelay $0x1  }
0x22d: {  	v20 =	vmpcnt.ones.xlane vm0;
	_ =	sdelay $0x3  }
0x22e: {  	v18 =	vadd.s32 v18, v20;
	v20, _, _ =	vpop (xrf0)  }
0x22f: {  	v20 =	vadd.s32 v20, v18  }
0x230: {  	v20 =	vadd.s32 $0xFFFFFFFF, v20  }
0x231: {  	vm11 =	vlt.s32 v20, $0x200  }
0x232: {  	vm0 =	vmand vm10, vm11;
	_ =	sdelay $0x4  }
0x233: {  	s5 =	sadd.s32 $0x10, s6  }
0x234: {  	[tilespmem:v20+s26+$0x0] =	vst.idx.msk vm0, v19;
	v19 =	vor.u32 s5, v0  }
0x235: {  	[tilespmem:v20+s28+$0x0] =	vst.idx.msk vm0, v19  }
0x236: {  	v19 =	vld [tilespmem:s7+$0x0];
	_ =	sdelay $0x4  }
0x237: {  	v20 =	vshra.s32 v19, $0x15  }
0x238: {  	v20 =	vadd.s32 $0x400, v20  }
0x239: {  	vm12 =	vle.s32 v20, v17  }
0x23a: {  	v20 =	vsel vm12, $0x1, v1  }
0x23b: {  	(xrf0) =	vadd.scan.msk.s32 $0xffff, v20;
	_ =	sdelay $0x1  }
0x23c: {  	v20 =	vmpcnt.ones.xlane vm10;
	_ =	sdelay $0x3  }
0x23d: {  	v18 =	vadd.s32 v18, v20;
	v20, _, _ =	vpop (xrf0)  }
0x23e: {  	v20 =	vadd.s32 v20, v18  }
0x23f: {  	v20 =	vadd.s32 $0xFFFFFFFF, v20  }
0x240: {  	vm13 =	vlt.s32 v20, $0x200  }
0x241: {  	vm1 =	vmand vm12, vm13;
	_ =	sdelay $0x4  }
0x242: {  	s21 =	sadd.s32 $0x20, s6  }
0x243: {  	[tilespmem:v20+s26+$0x0] =	vst.idx.msk vm1, v19;
	v19 =	vor.u32 s21, v0  }
0x244: {  	[tilespmem:v20+s28+$0x0] =	vst.idx.msk vm1, v19  }
0x245: {  	v19 =	vld [tilespmem:s7+$0x10];
	_ =	sdelay $0x4  }
0x246: {  	v20 =	vshra.s32 v19, $0x15  }
0x247: {  	v20 =	vadd.s32 $0x400, v20  }
0x248: {  	vm14 =	vle.s32 v20, v17  }
0x249: {  	v20 =	vsel vm14, $0x1, v1  }
0x24a: {  	(xrf0) =	vadd.scan.msk.s32 $0xffff, v20;
	_ =	sdelay $0x1  }
0x24b: {  	v20 =	vmpcnt.ones.xlane vm12;
	_ =	sdelay $0x3  }
0x24c: {  	v18 =	vadd.s32 v18, v20;
	v20, _, _ =	vpop (xrf0)  }
0x24d: {  	v20 =	vadd.s32 v20, v18  }
0x24e: {  	v20 =	vadd.s32 $0xFFFFFFFF, v20  }
0x24f: {  	vm15 =	vlt.s32 v20, $0x200  }
0x250: {  	vm0 =	vmand vm14, vm15  }
0x251: {  	s1 =	sadd.s32 $0x4, s1  }
0x252: {  	p0 =	slt.u32 s1, $0x1FC  }
.Ltmp19:
0x253: {  	_ = 	snop;
	(pc) =	sbr.rel @p0 .LBB2_36-.Ltmp19, $4  }
0x254: {  	_ = 	snop  }
0x255: {  	s22 =	sadd.s32 $0x30, s6;
	v21 =	vmpcnt.ones.xlane vm14  }
0x256: {  	[tilespmem:v20+s26+$0x0] =	vst.idx.msk vm0, v19;
	v19 =	vor.u32 s22, v0  }
0x257: {  	s6 =	sadd.s32 $0x40, s6;
	s7 =	sadd.s32 $0x40, s7;
	v18 =	vadd.s32 v18, v21;
	[tilespmem:v20+s28+$0x0] =	vst.idx.msk vm0, v19  }
0x258: {  	v17 =	vxor.u32 $0x80000000, v18  }
0x259: {  	(xrf0) =	vmin.scan.msk.u32 $0xffff, v17;
	_ =	sdelay $0x5  }
0x25a: {  	v17, _, _ =	vpop (xrf0)  }
0x25b: {  	(v2sf) =	vpush v17, $0xF;
	_ =	sdelay $0xe  }
0x25c: {  	s1 =	spop (v2sf)  }
0x25d: {  	s1 =	sxor.u32 $0x80000000, s1  }
0x25e: {  	p0 =	slt.s32 s1, $0x200  }
0x25f: {  	s1 =	simm.s32 @!p0 $0x200  }
0x260: {  	v18 =	vadd.s32 s1, v0;
	s1 =	sadd.s32 $0xF, s1  }
0x261: {  	s14 =	sshra.s32 s1, $0x4  }
0x262: {  	p0 =	slt.s32 s14, $0x1  }
.Ltmp20:
0x263: {  	_ = 	snop;
	(pc) =	sbr.rel @p0 .LBB2_38-.Ltmp20, $3  }
0x264: {  	_ =	sdelay $0x1  }
0x265: {  	s11 =	simm.s32 $0xA980;
	v17 =	vimm.s32 $0x7FFFFFFF  }
0x266: {  	s7 =	simm.s32 $0x0;
	[tilespmem:v18+s11+$0x0] =	vst.idx.msk $0xffff, v17  }
0x267: {  	p5 =	sne.s32 s14, $0x1  }
.Ltmp21:
0x268: {  	_ = 	snop;
	(pc) =	sbr.rel @!p5 .LBB2_40-.Ltmp21, $3  }
0x269: {  	_ =	sdelay $0x1  }
0x26a: {  	s10 =	simm.s32 $0x1;
	p0 =	por $0x0, $0x0;
	p1 =	por $0x0, $0x0  }
0x26b: {  	p2 =	por $0x0, $0x0;
	p3 =	por $0x0, $0x0;
	p4 =	por $0x0, $0x0  }
0x26c: {  	v18 =	vld [tilespmem:s11+$0x0];
	p5 =	sne.s32 s14, $0x2  }
.Ltmp22:
0x26d: {  	_ = 	snop;
	(pc) =	sbr.rel @!p5 .LBB2_42-.Ltmp22, $2  }
0x26e: {  	_ =	sdelay $0x2  }
0x26f: {  	s12 =	simm.s32 $0x2;
	s11 =	simm.s32 $0xA990;
	p0 =	por $0x1, $0x1;
	v18 =	vxor.u32 $0x80000000, v18  }
0x270: {  	v19 =	vld [tilespmem:s11+$0x0];
	p5 =	sne.s32 s14, $0x3  }
.Ltmp23:
0x271: {  	_ = 	snop;
	(pc) =	sbr.rel @!p5 .LBB2_44-.Ltmp23, $2  }
0x272: {  	_ =	sdelay $0x2  }
0x273: {  	(xrf0) =	vmin.scan.msk.u32 $0xffff, v18;
	s13 =	simm.s32 $0x3;
	s11 =	simm.s32 $0xA9A0;
	p1 =	por $0x1, $0x1;
	v18 =	vxor.u32 $0x80000000, v19  }
0x274: {  	_ = 	snop  }
0x275: {  	v19 =	vld [tilespmem:s11+$0x0];
	p5 =	sne.s32 s14, $0x4  }
.Ltmp24:
0x276: {  	_ = 	snop;
	(pc) =	sbr.rel @!p5 .LBB2_46-.Ltmp24, $3  }
0x277: {  	_ =	sdelay $0x1  }
0x278: {  	(xrf0) =	vmin.scan.msk.u32 $0xffff, v18;
	v18, _, _ =	vpop (xrf0)  }
0x279: {  	s9 =	simm.s32 $0x4;
	s11 =	simm.s32 $0xA9B0;
	p2 =	por $0x1, $0x1;
	(v2sf) =	vpush v18, $0xF;
	v18 =	vxor.u32 $0x80000000, v19  }
0x27a: {  	_ =	sdelay $0x3  }
0x27b: {  	(xrf0) =	vmin.scan.msk.u32 $0xffff, v18;
	v18, _, _ =	vpop (xrf0)  }
0x27c: {  	(v2sf) =	vpush v18, $0xF;
	_ =	sdelay $0x2  }
0x27d: {  	v19 =	vld [tilespmem:s11+$0x0];
	p5 =	sne.s32 s14, $0x5  }
.Ltmp25:
0x27e: {  	_ = 	snop;
	(pc) =	sbr.rel @!p5 .LBB2_48-.Ltmp25, $2  }
0x27f: {  	_ =	sdelay $0x2  }
0x280: {  	s21 =	simm.s32 $0x5;
	s11 =	simm.s32 $0xA9C0;
	p3 =	por $0x1, $0x1;
	v18 =	vxor.u32 $0x80000000, v19  }
0x281: {  	v20, _, _ =	vpop (xrf0)  }
0x282: {  	(v2sf) =	vpush v20, $0xF;
	_ =	sdelay $0x1  }
0x283: {  	v19 =	vld [tilespmem:s11+$0x0];
	p5 =	sne.s32 s14, $0x6  }
.Ltmp26:
0x284: {  	_ = 	snop;
	(pc) =	sbr.rel @!p5 .LBB2_50-.Ltmp26, $4  }
0x285: {  	(xrf0) =	vmin.scan.msk.u32 $0xffff, v18;
	s1 =	simm.s32 $0xFFFFFFF0  }
0x286: {  	s22 =	simm.s32 $0x6;
	v20 =	vmov s7;
	v21 =	vmov s1  }
0x287: {  	s5 =	spop (v2sf);
	s11 =	simm.s32 $0xA9D0;
	p4 =	por $0x1, $0x1;
	vm0 =	veq.s32 v20, v0;
	vm1 =	veq.s32 v21, v0  }
0x288: {  	s6 =	simm.s32 $0x1;
	s20 =	simm.s32 $0x2;
	s1 =	sxor.u32 $0x80000000, s5;
	v20 =	vimm.s32 $0x7FFFFFFF;
	v18 =	vxor.u32 $0x80000000, v19;
	v19 =	vimm.s32 $0x7FFFFFFF  }
.LBB2_51:
0x289: {  	s5 =	smov.u32 s9  }
0x28a: {  	s9 =	smov.u32 s21;
	s21 =	smov.u32 s22;
	s22 =	sadd.s32 $0x1, s22  }
0x28b: {  	v21 =	vld [tilespmem:s11+$0x0];
	(xrf0) =	vmin.scan.msk.u32 $0xffff, v18;
	v18, _, _ =	vpop (xrf0);
	v19 =	vsel vm0, s1, v19;
	v20 =	vsel vm1, s1, v20;
	p5 =	sne.s32 s22, s14  }
.Ltmp27:
0x28c: {  	(v2sf) =	vpush v18, $0xF;
	(pc) =	sbr.rel @p5 .LBB2_51-.Ltmp27, $4  }
0x28d: {  	_ = 	snop  }
0x28e: {  	s1 =	sadd.s32 $0xFFFFFFF0, s6  }
0x28f: {  	v22 =	vmov s6;
	s6 =	smov.u32 s20;
	s20 =	smov.u32 s13;
	v23 =	vmov s1;
	s1 =	spop (v2sf)  }
0x290: {  	s11 =	sadd.s32 $0x10, s11;
	vm0 =	veq.s32 v22, v0;
	s13 =	smov.u32 s5;
	vm1 =	veq.s32 v23, v0;
	v18 =	vxor.u32 $0x80000000, v21;
	s1 =	sxor.u32 $0x80000000, s1  }
0x291: {  	s14 =	smov.u32 s9;
	s9 =	smov.u32 s21  }
.LBB2_53:
0x292: {  	v21 =	vld [tilespmem:s11+$0x0];
	_ =	sdelay $0x2  }
0x293: {  	(xrf0) =	vmin.scan.msk.u32 @p0 $0xffff, v18;
	_ =	sdelay $0x1  }
0x294: {  	v21 =	vxor.u32 $0x80000000, v21  }
0x295: {  	v18, _, _ =	vpop @p1 (xrf0);
	(xrf0) =	vmin.scan.msk.u32 $0xffff, v21  }
0x296: {  	(v2sf) =	vpush @p1 v18, $0xF;
	_ =	sdelay $0x1  }
0x297: {  	v18, _, _ =	vpop @p0 (xrf0)  }
0x298: {  	(v2sf) =	vpush @p0 v18, $0xF;
	_ =	sdelay $0x1  }
0x299: {  	v18, _, _ =	vpop (xrf0)  }
0x29a: {  	s5 =	sadd.s32 @p3 $0xFFFFFFF0, s6;
	(v2sf) =	vpush v18, $0xF  }
0x29b: {  	v19 =	vsel @p4 vm0, s1, v19;
	v20 =	vsel @p4 vm1, s1, v20;
	s11 =	smov.u32 s7;
	s21 =	sadd.s32 $0xFFFFFFF0, s9;
	v21 =	vmov @p3 s5;
	s5 =	smov.u32 @p2 s20  }
0x29c: {  	s1 =	smov.u32 @p0 s14;
	v63 =	vmov s21;
	vm1 =	veq.s32 @p3 v21, v0;
	s11 =	smov.u32 @p2 s5;
	v18 =	vmov @p3 s6;
	s6 =	spop @p3 (v2sf)  }
0x29d: {  	s10 =	smov.u32 @p1 s13;
	vm15 =	veq.s32 v63, v0;
	vm1 =	vmmov @p3 vm1;
	s5 =	sadd.s32 @p2 $0xFFFFFFF0, s11;
	s6 =	sxor.u32 @p3 $0x80000000, s6;
	vm0 =	veq.s32 @p3 v18, v0  }
0x29e: {  	s12 =	smov.u32 @p0 s1;
	s1 =	smov.u32 @p1 s10;
	v21 =	vmov @p2 s5;
	v18 =	vpsel p4, v19, v17;
	vm0 =	vmmov @p3 vm0;
	s6 =	smov.u32 @p3 s6  }
0x29f: {  	s10 =	smov.u32 s7;
	s1 =	smov.u32 @p1 s1;
	s5 =	smov.u32 @p0 s12;
	v19 =	vpsel p4, v20, v17;
	v20 =	vmov @p2 s11;
	v18 =	vsel @p3 vm0, s6, v18  }
0x2a0: {  	s10 =	smov.u32 @p0 s5;
	s5 =	sadd.s32 @p1 $0xFFFFFFF0, s1;
	s11 =	spop @p2 (v2sf);
	v19 =	vsel @p3 vm1, s6, v19;
	vm0 =	veq.s32 @p2 v20, v0;
	vm1 =	veq.s32 @p2 v21, v0  }
0x2a1: {  	s6 =	sxor.u32 @p2 $0x80000000, s11;
	v20 =	vmov @p1 s1;
	v21 =	vmov @p1 s5;
	vm0 =	vmmov @p2 vm0  }
0x2a2: {  	s5 =	smov.u32 @p0 s10;
	v18 =	vpsel p3, v18, v17;
	s6 =	smov.u32 @p2 s6;
	vm1 =	vmmov @p2 vm1;
	v19 =	vpsel p3, v19, v17  }
0x2a3: {  	s1 =	spop @p1 (v2sf);
	s5 =	smov.u32 @p0 s5;
	v18 =	vsel @p2 vm0, s6, v18;
	vm0 =	veq.s32 @p1 v20, v0;
	v19 =	vsel @p2 vm1, s6, v19  }
0x2a4: {  	s1 =	sxor.u32 @p1 $0x80000000, s1;
	vm1 =	veq.s32 @p1 v21, v0;
	v20 =	vmov @p0 s5;
	vm0 =	vmmov @p1 vm0  }
0x2a5: {  	s1 =	smov.u32 @p1 s1;
	s6 =	sadd.s32 @p0 $0xFFFFFFF0, s5;
	v18 =	vpsel p2, v18, v17;
	vm1 =	vmmov @p1 vm1;
	v19 =	vpsel p2, v19, v17  }
0x2a6: {  	v21 =	vmov @p0 s6;
	v18 =	vsel @p1 vm0, s1, v18;
	vm0 =	veq.s32 @p0 v20, v0;
	s5 =	spop @p0 (v2sf)  }
.Ltmp28:
0x2a7: {  	v19 =	vsel @p1 vm1, s1, v19;
	vm1 =	veq.s32 @p0 v21, v0;
	vm0 =	vmmov @p0 vm0;
	s1 =	sxor.u32 @p0 $0x80000000, s5;
	(pc) =	sbr.rel .LBB2_54-.Ltmp28, $4  }
0x2a8: {  	v18 =	vpsel p1, v18, v17;
	vm1 =	vmmov @p0 vm1;
	v19 =	vpsel p1, v19, v17;
	s1 =	smov.u32 @p0 s1  }
0x2a9: {  	v20 =	vmov s9;
	v18 =	vsel @p0 vm0, s1, v18;
	v19 =	vsel @p0 vm1, s1, v19;
	s22 =	spop (v2sf)  }
0x2aa: {  	vm14 =	veq.s32 v20, v0;
	v18 =	vpsel p0, v18, v17;
	v17 =	vpsel p0, v19, v17;
	s1 =	sxor.u32 $0x80000000, s22  }
0x2ab: {  	v18 =	vsel vm14, s1, v18;
	v17 =	vsel vm15, s1, v17  }
.LBB2_38:
0x2ac: {  	v18 =	vimm.s32 $0x7FFFFFFF  }
.LBB2_54:
0x2ad: {  	vm0 =	vlt.s32 v18, v17;
	s9 =	simm.s32 $0x1  }
.LBB2_55:
0x2ae: {  	p0 =	sne.s32 s9, $0x3F;
	v19 =	vsel vm0, v18, v17  }
0x2af: {  	v19 =	vxor.u32 $0x80000000, v19  }
0x2b0: {  	(xrf0) =	vmin.scan.msk.u32 $0xffff, v19;
	_ =	sdelay $0x5  }
0x2b1: {  	v19, _, _ =	vpop (xrf0)  }
0x2b2: {  	(v2sf) =	vpush v19, $0xF;
	_ =	sdelay $0xe  }
0x2b3: {  	s1 =	spop (v2sf)  }
0x2b4: {  	s1 =	sxor.u32 $0x80000000, s1  }
0x2b5: {  	vm0 =	veq.s32 v18, s1;
	vm1 =	veq.s32 v17, s1  }
0x2b6: {  	v19 =	vmctz.xlane vm1;
	v20 =	vmpcnt.ones.xlane vm0  }
0x2b7: {  	v21 =	vmctz.xlane vm0  }
0x2b8: {  	vm0 =	vgt.s32 v20, $0x0;
	v19 =	vadd.s32 $0x10, v19  }
0x2b9: {  	v19 =	vsel vm0, v21, v19  }
0x2ba: {  	v20 =	vxor.u32 $0x80000000, v19;
	vm0 =	veq.s32 v19, v0;
	vm1 =	veq.s32 v19, v5  }
0x2bb: {  	(xrf0) =	vmin.scan.msk.u32 $0xffff, v20;
	_ =	sdelay $0x5  }
0x2bc: {  	v19, _, _ =	vpop (xrf0)  }
0x2bd: {  	(v2sf) =	vpush v19, $0xF;
	_ =	sdelay $0xe  }
0x2be: {  	s5 =	spop (v2sf)  }
0x2bf: {  	s5 =	sshll.u32 s5, $0x4  }
0x2c0: {  	v19 =	vld [tilespmem:s5+$0xA980]  }
0x2c1: {  	v20 =	vld [tilespmem:s5+$0xAC00];
	_ =	sdelay $0x3  }
0x2c2: {  	vm2 =	veq.s32 v19, s1  }
0x2c3: {  	v21 =	vmctz.xlane vm2;
	_ =	sdelay $0x1  }
0x2c4: {  	vm2 =	veq.s32 v21, v0  }
0x2c5: {  	v21 =	vmov s7;
	s7 =	smov.u32 s9;
	v19 =	vsel vm2, $0x7FFFFFFF, v19  }
0x2c6: {  	[tilespmem:s5+$0xA980] =	vst v19;
	v19 =	vxor.u32 $0x80000000, v19  }
0x2c7: {  	(xrf0) =	vmin.scan.msk.u32 $0xffff, v19;
	_ =	sdelay $0x2  }
0x2c8: {  	[tilespmem:v21+s29+$0x0] =	vst.idx.msk vm2, v20;
	_ =	sdelay $0x2  }
0x2c9: {  	v19, _, _ =	vpop (xrf0)  }
0x2ca: {  	(v2sf) =	vpush v19, $0xF;
	_ =	sdelay $0xd  }
.Ltmp29:
0x2cb: {  	(pc) =	sbr.rel @p0 .LBB2_55-.Ltmp29, $4  }
0x2cc: {  	s1 =	spop (v2sf)  }
0x2cd: {  	s1 =	sxor.u32 $0x80000000, s1  }
0x2ce: {  	v18 =	vsel vm0, s1, v18;
	v17 =	vsel vm1, s1, v17  }
0x2cf: {  	s9 =	sadd.s32 $0x1, s9;
	vm0 =	vlt.s32 v18, v17  }
0x2d0: {  	v19 =	vsel vm0, v18, v17  }
0x2d1: {  	v19 =	vxor.u32 $0x80000000, v19  }
0x2d2: {  	(xrf0) =	vmin.scan.msk.u32 $0xffff, v19;
	_ =	sdelay $0x5  }
0x2d3: {  	v19, _, _ =	vpop (xrf0)  }
0x2d4: {  	(v2sf) =	vpush v19, $0xF;
	_ =	sdelay $0xe  }
0x2d5: {  	s1 =	spop (v2sf)  }
0x2d6: {  	s1 =	sxor.u32 $0x80000000, s1  }
0x2d7: {  	vm13 =	veq.s32 v18, s1;
	vm1 =	veq.s32 v17, s1  }
0x2d8: {  	v17 =	vmctz.xlane vm1;
	v18 =	vmpcnt.ones.xlane vm13  }
0x2d9: {  	v58 =	vmctz.xlane vm13  }
0x2da: {  	vm14 =	vgt.s32 v18, $0x0;
	v17 =	vadd.s32 $0x10, v17  }
0x2db: {  	v17 =	vsel vm14, v58, v17  }
0x2dc: {  	v17 =	vxor.u32 $0x80000000, v17  }
0x2dd: {  	(xrf0) =	vmin.scan.msk.u32 $0xffff, v17;
	_ =	sdelay $0x5  }
0x2de: {  	v17, _, _ =	vpop (xrf0)  }
0x2df: {  	(v2sf) =	vpush v17, $0xF;
	_ =	sdelay $0xe  }
0x2e0: {  	s5 =	spop (v2sf)  }
0x2e1: {  	s5 =	sshll.u32 s5, $0x4  }
0x2e2: {  	v59 =	vld [tilespmem:s5+$0xA980];
	_ =	sdelay $0x4  }
0x2e3: {  	vm15 =	veq.s32 v59, s1  }
0x2e4: {  	v60 =	vmctz.xlane vm15;
	_ =	sdelay $0x1  }
0x2e5: {  	vm0 =	veq.s32 v60, v0  }
0x2e6: {  	v62 =	vmov s7;
	v61 =	vld [tilespmem:s5+$0xAC00];
	_ =	sdelay $0x2  }
0x2e7: {  	v17 =	vsel vm0, $0x7FFFFFFF, v59  }
0x2e8: {  	[tilespmem:s5+$0xA980] =	vst v17  }
0x2e9: {  	[tilespmem:v62+s29+$0x0] =	vst.idx.msk vm0, v61  }
0x2ea: {  	v18 =	vld [tilespmem:$0xAE80];
	_ =	sdelay $0x1  }
0x2eb: {  	v63 =	vmov s23;
	_ =	sdelay $0x4  }
0x2ec: {  	v20 =	vld.idx.msk [tilespmem:v63+s24+$0x0], $0xffff  }
0x2ed: {  	v21 =	vld.idx.msk [tilespmem:v18+s2+$0x0], $0xffff;
	_ =	sdelay $0x4  }
0x2ee: {  	s20 =	simm.s32 $0x6080;
	v21 =	vsub.f32 v21, v20  }
0x2ef: {  	s21 =	simm.s32 $0x6100;
	v22 =	vld.idx.msk [tilespmem:v63+s20+$0x0], $0xffff  }
0x2f0: {  	v19 =	vld.idx.msk [tilespmem:v63+s21+$0x0], $0xffff;
	[tilespmem:v2+s30+$0x0] =	vst.idx.msk $0xffff, v21  }
0x2f1: {  	v21 =	vld.idx.msk [tilespmem:v18+s18+$0x0], $0xffff;
	_ =	sdelay $0x4  }
0x2f2: {  	v21 =	vsub.f32 v21, v22;
	_ =	sdelay $0x1  }
0x2f3: {  	[tilespmem:v6+s30+$0x0] =	vst.idx.msk $0xffff, v21  }
0x2f4: {  	v18 =	vld.idx.msk [tilespmem:v18+s19+$0x0], $0xffff;
	_ =	sdelay $0x4  }
0x2f5: {  	v18 =	vsub.f32 v18, v19;
	_ =	sdelay $0x1  }
0x2f6: {  	[tilespmem:v7+s30+$0x0] =	vst.idx.msk $0xffff, v18  }
0x2f7: {  	v18 =	vld [tilespmem:$0xAE90];
	_ =	sdelay $0x7  }
0x2f8: {  	v21 =	vld.idx.msk [tilespmem:v18+s2+$0x0], $0xffff;
	_ =	sdelay $0x4  }
0x2f9: {  	v21 =	vsub.f32 v21, v20;
	_ =	sdelay $0x1  }
0x2fa: {  	[tilespmem:v8+s30+$0x0] =	vst.idx.msk $0xffff, v21  }
0x2fb: {  	v21 =	vld.idx.msk [tilespmem:v18+s18+$0x0], $0xffff;
	_ =	sdelay $0x4  }
0x2fc: {  	v21 =	vsub.f32 v21, v22;
	_ =	sdelay $0x1  }
0x2fd: {  	[tilespmem:v9+s30+$0x0] =	vst.idx.msk $0xffff, v21  }
0x2fe: {  	v9 =	vld.idx.msk [tilespmem:v18+s19+$0x0], $0xffff;
	_ =	sdelay $0x4  }
0x2ff: {  	v9 =	vsub.f32 v9, v19;
	_ =	sdelay $0x1  }
0x300: {  	[tilespmem:v10+s30+$0x0] =	vst.idx.msk $0xffff, v9  }
0x301: {  	v9 =	vld [tilespmem:$0xAEA0];
	_ =	sdelay $0x7  }
0x302: {  	v10 =	vld.idx.msk [tilespmem:v9+s2+$0x0], $0xffff;
	_ =	sdelay $0x4  }
0x303: {  	v10 =	vsub.f32 v10, v20;
	_ =	sdelay $0x1  }
0x304: {  	[tilespmem:v11+s30+$0x0] =	vst.idx.msk $0xffff, v10  }
0x305: {  	v10 =	vld.idx.msk [tilespmem:v9+s18+$0x0], $0xffff;
	_ =	sdelay $0x4  }
0x306: {  	v10 =	vsub.f32 v10, v22;
	_ =	sdelay $0x1  }
0x307: {  	[tilespmem:v13+s30+$0x0] =	vst.idx.msk $0xffff, v10  }
0x308: {  	v9 =	vld.idx.msk [tilespmem:v9+s19+$0x0], $0xffff;
	_ =	sdelay $0x4  }
0x309: {  	v9 =	vsub.f32 v9, v19;
	_ =	sdelay $0x1  }
0x30a: {  	[tilespmem:v15+s30+$0x0] =	vst.idx.msk $0xffff, v9  }
0x30b: {  	v9 =	vld [tilespmem:$0xAEB0];
	_ =	sdelay $0x7  }
0x30c: {  	v11 =	vld.idx.msk [tilespmem:v9+s2+$0x0], $0xffff;
	_ =	sdelay $0x2  }
0x30d: {  	v10 =	vxor.u32 $0x80000000, v17  }
0x30e: {  	(xrf0) =	vmin.scan.msk.u32 $0xffff, v10  }
0x30f: {  	v10 =	vsub.f32 v11, v20;
	_ =	sdelay $0x1  }
0x310: {  	[tilespmem:v14+s30+$0x0] =	vst.idx.msk $0xffff, v10  }
0x311: {  	v10 =	vld.idx.msk [tilespmem:v9+s18+$0x0], $0xffff;
	_ =	sdelay $0x1  }
0x312: {  	v11, _, _ =	vpop (xrf0)  }
0x313: {  	(v2sf) =	vpush v11, $0xF;
	_ =	sdelay $0x1  }
0x314: {  	v10 =	vsub.f32 v10, v22;
	_ =	sdelay $0x1  }
0x315: {  	[tilespmem:v16+s30+$0x0] =	vst.idx.msk $0xffff, v10  }
0x316: {  	v9 =	vld.idx.msk [tilespmem:v9+s19+$0x0], $0xffff;
	_ =	sdelay $0x2  }
0x317: {  	s22 =	sshll.u32 s23, $0x7  }
0x318: {  	s1 =	sand.u32 $0x380, s22  }
0x319: {  	s1 =	sor.u32 s1, s8;
	v9 =	vsub.f32 v9, v19  }
0x31a: {  	s0 =	sadd.s32 $0x1, s0;
	s1 =	sshrl.u32 s1, $0x3  }
0x31b: {  	p0 =	sne.s32 s0, $0x20;
	s1 =	sadd.s32 s4, s1;
	[tilespmem:v12+s30+$0x0] =	vst.idx.msk $0xffff, v9  }
0x31c: {  	[hbm4b:s1+s15] =	stream.strided.scatter [tilespmem:s30], [sflag:$0x3], $0x100, s16, s15, $0x38;
	[tilespmem:$0xB000] =	vst v63  }
.Ltmp30:
0x31d: {  	_ = 	snop;
	(pc) =	sbr.rel @p0 .LBB2_2-.Ltmp30, $4  }
.Ltmp31:
0x31e: {  	s23 =	spop (v2sf);
	(pc) =	sbr.rel @!p0 .LBB2_57-.Ltmp31, $4  }
0x31f: {  	_ =	swait.ge [sflag:s17], $0x100  }
0x320: {  	[sflag:s17] =	ssyncset.done $0x0  }
0x321: {  	[sflag:s17] =	ssyncadd.s32 $0xFFFFFF00  }
0x322: {  	_ = 	snop  }
.LBB2_13:
.Ltmp32:
0x323: {  	(pc) =	sbr.rel .LBB2_26-.Ltmp32, $2  }
0x324: {  	_ =	sdelay $0x2  }
0x325: {  	v11 =	vimm.s32 $0x7FFFFFFF;
	v12 =	vimm.s32 $0x7FFFFFFF;
	s24 =	simm.s32 $0x0  }
.LBB2_40:
.Ltmp33:
0x326: {  	(pc) =	sbr.rel .LBB2_53-.Ltmp33, $2  }
0x327: {  	_ =	sdelay $0x2  }
0x328: {  	v19 =	vimm.s32 $0x7FFFFFFF;
	v20 =	vimm.s32 $0x7FFFFFFF;
	s9 =	simm.s32 $0x0  }
.LBB2_15:
.Ltmp34:
0x329: {  	(pc) =	sbr.rel .LBB2_26-.Ltmp34, $2  }
0x32a: {  	_ =	sdelay $0x2  }
0x32b: {  	v11 =	vimm.s32 $0x7FFFFFFF;
	v12 =	vimm.s32 $0x7FFFFFFF;
	s21 =	simm.s32 $0x0;
	s24 =	simm.s32 $0x1  }
.LBB2_42:
.Ltmp35:
0x32c: {  	(pc) =	sbr.rel .LBB2_53-.Ltmp35, $2  }
0x32d: {  	_ =	sdelay $0x2  }
0x32e: {  	v19 =	vimm.s32 $0x7FFFFFFF;
	v20 =	vimm.s32 $0x7FFFFFFF;
	s14 =	simm.s32 $0x0;
	s9 =	simm.s32 $0x1  }
.LBB2_17:
.Ltmp36:
0x32f: {  	(pc) =	sbr.rel .LBB2_26-.Ltmp36, $2  }
0x330: {  	_ =	sdelay $0x2  }
0x331: {  	v11 =	vimm.s32 $0x7FFFFFFF;
	v12 =	vimm.s32 $0x7FFFFFFF;
	s21 =	simm.s32 $0x1;
	s24 =	simm.s32 $0x2;
	s14 =	simm.s32 $0x0  }
.LBB2_44:
.Ltmp37:
0x332: {  	(pc) =	sbr.rel .LBB2_53-.Ltmp37, $2  }
0x333: {  	_ =	sdelay $0x2  }
0x334: {  	v19 =	vimm.s32 $0x7FFFFFFF;
	v20 =	vimm.s32 $0x7FFFFFFF;
	s14 =	simm.s32 $0x1;
	s9 =	simm.s32 $0x2;
	s13 =	simm.s32 $0x0  }
.LBB2_19:
.Ltmp38:
0x335: {  	(pc) =	sbr.rel .LBB2_26-.Ltmp38, $3  }
0x336: {  	_ =	sdelay $0x1  }
0x337: {  	s21 =	simm.s32 $0x2  }
0x338: {  	v11 =	vimm.s32 $0x7FFFFFFF;
	v12 =	vimm.s32 $0x7FFFFFFF;
	s24 =	simm.s32 $0x3;
	s20 =	simm.s32 $0x0;
	s14 =	simm.s32 $0x1  }
.LBB2_46:
.Ltmp39:
0x339: {  	(pc) =	sbr.rel .LBB2_53-.Ltmp39, $3  }
0x33a: {  	_ =	sdelay $0x1  }
0x33b: {  	s14 =	simm.s32 $0x2  }
0x33c: {  	v19 =	vimm.s32 $0x7FFFFFFF;
	v20 =	vimm.s32 $0x7FFFFFFF;
	s9 =	simm.s32 $0x3;
	s20 =	simm.s32 $0x0;
	s13 =	simm.s32 $0x1  }
.LBB2_21:
.Ltmp40:
0x33d: {  	(pc) =	sbr.rel .LBB2_26-.Ltmp40, $3  }
0x33e: {  	_ =	sdelay $0x1  }
0x33f: {  	s21 =	simm.s32 $0x3  }
0x340: {  	v11 =	vimm.s32 $0x7FFFFFFF;
	v12 =	vimm.s32 $0x7FFFFFFF;
	s6 =	simm.s32 $0x0;
	s20 =	simm.s32 $0x1;
	s14 =	simm.s32 $0x2  }
.LBB2_48:
.Ltmp41:
0x341: {  	(pc) =	sbr.rel .LBB2_53-.Ltmp41, $3  }
0x342: {  	_ =	sdelay $0x1  }
0x343: {  	s14 =	simm.s32 $0x3  }
0x344: {  	v19 =	vimm.s32 $0x7FFFFFFF;
	v20 =	vimm.s32 $0x7FFFFFFF;
	s6 =	simm.s32 $0x0;
	s20 =	simm.s32 $0x1;
	s13 =	simm.s32 $0x2  }
.LBB2_23:
.Ltmp42:
0x345: {  	(pc) =	sbr.rel .LBB2_26-.Ltmp42, $3  }
0x346: {  	_ =	sdelay $0x1  }
0x347: {  	s21 =	simm.s32 $0x4  }
0x348: {  	v11 =	vimm.s32 $0x7FFFFFFF;
	v12 =	vimm.s32 $0x7FFFFFFF;
	s24 =	simm.s32 $0x5;
	s6 =	simm.s32 $0x1;
	s20 =	simm.s32 $0x2  }
.LBB2_50:
.Ltmp43:
0x349: {  	(pc) =	sbr.rel .LBB2_53-.Ltmp43, $3  }
0x34a: {  	_ =	sdelay $0x1  }
0x34b: {  	s14 =	simm.s32 $0x4  }
0x34c: {  	v19 =	vimm.s32 $0x7FFFFFFF;
	v20 =	vimm.s32 $0x7FFFFFFF;
	s9 =	simm.s32 $0x5;
	s6 =	simm.s32 $0x1;
	s20 =	simm.s32 $0x2  }
.LBB2_58:
0x34d: {  	_ =	sfence.sel $0x180000  }
0x34e: {  	[bflag:$0x0] =	sbarrier.arrive $0xFFFF  }
0x34f: {  	_ =	strace $0x90000047  }
0x350: {  	s0 =	stileid.u32;
	[bflag:$0x2] =	sbarrier.arrive $0xFFFF  }
0x351: {  	p0 =	sne.s32 s0, $0x0;
	s0 =	rddreg [dreg:$0x3]  }
0x352: {  	s0 =	sadd.s32 @!p0 $0x100000, s0  }
0x353: {  	[sflag:s0] =	ssyncadd.tile.s32 @!p0 $0x1;
	_ =	shalt  }
.Lfunc_end2:
_tile_overlayer_lowered:
.L_overlay_start_2:
0x354: {  	(tag) =	ssettag $0x2  }
0x355: {  	s0 =	rddreg [dreg:$0x0];
	s2 =	stileid.u32  }
0x356: {  	s1 =	rddreg [dreg:$0x1];
	p0 =	sne.s32 s2, $0x0  }
0x357: {  	s3 =	rddreg [dreg:$0x2];
	[bflag:$0x3] =	sbarrier.arrive $0xFFFF;
	s2 =	simm.s32 @!p0 $0x1C04  }
0x358: {  	[timem:s3], [sflag:s2] =	dma.local @!p0 [hbm:s0], s1  }
0x359: {  	s0 =	simm.s32 @!p0 $0x4  }
0x35a: {  	_ =	swait.ge @!p0 [sflag:s0], s1  }
0x35b: {  	s1 =	ssub.s32 @!p0 $0x0, s1;
	[sflag:s0] =	ssyncset.done @!p0 $0x0  }
0x35c: {  	[sflag:s0] =	ssyncadd.s32 @!p0 s1  }
0x35d: {  	[bflag:$0x3] =	sbarrier.arrive $0xFFFF  }
0x35e: {  	_ =	shalt  }

</sc_bundles>
